<compile_context>
chip_gen: v7x
topology: tpu7x:2x2x1
jax: 0.10.2.dev20260603
libtpu: 0.0.44.dev20260713+nightly
codegen_flags: <defaults>
</compile_context>

<pallas_src>
import functools

import jax
import jax.numpy as jnp
from jax import lax
from jax.experimental import pallas as pl
from jax.experimental.pallas import tpu as pltpu
from jax.experimental.pallas import tpu_sc as plsc

B, T, V = 1024, 50, 1000
N = B * T
NC, NS = 2, 16
NW = NC * NS
NL = 16
PER_W = N // NW
C = 32
NCH = PER_W // C
VV = V * V
NOUT = 8
CHUNK_OUT = VV // NOUT
HR = 13
HW = 128


RB = 2048
VP = 1024


def _relayout_body(flat_ref, out_ref):
    out_ref[...] = flat_ref[...].reshape(RB, VP).T[:V, :]


def _loss_body(emb_ref, c2_ref, out_ref):
    x = emb_ref[...]
    m = jnp.max(x, axis=1, keepdims=True)
    lse = m + jnp.log(jnp.sum(jnp.exp(x - m), axis=1, keepdims=True))
    w = c2_ref[0:V, :] + c2_ref[V:2 * V, :]
    out_ref[...] = (jnp.sum(w * (lse - x)) / N).reshape(1, 1)


def _sc_body(emb_hbm, idx_hbm, tgt_hbm, zeros_hbm,
             logits_hbm, c2_hbm,
             rows0, rows1, idx_all, tgt_all, idxv0, idxv1, fidx_v, ones_v,
             shared, gsem0, gsem1, osem0, osem1):
    cid = lax.axis_index("c")
    sid = lax.axis_index("s")
    wid = sid * NC + cid
    wbase = wid * PER_W

    @pl.when(sid == 0)
    def _():
        pltpu.sync_copy(zeros_hbm, shared)

    pltpu.sync_copy(idx_hbm.at[pl.ds(wbase, PER_W)], idx_all)
    pltpu.sync_copy(tgt_hbm.at[pl.ds(wbase, PER_W)], tgt_all)

    for k in range(HW // NL):
        ones_v[pl.ds(k * NL, NL)] = jnp.full((NL,), 1.0, jnp.float32)

    plsc.subcore_barrier()

    for j in range(HR):
        for k in range(HW // NL):
            flat = j * HW + k * NL
            sl = pl.ds(k * NL, NL)
            if flat + NL <= PER_W:
                fidx_v[sl] = (idx_all[pl.ds(flat, NL)] * V
                              + tgt_all[pl.ds(flat, NL)])
            else:
                fidx_v[sl] = jnp.full((NL,), 0, jnp.int32)
                ones_v[sl] = jnp.full((NL,), 0.0, jnp.float32)
        pltpu.sync_copy(ones_v, shared.at[fidx_v], add=True)

    rows = (rows0, rows1)
    idxv = (idxv0, idxv1)
    gsems = (gsem0, gsem1)
    osems = (osem0, osem1)

    def fill_fire(b, ci):
        for k in range(C // NL):
            sl = pl.ds(k * NL, NL)
            idxv[b][sl] = idx_all[pl.ds(ci * C + k * NL, NL)]
        pltpu.async_copy(emb_hbm.at[idxv[b]], rows[b], gsems[b])

    def gwait(b):
        pltpu.make_async_copy(emb_hbm.at[idxv[b]], rows[b], gsems[b]).wait()

    def out_fire(b, ci):
        def row_copy(r, carry):
            pltpu.async_copy(
                rows[b].at[r],
                logits_hbm.at[pl.ds((wbase + ci * C + r) * VP, V)],
                osems[b])
            return carry

        lax.fori_loop(0, C, row_copy, None)

    def owait(b, ci):
        pltpu.make_async_copy(emb_hbm.at[idxv[b]], rows[b], osems[b]).wait()

    fill_fire(0, 0)
    fill_fire(1, 1)

    def pair_body(i, carry):
        gwait(0)
        out_fire(0, i)
        gwait(1)
        out_fire(1, i + 1)

        @pl.when(i + 2 < NCH)
        def _():
            owait(0, i)
            fill_fire(0, i + 2)

        @pl.when(i + 3 < NCH)
        def _():
            owait(1, i + 1)
            fill_fire(1, i + 3)

        return carry

    lax.fori_loop(0, NCH // 2, lambda k, c: pair_body(k * 2, c), None)

    owait(0, NCH - 2)
    owait(1, NCH - 1)

    plsc.subcore_barrier()

    @pl.when(sid < NOUT)
    def _():
        pltpu.sync_copy(shared.at[pl.ds(sid * CHUNK_OUT, CHUNK_OUT)],
                        c2_hbm.at[cid, pl.ds(sid * CHUNK_OUT, CHUNK_OUT)])


def kernel(idx, targets, emb):
    mesh = plsc.VectorSubcoreMesh(core_axis_name="c", subcore_axis_name="s")
    sc = functools.partial(
        pl.kernel,
        mesh=mesh,
        compiler_params=pltpu.CompilerParams(use_tc_tiling_on_sc=False),
        out_type=(
            jax.ShapeDtypeStruct((N * VP,), jnp.float32),
            jax.ShapeDtypeStruct((NC, VV), jnp.float32),
        ),
        scratch_types=[
            pltpu.VMEM((C, V), jnp.float32),
            pltpu.VMEM((C, V), jnp.float32),
            pltpu.VMEM((PER_W,), jnp.int32),
            pltpu.VMEM((PER_W,), jnp.int32),
            pltpu.VMEM((C,), jnp.int32),
            pltpu.VMEM((C,), jnp.int32),
            pltpu.VMEM((HW,), jnp.int32),
            pltpu.VMEM((HW,), jnp.float32),
            pltpu.VMEM_SHARED((VV,), jnp.float32),
            pltpu.SemaphoreType.DMA,
            pltpu.SemaphoreType.DMA,
            pltpu.SemaphoreType.DMA,
            pltpu.SemaphoreType.DMA,
        ],
    )(_sc_body)
    zeros = jnp.zeros((VV,), jnp.float32)
    logits_flat, c2 = sc(emb, idx.reshape(-1), targets.reshape(-1), zeros)

    logits_t = pl.pallas_call(
        _relayout_body,
        grid=(N // RB,),
        in_specs=[pl.BlockSpec((RB * VP,), lambda i: (i,))],
        out_specs=pl.BlockSpec((V, RB), lambda i: (0, i)),
        out_shape=jax.ShapeDtypeStruct((V, N), jnp.float32),
    )(logits_flat)
    logits2 = logits_t.T

    loss2 = pl.pallas_call(
        _loss_body,
        out_shape=jax.ShapeDtypeStruct((1, 1), jnp.float32),
    )(emb, c2.reshape(NC * V, V))
    return (logits2, loss2[0, 0])

# --- scband reference (transcript-rebuilt; emitter-appended) ---
"""Pipeline reference for scband-bigram-5351529251289 (READ-ONLY COPY).

The authoritative reference and input builder live on the scoring server;
editing this copy changes nothing except your own understanding.
"""

import jax, jax.numpy as jnp
import numpy as np

B, T, V = 1024, 50, 1000

def setup_inputs(seed: int = 0) -> dict:
    key = jax.random.key(seed)
    k1, k2, k3 = jax.random.split(key, 3)
    idx = jax.random.randint(k1, (B, T), 0, V).astype(jnp.int32)
    targets = jax.random.randint(k2, (B, T), 0, V).astype(jnp.int32)
    emb = (jax.random.normal(k3, (V, V), dtype=jnp.float32) * 0.02)
    return {"idx": idx, "targets": targets, "emb": emb}

def reference(idx, targets, emb):
    # nn.Embedding lookup: logits[b,t,:] = emb[idx[b,t], :]
    logits = jnp.take(emb, idx, axis=0)  # [B, T, V]
    b, t, c = logits.shape
    logits2 = logits.reshape(b * t, c)
    tgt = targets.reshape(-1)
    # F.cross_entropy: mean NLL over all B*T positions
    logp = jax.nn.log_softmax(logits2, axis=-1)
    nll = -jnp.take_along_axis(logp, tgt[:, None], axis=1)[:, 0]
    loss = jnp.mean(nll)
    return (logits2, loss)

if __name__ == "__main__":
    import jax
    _d = setup_inputs()
    print(jax.jit(kernel)(*tuple(_d.values())))

</pallas_src>

<mosaic_0001>
#map = affine_map<(d0, d1) -> (0, 0)>
#map1 = affine_map<(d0, d1) -> (0)>
module attributes {stable_mosaic.version = 14 : i64} {
  func.func @_sc_body(%arg0: i32, %arg1: i32, %arg2: memref<1000x1000xf32, #tpu.memory_space<hbm>>, %arg3: memref<51200xi32, #tpu.memory_space<hbm>>, %arg4: memref<51200xi32, #tpu.memory_space<hbm>>, %arg5: memref<1000000xf32, #tpu.memory_space<hbm>>, %arg6: memref<52428800xf32, #tpu.memory_space<hbm>>, %arg7: memref<2x1000000xf32, #tpu.memory_space<hbm>>, %arg8: memref<32x1000xf32, #tpu.memory_space<vmem>>, %arg9: memref<32x1000xf32, #tpu.memory_space<vmem>>, %arg10: memref<1600xi32, #tpu.memory_space<vmem>>, %arg11: memref<1600xi32, #tpu.memory_space<vmem>>, %arg12: memref<32xi32, #tpu.memory_space<vmem>>, %arg13: memref<32xi32, #tpu.memory_space<vmem>>, %arg14: memref<128xi32, #tpu.memory_space<vmem>>, %arg15: memref<128xf32, #tpu.memory_space<vmem>>, %arg16: memref<1000000xf32, #tpu.memory_space<vmem_shared>>, %arg17: memref<!tpu.dma_semaphore, #tpu.memory_space<semaphore_mem>>, %arg18: memref<!tpu.dma_semaphore, #tpu.memory_space<semaphore_mem>>, %arg19: memref<!tpu.dma_semaphore, #tpu.memory_space<semaphore_mem>>, %arg20: memref<!tpu.dma_semaphore, #tpu.memory_space<semaphore_mem>>) attributes {dimension_semantics = [#tpu.dimension_semantics<core_parallel>, #tpu.dimension_semantics<subcore_parallel>], iteration_bounds = array<i64: 2, 16>, scalar_prefetch = 0 : i64, scratch_operands = 13 : i64, tpu.core_type = #tpu.core_type<sc_vector_subcore>, window_params = [{transform_indices = #map}, {transform_indices = #map1}, {transform_indices = #map1}, {transform_indices = #map1}, {transform_indices = #map1}, {transform_indices = #map}]} {
    %mul3A = arith.constant 2 : i32
    %mul3A_0 = arith.muli %arg1, %mul3A : i32
    %add3A = arith.addi %mul3A_0, %arg0 : i32
    %mul3A_1 = arith.constant 1600 : i32
    %mul3A_2 = arith.muli %add3A, %mul3A_1 : i32
    %eq3A = arith.constant 0 : i32
    %eq3A_3 = arith.cmpi eq, %arg1, %eq3A : i32
    %convert_element_type3A = arith.extui %eq3A_3 : i1 to i32
    %cond3A = arith.constant 0 : i32
    %cond3A_4 = arith.cmpi ne, %convert_element_type3A, %cond3A : i32
    scf.if %cond3A_4 {
      "tpu.region"() ({
        %run_scoped3A = tpu.sem_alloc : memref<!tpu.dma_semaphore, #tpu.memory_space<semaphore_mem>>
        tpu.enqueue_dma source(%arg5 : memref<1000000xf32, #tpu.memory_space<hbm>>) target(%arg16 : memref<1000000xf32, #tpu.memory_space<vmem_shared>>) target_semaphore(%run_scoped3A : memref<!tpu.dma_semaphore, #tpu.memory_space<semaphore_mem>>)
        tpu.wait_dma2 semaphore(%run_scoped3A : memref<!tpu.dma_semaphore, #tpu.memory_space<semaphore_mem>>) src(%arg5 : memref<1000000xf32, #tpu.memory_space<hbm>>) dst(%arg16 : memref<1000000xf32, #tpu.memory_space<vmem_shared>>)
        tpu.yield
      }) : () -> ()
    } else {
    }
    "tpu.region"() ({
      %run_scoped3A = tpu.sem_alloc : memref<!tpu.dma_semaphore, #tpu.memory_space<semaphore_mem>>
      %dma_start3A_1545 = tpu.memref_slice %arg3[%mul3A_2] : memref<51200xi32, #tpu.memory_space<hbm>> -> memref<1600xi32, #tpu.memory_space<hbm>>
      %dma_start3A_1546 = tpu.memref_slice %arg3[%mul3A_2] : memref<51200xi32, #tpu.memory_space<hbm>> -> memref<1600xi32, #tpu.memory_space<hbm>>
      tpu.enqueue_dma source(%dma_start3A_1546 : memref<1600xi32, #tpu.memory_space<hbm>>) target(%arg10 : memref<1600xi32, #tpu.memory_space<vmem>>) target_semaphore(%run_scoped3A : memref<!tpu.dma_semaphore, #tpu.memory_space<semaphore_mem>>)
      %dma_wait3A_1547 = tpu.memref_slice %arg3[%mul3A_2] : memref<51200xi32, #tpu.memory_space<hbm>> -> memref<1600xi32, #tpu.memory_space<hbm>>
      %dma_wait3A_1548 = tpu.memref_slice %arg3[%mul3A_2] : memref<51200xi32, #tpu.memory_space<hbm>> -> memref<1600xi32, #tpu.memory_space<hbm>>
      tpu.wait_dma2 semaphore(%run_scoped3A : memref<!tpu.dma_semaphore, #tpu.memory_space<semaphore_mem>>) src(%dma_wait3A_1548 : memref<1600xi32, #tpu.memory_space<hbm>>) dst(%arg10 : memref<1600xi32, #tpu.memory_space<vmem>>)
      tpu.yield
    }) : () -> ()
    "tpu.region"() ({
      %run_scoped3A = tpu.sem_alloc : memref<!tpu.dma_semaphore, #tpu.memory_space<semaphore_mem>>
      %dma_start3A_1545 = tpu.memref_slice %arg4[%mul3A_2] : memref<51200xi32, #tpu.memory_space<hbm>> -> memref<1600xi32, #tpu.memory_space<hbm>>
      %dma_start3A_1546 = tpu.memref_slice %arg4[%mul3A_2] : memref<51200xi32, #tpu.memory_space<hbm>> -> memref<1600xi32, #tpu.memory_space<hbm>>
      tpu.enqueue_dma source(%dma_start3A_1546 : memref<1600xi32, #tpu.memory_space<hbm>>) target(%arg11 : memref<1600xi32, #tpu.memory_space<vmem>>) target_semaphore(%run_scoped3A : memref<!tpu.dma_semaphore, #tpu.memory_space<semaphore_mem>>)
      %dma_wait3A_1547 = tpu.memref_slice %arg4[%mul3A_2] : memref<51200xi32, #tpu.memory_space<hbm>> -> memref<1600xi32, #tpu.memory_space<hbm>>
      %dma_wait3A_1548 = tpu.memref_slice %arg4[%mul3A_2] : memref<51200xi32, #tpu.memory_space<hbm>> -> memref<1600xi32, #tpu.memory_space<hbm>>
      tpu.wait_dma2 semaphore(%run_scoped3A : memref<!tpu.dma_semaphore, #tpu.memory_space<semaphore_mem>>) src(%dma_wait3A_1548 : memref<1600xi32, #tpu.memory_space<hbm>>) dst(%arg11 : memref<1600xi32, #tpu.memory_space<vmem>>)
      tpu.yield
    }) : () -> ()
    %broadcast_in_dim3A = arith.constant 1.000000e+00 : f32
    %broadcast_in_dim3A_5 = vector.broadcast %broadcast_in_dim3A : f32 to vector<16xf32>
    %swap3A = arith.constant 0 : index
    %swap3A_6 = tpu.vector_load %arg15[%swap3A] {strides = array<i32>} : memref<128xf32, #tpu.memory_space<vmem>>, vector<16xf32>,
    %swap3A_7 = vector.shape_cast %swap3A_6 : vector<16xf32> to vector<16xf32>
    %swap3A_8 = vector.shape_cast %broadcast_in_dim3A_5 : vector<16xf32> to vector<16xf32>
    tpu.vector_store %arg15[%swap3A], %swap3A_8 {strides = array<i32>} : memref<128xf32, #tpu.memory_space<vmem>>, vector<16xf32>,
    %broadcast_in_dim3A_9 = arith.constant 1.000000e+00 : f32
    %broadcast_in_dim3A_10 = vector.broadcast %broadcast_in_dim3A_9 : f32 to vector<16xf32>
    %swap3A_11 = arith.constant 16 : index
    %swap3A_12 = tpu.vector_load %arg15[%swap3A_11] {strides = array<i32>} : memref<128xf32, #tpu.memory_space<vmem>>, vector<16xf32>,
    %swap3A_13 = vector.shape_cast %swap3A_12 : vector<16xf32> to vector<16xf32>
    %swap3A_14 = vector.shape_cast %broadcast_in_dim3A_10 : vector<16xf32> to vector<16xf32>
    tpu.vector_store %arg15[%swap3A_11], %swap3A_14 {strides = array<i32>} : memref<128xf32, #tpu.memory_space<vmem>>, vector<16xf32>,
    %broadcast_in_dim3A_15 = arith.constant 1.000000e+00 : f32
    %broadcast_in_dim3A_16 = vector.broadcast %broadcast_in_dim3A_15 : f32 to vector<16xf32>
    %swap3A_17 = arith.constant 32 : index
    %swap3A_18 = tpu.vector_load %arg15[%swap3A_17] {strides = array<i32>} : memref<128xf32, #tpu.memory_space<vmem>>, vector<16xf32>,
    %swap3A_19 = vector.shape_cast %swap3A_18 : vector<16xf32> to vector<16xf32>
    %swap3A_20 = vector.shape_cast %broadcast_in_dim3A_16 : vector<16xf32> to vector<16xf32>
    tpu.vector_store %arg15[%swap3A_17], %swap3A_20 {strides = array<i32>} : memref<128xf32, #tpu.memory_space<vmem>>, vector<16xf32>,
    %broadcast_in_dim3A_21 = arith.constant 1.000000e+00 : f32
    %broadcast_in_dim3A_22 = vector.broadcast %broadcast_in_dim3A_21 : f32 to vector<16xf32>
    %swap3A_23 = arith.constant 48 : index
    %swap3A_24 = tpu.vector_load %arg15[%swap3A_23] {strides = array<i32>} : memref<128xf32, #tpu.memory_space<vmem>>, vector<16xf32>,
    %swap3A_25 = vector.shape_cast %swap3A_24 : vector<16xf32> to vector<16xf32>
    %swap3A_26 = vector.shape_cast %broadcast_in_dim3A_22 : vector<16xf32> to vector<16xf32>
    tpu.vector_store %arg15[%swap3A_23], %swap3A_26 {strides = array<i32>} : memref<128xf32, #tpu.memory_space<vmem>>, vector<16xf32>,
    %broadcast_in_dim3A_27 = arith.constant 1.000000e+00 : f32
    %broadcast_in_dim3A_28 = vector.broadcast %broadcast_in_dim3A_27 : f32 to vector<16xf32>
    %swap3A_29 = arith.constant 64 : index
    %swap3A_30 = tpu.vector_load %arg15[%swap3A_29] {strides = array<i32>} : memref<128xf32, #tpu.memory_space<vmem>>, vector<16xf32>,
    %swap3A_31 = vector.shape_cast %swap3A_30 : vector<16xf32> to vector<16xf32>
    %swap3A_32 = vector.shape_cast %broadcast_in_dim3A_28 : vector<16xf32> to vector<16xf32>
    tpu.vector_store %arg15[%swap3A_29], %swap3A_32 {strides = array<i32>} : memref<128xf32, #tpu.memory_space<vmem>>, vector<16xf32>,
    %broadcast_in_dim3A_33 = arith.constant 1.000000e+00 : f32
    %broadcast_in_dim3A_34 = vector.broadcast %broadcast_in_dim3A_33 : f32 to vector<16xf32>
    %swap3A_35 = arith.constant 80 : index
    %swap3A_36 = tpu.vector_load %arg15[%swap3A_35] {strides = array<i32>} : memref<128xf32, #tpu.memory_space<vmem>>, vector<16xf32>,
    %swap3A_37 = vector.shape_cast %swap3A_36 : vector<16xf32> to vector<16xf32>
    %swap3A_38 = vector.shape_cast %broadcast_in_dim3A_34 : vector<16xf32> to vector<16xf32>
    tpu.vector_store %arg15[%swap3A_35], %swap3A_38 {strides = array<i32>} : memref<128xf32, #tpu.memory_space<vmem>>, vector<16xf32>,
    %broadcast_in_dim3A_39 = arith.constant 1.000000e+00 : f32
    %broadcast_in_dim3A_40 = vector.broadcast %broadcast_in_dim3A_39 : f32 to vector<16xf32>
    %swap3A_41 = arith.constant 96 : index
    %swap3A_42 = tpu.vector_load %arg15[%swap3A_41] {strides = array<i32>} : memref<128xf32, #tpu.memory_space<vmem>>, vector<16xf32>,
    %swap3A_43 = vector.shape_cast %swap3A_42 : vector<16xf32> to vector<16xf32>
    %swap3A_44 = vector.shape_cast %broadcast_in_dim3A_40 : vector<16xf32> to vector<16xf32>
    tpu.vector_store %arg15[%swap3A_41], %swap3A_44 {strides = array<i32>} : memref<128xf32, #tpu.memory_space<vmem>>, vector<16xf32>,
    %broadcast_in_dim3A_45 = arith.constant 1.000000e+00 : f32
    %broadcast_in_dim3A_46 = vector.broadcast %broadcast_in_dim3A_45 : f32 to vector<16xf32>
    %swap3A_47 = arith.constant 112 : index
    %swap3A_48 = tpu.vector_load %arg15[%swap3A_47] {strides = array<i32>} : memref<128xf32, #tpu.memory_space<vmem>>, vector<16xf32>,
    %swap3A_49 = vector.shape_cast %swap3A_48 : vector<16xf32> to vector<16xf32>
    %swap3A_50 = vector.shape_cast %broadcast_in_dim3A_46 : vector<16xf32> to vector<16xf32>
    tpu.vector_store %arg15[%swap3A_47], %swap3A_50 {strides = array<i32>} : memref<128xf32, #tpu.memory_space<vmem>>, vector<16xf32>,
    %barrier3A = arith.constant 0 : index
    tpu.barrier barrier_id(%barrier3A)
    %get3A = arith.constant 0 : index
    %get3A_51 = tpu.vector_load %arg10[%get3A] {strides = array<i32>} : memref<1600xi32, #tpu.memory_space<vmem>>, vector<16xi32>,
    %get3A_52 = vector.shape_cast %get3A_51 : vector<16xi32> to vector<16xi32>
    %mul3A_53 = arith.constant 1000 : i32
    %mul3A_54 = vector.broadcast %mul3A_53 : i32 to vector<16xi32>
    %mul3A_55 = arith.muli %get3A_52, %mul3A_54 : vector<16xi32>
    %get3A_56 = arith.constant 0 : index
    %get3A_57 = tpu.vector_load %arg11[%get3A_56] {strides = array<i32>} : memref<1600xi32, #tpu.memory_space<vmem>>, vector<16xi32>,
    %get3A_58 = vector.shape_cast %get3A_57 : vector<16xi32> to vector<16xi32>
    %add3A_59 = arith.addi %mul3A_55, %get3A_58 : vector<16xi32>
    %swap3A_60 = arith.constant 0 : index
    %swap3A_61 = tpu.vector_load %arg14[%swap3A_60] {strides = array<i32>} : memref<128xi32, #tpu.memory_space<vmem>>, vector<16xi32>,
    %swap3A_62 = vector.shape_cast %swap3A_61 : vector<16xi32> to vector<16xi32>
    %swap3A_63 = vector.shape_cast %add3A_59 : vector<16xi32> to vector<16xi32>
    tpu.vector_store %arg14[%swap3A_60], %swap3A_63 {strides = array<i32>} : memref<128xi32, #tpu.memory_space<vmem>>, vector<16xi32>,
    %get3A_64 = arith.constant 16 : index
    %get3A_65 = tpu.vector_load %arg10[%get3A_64] {strides = array<i32>} : memref<1600xi32, #tpu.memory_space<vmem>>, vector<16xi32>,
    %get3A_66 = vector.shape_cast %get3A_65 : vector<16xi32> to vector<16xi32>
    %mul3A_67 = arith.constant 1000 : i32
    %mul3A_68 = vector.broadcast %mul3A_67 : i32 to vector<16xi32>
    %mul3A_69 = arith.muli %get3A_66, %mul3A_68 : vector<16xi32>
    %get3A_70 = arith.constant 16 : index
    %get3A_71 = tpu.vector_load %arg11[%get3A_70] {strides = array<i32>} : memref<1600xi32, #tpu.memory_space<vmem>>, vector<16xi32>,
    %get3A_72 = vector.shape_cast %get3A_71 : vector<16xi32> to vector<16xi32>
    %add3A_73 = arith.addi %mul3A_69, %get3A_72 : vector<16xi32>
    %swap3A_74 = arith.constant 16 : index
    %swap3A_75 = tpu.vector_load %arg14[%swap3A_74] {strides = array<i32>} : memref<128xi32, #tpu.memory_space<vmem>>, vector<16xi32>,
    %swap3A_76 = vector.shape_cast %swap3A_75 : vector<16xi32> to vector<16xi32>
    %swap3A_77 = vector.shape_cast %add3A_73 : vector<16xi32> to vector<16xi32>
    tpu.vector_store %arg14[%swap3A_74], %swap3A_77 {strides = array<i32>} : memref<128xi32, #tpu.memory_space<vmem>>, vector<16xi32>,
    %get3A_78 = arith.constant 32 : index
    %get3A_79 = tpu.vector_load %arg10[%get3A_78] {strides = array<i32>} : memref<1600xi32, #tpu.memory_space<vmem>>, vector<16xi32>,
    %get3A_80 = vector.shape_cast %get3A_79 : vector<16xi32> to vector<16xi32>
    %mul3A_81 = arith.constant 1000 : i32
    %mul3A_82 = vector.broadcast %mul3A_81 : i32 to vector<16xi32>
    %mul3A_83 = arith.muli %get3A_80, %mul3A_82 : vector<16xi32>
    %get3A_84 = arith.constant 32 : index
    %get3A_85 = tpu.vector_load %arg11[%get3A_84] {strides = array<i32>} : memref<1600xi32, #tpu.memory_space<vmem>>, vector<16xi32>,
    %get3A_86 = vector.shape_cast %get3A_85 : vector<16xi32> to vector<16xi32>
    %add3A_87 = arith.addi %mul3A_83, %get3A_86 : vector<16xi32>
    %swap3A_88 = arith.constant 32 : index
    %swap3A_89 = tpu.vector_load %arg14[%swap3A_88] {strides = array<i32>} : memref<128xi32, #tpu.memory_space<vmem>>, vector<16xi32>,
    %swap3A_90 = vector.shape_cast %swap3A_89 : vector<16xi32> to vector<16xi32>
    %swap3A_91 = vector.shape_cast %add3A_87 : vector<16xi32> to vector<16xi32>
    tpu.vector_store %arg14[%swap3A_88], %swap3A_91 {strides = array<i32>} : memref<128xi32, #tpu.memory_space<vmem>>, vector<16xi32>,
    %get3A_92 = arith.constant 48 : index
    %get3A_93 = tpu.vector_load %arg10[%get3A_92] {strides = array<i32>} : memref<1600xi32, #tpu.memory_space<vmem>>, vector<16xi32>,
    %get3A_94 = vector.shape_cast %get3A_93 : vector<16xi32> to vector<16xi32>
    %mul3A_95 = arith.constant 1000 : i32
    %mul3A_96 = vector.broadcast %mul3A_95 : i32 to vector<16xi32>
    %mul3A_97 = arith.muli %get3A_94, %mul3A_96 : vector<16xi32>
    %get3A_98 = arith.constant 48 : index
    %get3A_99 = tpu.vector_load %arg11[%get3A_98] {strides = array<i32>} : memref<1600xi32, #tpu.memory_space<vmem>>, vector<16xi32>,
    %get3A_100 = vector.shape_cast %get3A_99 : vector<16xi32> to vector<16xi32>
    %add3A_101 = arith.addi %mul3A_97, %get3A_100 : vector<16xi32>
    %swap3A_102 = arith.constant 48 : index
    %swap3A_103 = tpu.vector_load %arg14[%swap3A_102] {strides = array<i32>} : memref<128xi32, #tpu.memory_space<vmem>>, vector<16xi32>,
    %swap3A_104 = vector.shape_cast %swap3A_103 : vector<16xi32> to vector<16xi32>
    %swap3A_105 = vector.shape_cast %add3A_101 : vector<16xi32> to vector<16xi32>
    tpu.vector_store %arg14[%swap3A_102], %swap3A_105 {strides = array<i32>} : memref<128xi32, #tpu.memory_space<vmem>>, vector<16xi32>,
    %get3A_106 = arith.constant 64 : index
    %get3A_107 = tpu.vector_load %arg10[%get3A_106] {strides = array<i32>} : memref<1600xi32, #tpu.memory_space<vmem>>, vector<16xi32>,
    %get3A_108 = vector.shape_cast %get3A_107 : vector<16xi32> to vector<16xi32>
    %mul3A_109 = arith.constant 1000 : i32
    %mul3A_110 = vector.broadcast %mul3A_109 : i32 to vector<16xi32>
    %mul3A_111 = arith.muli %get3A_108, %mul3A_110 : vector<16xi32>
    %get3A_112 = arith.constant 64 : index
    %get3A_113 = tpu.vector_load %arg11[%get3A_112] {strides = array<i32>} : memref<1600xi32, #tpu.memory_space<vmem>>, vector<16xi32>,
    %get3A_114 = vector.shape_cast %get3A_113 : vector<16xi32> to vector<16xi32>
    %add3A_115 = arith.addi %mul3A_111, %get3A_114 : vector<16xi32>
    %swap3A_116 = arith.constant 64 : index
    %swap3A_117 = tpu.vector_load %arg14[%swap3A_116] {strides = array<i32>} : memref<128xi32, #tpu.memory_space<vmem>>, vector<16xi32>,
    %swap3A_118 = vector.shape_cast %swap3A_117 : vector<16xi32> to vector<16xi32>
    %swap3A_119 = vector.shape_cast %add3A_115 : vector<16xi32> to vector<16xi32>
    tpu.vector_store %arg14[%swap3A_116], %swap3A_119 {strides = array<i32>} : memref<128xi32, #tpu.memory_space<vmem>>, vector<16xi32>,
    %get3A_120 = arith.constant 80 : index
    %get3A_121 = tpu.vector_load %arg10[%get3A_120] {strides = array<i32>} : memref<1600xi32, #tpu.memory_space<vmem>>, vector<16xi32>,
    %get3A_122 = vector.shape_cast %get3A_121 : vector<16xi32> to vector<16xi32>
    %mul3A_123 = arith.constant 1000 : i32
    %mul3A_124 = vector.broadcast %mul3A_123 : i32 to vector<16xi32>
    %mul3A_125 = arith.muli %get3A_122, %mul3A_124 : vector<16xi32>
    %get3A_126 = arith.constant 80 : index
    %get3A_127 = tpu.vector_load %arg11[%get3A_126] {strides = array<i32>} : memref<1600xi32, #tpu.memory_space<vmem>>, vector<16xi32>,
    %get3A_128 = vector.shape_cast %get3A_127 : vector<16xi32> to vector<16xi32>
    %add3A_129 = arith.addi %mul3A_125, %get3A_128 : vector<16xi32>
    %swap3A_130 = arith.constant 80 : index
    %swap3A_131 = tpu.vector_load %arg14[%swap3A_130] {strides = array<i32>} : memref<128xi32, #tpu.memory_space<vmem>>, vector<16xi32>,
    %swap3A_132 = vector.shape_cast %swap3A_131 : vector<16xi32> to vector<16xi32>
    %swap3A_133 = vector.shape_cast %add3A_129 : vector<16xi32> to vector<16xi32>
    tpu.vector_store %arg14[%swap3A_130], %swap3A_133 {strides = array<i32>} : memref<128xi32, #tpu.memory_space<vmem>>, vector<16xi32>,
    %get3A_134 = arith.constant 96 : index
    %get3A_135 = tpu.vector_load %arg10[%get3A_134] {strides = array<i32>} : memref<1600xi32, #tpu.memory_space<vmem>>, vector<16xi32>,
    %get3A_136 = vector.shape_cast %get3A_135 : vector<16xi32> to vector<16xi32>
    %mul3A_137 = arith.constant 1000 : i32
    %mul3A_138 = vector.broadcast %mul3A_137 : i32 to vector<16xi32>
    %mul3A_139 = arith.muli %get3A_136, %mul3A_138 : vector<16xi32>
    %get3A_140 = arith.constant 96 : index
    %get3A_141 = tpu.vector_load %arg11[%get3A_140] {strides = array<i32>} : memref<1600xi32, #tpu.memory_space<vmem>>, vector<16xi32>,
    %get3A_142 = vector.shape_cast %get3A_141 : vector<16xi32> to vector<16xi32>
    %add3A_143 = arith.addi %mul3A_139, %get3A_142 : vector<16xi32>
    %swap3A_144 = arith.constant 96 : index
    %swap3A_145 = tpu.vector_load %arg14[%swap3A_144] {strides = array<i32>} : memref<128xi32, #tpu.memory_space<vmem>>, vector<16xi32>,
    %swap3A_146 = vector.shape_cast %swap3A_145 : vector<16xi32> to vector<16xi32>
    %swap3A_147 = vector.shape_cast %add3A_143 : vector<16xi32> to vector<16xi32>
    tpu.vector_store %arg14[%swap3A_144], %swap3A_147 {strides = array<i32>} : memref<128xi32, #tpu.memory_space<vmem>>, vector<16xi32>,
    %get3A_148 = arith.constant 112 : index
    %get3A_149 = tpu.vector_load %arg10[%get3A_148] {strides = array<i32>} : memref<1600xi32, #tpu.memory_space<vmem>>, vector<16xi32>,
    %get3A_150 = vector.shape_cast %get3A_149 : vector<16xi32> to vector<16xi32>
    %mul3A_151 = arith.constant 1000 : i32
    %mul3A_152 = vector.broadcast %mul3A_151 : i32 to vector<16xi32>
    %mul3A_153 = arith.muli %get3A_150, %mul3A_152 : vector<16xi32>
    %get3A_154 = arith.constant 112 : index
    %get3A_155 = tpu.vector_load %arg11[%get3A_154] {strides = array<i32>} : memref<1600xi32, #tpu.memory_space<vmem>>, vector<16xi32>,
    %get3A_156 = vector.shape_cast %get3A_155 : vector<16xi32> to vector<16xi32>
    %add3A_157 = arith.addi %mul3A_153, %get3A_156 : vector<16xi32>
    %swap3A_158 = arith.constant 112 : index
    %swap3A_159 = tpu.vector_load %arg14[%swap3A_158] {strides = array<i32>} : memref<128xi32, #tpu.memory_space<vmem>>, vector<16xi32>,
    %swap3A_160 = vector.shape_cast %swap3A_159 : vector<16xi32> to vector<16xi32>
    %swap3A_161 = vector.shape_cast %add3A_157 : vector<16xi32> to vector<16xi32>
    tpu.vector_store %arg14[%swap3A_158], %swap3A_161 {strides = array<i32>} : memref<128xi32, #tpu.memory_space<vmem>>, vector<16xi32>,
    "tpu.region"() ({
      %run_scoped3A = tpu.sem_alloc : memref<!tpu.dma_semaphore, #tpu.memory_space<semaphore_mem>>
      %dma_start3A_1545 = arith.constant 0 : i32
      %dma_start3A_1546 = tpu.memref_slice %arg16[%dma_start3A_1545] : memref<1000000xf32, #tpu.memory_space<vmem_shared>> -> memref<1000000xf32, #tpu.memory_space<vmem_shared>>
      tpu.enqueue_indirect_dma source(%arg15 : memref<128xf32, #tpu.memory_space<vmem>>) target(%dma_start3A_1546 : memref<1000000xf32, #tpu.memory_space<vmem_shared>>) offsets(%arg14 : memref<128xi32, #tpu.memory_space<vmem>>) semaphore(%run_scoped3A : memref<!tpu.dma_semaphore, #tpu.memory_space<semaphore_mem>>) {add = true}
      %dma_wait3A_1547 = arith.constant 0 : i32
      %dma_wait3A_1548 = tpu.memref_slice %arg16[%dma_wait3A_1547] : memref<1000000xf32, #tpu.memory_space<vmem_shared>> -> memref<1000000xf32, #tpu.memory_space<vmem_shared>>
      tpu.wait_indirect_dma semaphore(%run_scoped3A : memref<!tpu.dma_semaphore, #tpu.memory_space<semaphore_mem>>) src(%arg15 : memref<128xf32, #tpu.memory_space<vmem>>) dst(%dma_wait3A_1548 : memref<1000000xf32, #tpu.memory_space<vmem_shared>>)
      tpu.yield
    }) : () -> ()
    %get3A_162 = arith.constant 128 : index
    %get3A_163 = tpu.vector_load %arg10[%get3A_162] {strides = array<i32>} : memref<1600xi32, #tpu.memory_space<vmem>>, vector<16xi32>,
    %get3A_164 = vector.shape_cast %get3A_163 : vector<16xi32> to vector<16xi32>
    %mul3A_165 = arith.constant 1000 : i32
    %mul3A_166 = vector.broadcast %mul3A_165 : i32 to vector<16xi32>
    %mul3A_167 = arith.muli %get3A_164, %mul3A_166 : vector<16xi32>
    %get3A_168 = arith.constant 128 : index
    %get3A_169 = tpu.vector_load %arg11[%get3A_168] {strides = array<i32>} : memref<1600xi32, #tpu.memory_space<vmem>>, vector<16xi32>,
    %get3A_170 = vector.shape_cast %get3A_169 : vector<16xi32> to vector<16xi32>
    %add3A_171 = arith.addi %mul3A_167, %get3A_170 : vector<16xi32>
    %swap3A_172 = arith.constant 0 : index
    %swap3A_173 = tpu.vector_load %arg14[%swap3A_172] {strides = array<i32>} : memref<128xi32, #tpu.memory_space<vmem>>, vector<16xi32>,
    %swap3A_174 = vector.shape_cast %swap3A_173 : vector<16xi32> to vector<16xi32>
    %swap3A_175 = vector.shape_cast %add3A_171 : vector<16xi32> to vector<16xi32>
    tpu.vector_store %arg14[%swap3A_172], %swap3A_175 {strides = array<i32>} : memref<128xi32, #tpu.memory_space<vmem>>, vector<16xi32>,
    %get3A_176 = arith.constant 144 : index
    %get3A_177 = tpu.vector_load %arg10[%get3A_176] {strides = array<i32>} : memref<1600xi32, #tpu.memory_space<vmem>>, vector<16xi32>,
    %get3A_178 = vector.shape_cast %get3A_177 : vector<16xi32> to vector<16xi32>
    %mul3A_179 = arith.constant 1000 : i32
    %mul3A_180 = vector.broadcast %mul3A_179 : i32 to vector<16xi32>
    %mul3A_181 = arith.muli %get3A_178, %mul3A_180 : vector<16xi32>
    %get3A_182 = arith.constant 144 : index
    %get3A_183 = tpu.vector_load %arg11[%get3A_182] {strides = array<i32>} : memref<1600xi32, #tpu.memory_space<vmem>>, vector<16xi32>,
    %get3A_184 = vector.shape_cast %get3A_183 : vector<16xi32> to vector<16xi32>
    %add3A_185 = arith.addi %mul3A_181, %get3A_184 : vector<16xi32>
    %swap3A_186 = arith.constant 16 : index
    %swap3A_187 = tpu.vector_load %arg14[%swap3A_186] {strides = array<i32>} : memref<128xi32, #tpu.memory_space<vmem>>, vector<16xi32>,
    %swap3A_188 = vector.shape_cast %swap3A_187 : vector<16xi32> to vector<16xi32>
    %swap3A_189 = vector.shape_cast %add3A_185 : vector<16xi32> to vector<16xi32>
    tpu.vector_store %arg14[%swap3A_186], %swap3A_189 {strides = array<i32>} : memref<128xi32, #tpu.memory_space<vmem>>, vector<16xi32>,
    %get3A_190 = arith.constant 160 : index
    %get3A_191 = tpu.vector_load %arg10[%get3A_190] {strides = array<i32>} : memref<1600xi32, #tpu.memory_space<vmem>>, vector<16xi32>,
    %get3A_192 = vector.shape_cast %get3A_191 : vector<16xi32> to vector<16xi32>
    %mul3A_193 = arith.constant 1000 : i32
    %mul3A_194 = vector.broadcast %mul3A_193 : i32 to vector<16xi32>
    %mul3A_195 = arith.muli %get3A_192, %mul3A_194 : vector<16xi32>
    %get3A_196 = arith.constant 160 : index
    %get3A_197 = tpu.vector_load %arg11[%get3A_196] {strides = array<i32>} : memref<1600xi32, #tpu.memory_space<vmem>>, vector<16xi32>,
    %get3A_198 = vector.shape_cast %get3A_197 : vector<16xi32> to vector<16xi32>
    %add3A_199 = arith.addi %mul3A_195, %get3A_198 : vector<16xi32>
    %swap3A_200 = arith.constant 32 : index
    %swap3A_201 = tpu.vector_load %arg14[%swap3A_200] {strides = array<i32>} : memref<128xi32, #tpu.memory_space<vmem>>, vector<16xi32>,
    %swap3A_202 = vector.shape_cast %swap3A_201 : vector<16xi32> to vector<16xi32>
    %swap3A_203 = vector.shape_cast %add3A_199 : vector<16xi32> to vector<16xi32>
    tpu.vector_store %arg14[%swap3A_200], %swap3A_203 {strides = array<i32>} : memref<128xi32, #tpu.memory_space<vmem>>, vector<16xi32>,
    %get3A_204 = arith.constant 176 : index
    %get3A_205 = tpu.vector_load %arg10[%get3A_204] {strides = array<i32>} : memref<1600xi32, #tpu.memory_space<vmem>>, vector<16xi32>,
    %get3A_206 = vector.shape_cast %get3A_205 : vector<16xi32> to vector<16xi32>
    %mul3A_207 = arith.constant 1000 : i32
    %mul3A_208 = vector.broadcast %mul3A_207 : i32 to vector<16xi32>
    %mul3A_209 = arith.muli %get3A_206, %mul3A_208 : vector<16xi32>
    %get3A_210 = arith.constant 176 : index
    %get3A_211 = tpu.vector_load %arg11[%get3A_210] {strides = array<i32>} : memref<1600xi32, #tpu.memory_space<vmem>>, vector<16xi32>,
    %get3A_212 = vector.shape_cast %get3A_211 : vector<16xi32> to vector<16xi32>
    %add3A_213 = arith.addi %mul3A_209, %get3A_212 : vector<16xi32>
    %swap3A_214 = arith.constant 48 : index
    %swap3A_215 = tpu.vector_load %arg14[%swap3A_214] {strides = array<i32>} : memref<128xi32, #tpu.memory_space<vmem>>, vector<16xi32>,
    %swap3A_216 = vector.shape_cast %swap3A_215 : vector<16xi32> to vector<16xi32>
    %swap3A_217 = vector.shape_cast %add3A_213 : vector<16xi32> to vector<16xi32>
    tpu.vector_store %arg14[%swap3A_214], %swap3A_217 {strides = array<i32>} : memref<128xi32, #tpu.memory_space<vmem>>, vector<16xi32>,
    %get3A_218 = arith.constant 192 : index
    %get3A_219 = tpu.vector_load %arg10[%get3A_218] {strides = array<i32>} : memref<1600xi32, #tpu.memory_space<vmem>>, vector<16xi32>,
    %get3A_220 = vector.shape_cast %get3A_219 : vector<16xi32> to vector<16xi32>
    %mul3A_221 = arith.constant 1000 : i32
    %mul3A_222 = vector.broadcast %mul3A_221 : i32 to vector<16xi32>
    %mul3A_223 = arith.muli %get3A_220, %mul3A_222 : vector<16xi32>
    %get3A_224 = arith.constant 192 : index
    %get3A_225 = tpu.vector_load %arg11[%get3A_224] {strides = array<i32>} : memref<1600xi32, #tpu.memory_space<vmem>>, vector<16xi32>,
    %get3A_226 = vector.shape_cast %get3A_225 : vector<16xi32> to vector<16xi32>
    %add3A_227 = arith.addi %mul3A_223, %get3A_226 : vector<16xi32>
    %swap3A_228 = arith.constant 64 : index
    %swap3A_229 = tpu.vector_load %arg14[%swap3A_228] {strides = array<i32>} : memref<128xi32, #tpu.memory_space<vmem>>, vector<16xi32>,
    %swap3A_230 = vector.shape_cast %swap3A_229 : vector<16xi32> to vector<16xi32>
    %swap3A_231 = vector.shape_cast %add3A_227 : vector<16xi32> to vector<16xi32>
    tpu.vector_store %arg14[%swap3A_228], %swap3A_231 {strides = array<i32>} : memref<128xi32, #tpu.memory_space<vmem>>, vector<16xi32>,
    %get3A_232 = arith.constant 208 : index
    %get3A_233 = tpu.vector_load %arg10[%get3A_232] {strides = array<i32>} : memref<1600xi32, #tpu.memory_space<vmem>>, vector<16xi32>,
    %get3A_234 = vector.shape_cast %get3A_233 : vector<16xi32> to vector<16xi32>
    %mul3A_235 = arith.constant 1000 : i32
    %mul3A_236 = vector.broadcast %mul3A_235 : i32 to vector<16xi32>
    %mul3A_237 = arith.muli %get3A_234, %mul3A_236 : vector<16xi32>
    %get3A_238 = arith.constant 208 : index
    %get3A_239 = tpu.vector_load %arg11[%get3A_238] {strides = array<i32>} : memref<1600xi32, #tpu.memory_space<vmem>>, vector<16xi32>,
    %get3A_240 = vector.shape_cast %get3A_239 : vector<16xi32> to vector<16xi32>
    %add3A_241 = arith.addi %mul3A_237, %get3A_240 : vector<16xi32>
    %swap3A_242 = arith.constant 80 : index
    %swap3A_243 = tpu.vector_load %arg14[%swap3A_242] {strides = array<i32>} : memref<128xi32, #tpu.memory_space<vmem>>, vector<16xi32>,
    %swap3A_244 = vector.shape_cast %swap3A_243 : vector<16xi32> to vector<16xi32>
    %swap3A_245 = vector.shape_cast %add3A_241 : vector<16xi32> to vector<16xi32>
    tpu.vector_store %arg14[%swap3A_242], %swap3A_245 {strides = array<i32>} : memref<128xi32, #tpu.memory_space<vmem>>, vector<16xi32>,
    %get3A_246 = arith.constant 224 : index
    %get3A_247 = tpu.vector_load %arg10[%get3A_246] {strides = array<i32>} : memref<1600xi32, #tpu.memory_space<vmem>>, vector<16xi32>,
    %get3A_248 = vector.shape_cast %get3A_247 : vector<16xi32> to vector<16xi32>
    %mul3A_249 = arith.constant 1000 : i32
    %mul3A_250 = vector.broadcast %mul3A_249 : i32 to vector<16xi32>
    %mul3A_251 = arith.muli %get3A_248, %mul3A_250 : vector<16xi32>
    %get3A_252 = arith.constant 224 : index
    %get3A_253 = tpu.vector_load %arg11[%get3A_252] {strides = array<i32>} : memref<1600xi32, #tpu.memory_space<vmem>>, vector<16xi32>,
    %get3A_254 = vector.shape_cast %get3A_253 : vector<16xi32> to vector<16xi32>
    %add3A_255 = arith.addi %mul3A_251, %get3A_254 : vector<16xi32>
    %swap3A_256 = arith.constant 96 : index
    %swap3A_257 = tpu.vector_load %arg14[%swap3A_256] {strides = array<i32>} : memref<128xi32, #tpu.memory_space<vmem>>, vector<16xi32>,
    %swap3A_258 = vector.shape_cast %swap3A_257 : vector<16xi32> to vector<16xi32>
    %swap3A_259 = vector.shape_cast %add3A_255 : vector<16xi32> to vector<16xi32>
    tpu.vector_store %arg14[%swap3A_256], %swap3A_259 {strides = array<i32>} : memref<128xi32, #tpu.memory_space<vmem>>, vector<16xi32>,
    %get3A_260 = arith.constant 240 : index
    %get3A_261 = tpu.vector_load %arg10[%get3A_260] {strides = array<i32>} : memref<1600xi32, #tpu.memory_space<vmem>>, vector<16xi32>,
    %get3A_262 = vector.shape_cast %get3A_261 : vector<16xi32> to vector<16xi32>
    %mul3A_263 = arith.constant 1000 : i32
    %mul3A_264 = vector.broadcast %mul3A_263 : i32 to vector<16xi32>
    %mul3A_265 = arith.muli %get3A_262, %mul3A_264 : vector<16xi32>
    %get3A_266 = arith.constant 240 : index
    %get3A_267 = tpu.vector_load %arg11[%get3A_266] {strides = array<i32>} : memref<1600xi32, #tpu.memory_space<vmem>>, vector<16xi32>,
    %get3A_268 = vector.shape_cast %get3A_267 : vector<16xi32> to vector<16xi32>
    %add3A_269 = arith.addi %mul3A_265, %get3A_268 : vector<16xi32>
    %swap3A_270 = arith.constant 112 : index
    %swap3A_271 = tpu.vector_load %arg14[%swap3A_270] {strides = array<i32>} : memref<128xi32, #tpu.memory_space<vmem>>, vector<16xi32>,
    %swap3A_272 = vector.shape_cast %swap3A_271 : vector<16xi32> to vector<16xi32>
    %swap3A_273 = vector.shape_cast %add3A_269 : vector<16xi32> to vector<16xi32>
    tpu.vector_store %arg14[%swap3A_270], %swap3A_273 {strides = array<i32>} : memref<128xi32, #tpu.memory_space<vmem>>, vector<16xi32>,
    "tpu.region"() ({
      %run_scoped3A = tpu.sem_alloc : memref<!tpu.dma_semaphore, #tpu.memory_space<semaphore_mem>>
      %dma_start3A_1545 = arith.constant 0 : i32
      %dma_start3A_1546 = tpu.memref_slice %arg16[%dma_start3A_1545] : memref<1000000xf32, #tpu.memory_space<vmem_shared>> -> memref<1000000xf32, #tpu.memory_space<vmem_shared>>
      tpu.enqueue_indirect_dma source(%arg15 : memref<128xf32, #tpu.memory_space<vmem>>) target(%dma_start3A_1546 : memref<1000000xf32, #tpu.memory_space<vmem_shared>>) offsets(%arg14 : memref<128xi32, #tpu.memory_space<vmem>>) semaphore(%run_scoped3A : memref<!tpu.dma_semaphore, #tpu.memory_space<semaphore_mem>>) {add = true}
      %dma_wait3A_1547 = arith.constant 0 : i32
      %dma_wait3A_1548 = tpu.memref_slice %arg16[%dma_wait3A_1547] : memref<1000000xf32, #tpu.memory_space<vmem_shared>> -> memref<1000000xf32, #tpu.memory_space<vmem_shared>>
      tpu.wait_indirect_dma semaphore(%run_scoped3A : memref<!tpu.dma_semaphore, #tpu.memory_space<semaphore_mem>>) src(%arg15 : memref<128xf32, #tpu.memory_space<vmem>>) dst(%dma_wait3A_1548 : memref<1000000xf32, #tpu.memory_space<vmem_shared>>)
      tpu.yield
    }) : () -> ()
    %get3A_274 = arith.constant 256 : index
    %get3A_275 = tpu.vector_load %arg10[%get3A_274] {strides = array<i32>} : memref<1600xi32, #tpu.memory_space<vmem>>, vector<16xi32>,
    %get3A_276 = vector.shape_cast %get3A_275 : vector<16xi32> to vector<16xi32>
    %mul3A_277 = arith.constant 1000 : i32
    %mul3A_278 = vector.broadcast %mul3A_277 : i32 to vector<16xi32>
    %mul3A_279 = arith.muli %get3A_276, %mul3A_278 : vector<16xi32>
    %get3A_280 = arith.constant 256 : index
    %get3A_281 = tpu.vector_load %arg11[%get3A_280] {strides = array<i32>} : memref<1600xi32, #tpu.memory_space<vmem>>, vector<16xi32>,
    %get3A_282 = vector.shape_cast %get3A_281 : vector<16xi32> to vector<16xi32>
    %add3A_283 = arith.addi %mul3A_279, %get3A_282 : vector<16xi32>
    %swap3A_284 = arith.constant 0 : index
    %swap3A_285 = tpu.vector_load %arg14[%swap3A_284] {strides = array<i32>} : memref<128xi32, #tpu.memory_space<vmem>>, vector<16xi32>,
    %swap3A_286 = vector.shape_cast %swap3A_285 : vector<16xi32> to vector<16xi32>
    %swap3A_287 = vector.shape_cast %add3A_283 : vector<16xi32> to vector<16xi32>
    tpu.vector_store %arg14[%swap3A_284], %swap3A_287 {strides = array<i32>} : memref<128xi32, #tpu.memory_space<vmem>>, vector<16xi32>,
    %get3A_288 = arith.constant 272 : index
    %get3A_289 = tpu.vector_load %arg10[%get3A_288] {strides = array<i32>} : memref<1600xi32, #tpu.memory_space<vmem>>, vector<16xi32>,
    %get3A_290 = vector.shape_cast %get3A_289 : vector<16xi32> to vector<16xi32>
    %mul3A_291 = arith.constant 1000 : i32
    %mul3A_292 = vector.broadcast %mul3A_291 : i32 to vector<16xi32>
    %mul3A_293 = arith.muli %get3A_290, %mul3A_292 : vector<16xi32>
    %get3A_294 = arith.constant 272 : index
    %get3A_295 = tpu.vector_load %arg11[%get3A_294] {strides = array<i32>} : memref<1600xi32, #tpu.memory_space<vmem>>, vector<16xi32>,
    %get3A_296 = vector.shape_cast %get3A_295 : vector<16xi32> to vector<16xi32>
    %add3A_297 = arith.addi %mul3A_293, %get3A_296 : vector<16xi32>
    %swap3A_298 = arith.constant 16 : index
    %swap3A_299 = tpu.vector_load %arg14[%swap3A_298] {strides = array<i32>} : memref<128xi32, #tpu.memory_space<vmem>>, vector<16xi32>,
    %swap3A_300 = vector.shape_cast %swap3A_299 : vector<16xi32> to vector<16xi32>
    %swap3A_301 = vector.shape_cast %add3A_297 : vector<16xi32> to vector<16xi32>
    tpu.vector_store %arg14[%swap3A_298], %swap3A_301 {strides = array<i32>} : memref<128xi32, #tpu.memory_space<vmem>>, vector<16xi32>,
    %get3A_302 = arith.constant 288 : index
    %get3A_303 = tpu.vector_load %arg10[%get3A_302] {strides = array<i32>} : memref<1600xi32, #tpu.memory_space<vmem>>, vector<16xi32>,
    %get3A_304 = vector.shape_cast %get3A_303 : vector<16xi32> to vector<16xi32>
    %mul3A_305 = arith.constant 1000 : i32
    %mul3A_306 = vector.broadcast %mul3A_305 : i32 to vector<16xi32>
    %mul3A_307 = arith.muli %get3A_304, %mul3A_306 : vector<16xi32>
    %get3A_308 = arith.constant 288 : index
    %get3A_309 = tpu.vector_load %arg11[%get3A_308] {strides = array<i32>} : memref<1600xi32, #tpu.memory_space<vmem>>, vector<16xi32>,
    %get3A_310 = vector.shape_cast %get3A_309 : vector<16xi32> to vector<16xi32>
    %add3A_311 = arith.addi %mul3A_307, %get3A_310 : vector<16xi32>
    %swap3A_312 = arith.constant 32 : index
    %swap3A_313 = tpu.vector_load %arg14[%swap3A_312] {strides = array<i32>} : memref<128xi32, #tpu.memory_space<vmem>>, vector<16xi32>,
    %swap3A_314 = vector.shape_cast %swap3A_313 : vector<16xi32> to vector<16xi32>
    %swap3A_315 = vector.shape_cast %add3A_311 : vector<16xi32> to vector<16xi32>
    tpu.vector_store %arg14[%swap3A_312], %swap3A_315 {strides = array<i32>} : memref<128xi32, #tpu.memory_space<vmem>>, vector<16xi32>,
    %get3A_316 = arith.constant 304 : index
    %get3A_317 = tpu.vector_load %arg10[%get3A_316] {strides = array<i32>} : memref<1600xi32, #tpu.memory_space<vmem>>, vector<16xi32>,
    %get3A_318 = vector.shape_cast %get3A_317 : vector<16xi32> to vector<16xi32>
    %mul3A_319 = arith.constant 1000 : i32
    %mul3A_320 = vector.broadcast %mul3A_319 : i32 to vector<16xi32>
    %mul3A_321 = arith.muli %get3A_318, %mul3A_320 : vector<16xi32>
    %get3A_322 = arith.constant 304 : index
    %get3A_323 = tpu.vector_load %arg11[%get3A_322] {strides = array<i32>} : memref<1600xi32, #tpu.memory_space<vmem>>, vector<16xi32>,
    %get3A_324 = vector.shape_cast %get3A_323 : vector<16xi32> to vector<16xi32>
    %add3A_325 = arith.addi %mul3A_321, %get3A_324 : vector<16xi32>
    %swap3A_326 = arith.constant 48 : index
    %swap3A_327 = tpu.vector_load %arg14[%swap3A_326] {strides = array<i32>} : memref<128xi32, #tpu.memory_space<vmem>>, vector<16xi32>,
    %swap3A_328 = vector.shape_cast %swap3A_327 : vector<16xi32> to vector<16xi32>
    %swap3A_329 = vector.shape_cast %add3A_325 : vector<16xi32> to vector<16xi32>
    tpu.vector_store %arg14[%swap3A_326], %swap3A_329 {strides = array<i32>} : memref<128xi32, #tpu.memory_space<vmem>>, vector<16xi32>,
    %get3A_330 = arith.constant 320 : index
    %get3A_331 = tpu.vector_load %arg10[%get3A_330] {strides = array<i32>} : memref<1600xi32, #tpu.memory_space<vmem>>, vector<16xi32>,
    %get3A_332 = vector.shape_cast %get3A_331 : vector<16xi32> to vector<16xi32>
    %mul3A_333 = arith.constant 1000 : i32
    %mul3A_334 = vector.broadcast %mul3A_333 : i32 to vector<16xi32>
    %mul3A_335 = arith.muli %get3A_332, %mul3A_334 : vector<16xi32>
    %get3A_336 = arith.constant 320 : index
    %get3A_337 = tpu.vector_load %arg11[%get3A_336] {strides = array<i32>} : memref<1600xi32, #tpu.memory_space<vmem>>, vector<16xi32>,
    %get3A_338 = vector.shape_cast %get3A_337 : vector<16xi32> to vector<16xi32>
    %add3A_339 = arith.addi %mul3A_335, %get3A_338 : vector<16xi32>
    %swap3A_340 = arith.constant 64 : index
    %swap3A_341 = tpu.vector_load %arg14[%swap3A_340] {strides = array<i32>} : memref<128xi32, #tpu.memory_space<vmem>>, vector<16xi32>,
    %swap3A_342 = vector.shape_cast %swap3A_341 : vector<16xi32> to vector<16xi32>
    %swap3A_343 = vector.shape_cast %add3A_339 : vector<16xi32> to vector<16xi32>
    tpu.vector_store %arg14[%swap3A_340], %swap3A_343 {strides = array<i32>} : memref<128xi32, #tpu.memory_space<vmem>>, vector<16xi32>,
    %get3A_344 = arith.constant 336 : index
    %get3A_345 = tpu.vector_load %arg10[%get3A_344] {strides = array<i32>} : memref<1600xi32, #tpu.memory_space<vmem>>, vector<16xi32>,
    %get3A_346 = vector.shape_cast %get3A_345 : vector<16xi32> to vector<16xi32>
    %mul3A_347 = arith.constant 1000 : i32
    %mul3A_348 = vector.broadcast %mul3A_347 : i32 to vector<16xi32>
    %mul3A_349 = arith.muli %get3A_346, %mul3A_348 : vector<16xi32>
    %get3A_350 = arith.constant 336 : index
    %get3A_351 = tpu.vector_load %arg11[%get3A_350] {strides = array<i32>} : memref<1600xi32, #tpu.memory_space<vmem>>, vector<16xi32>,
    %get3A_352 = vector.shape_cast %get3A_351 : vector<16xi32> to vector<16xi32>
    %add3A_353 = arith.addi %mul3A_349, %get3A_352 : vector<16xi32>
    %swap3A_354 = arith.constant 80 : index
    %swap3A_355 = tpu.vector_load %arg14[%swap3A_354] {strides = array<i32>} : memref<128xi32, #tpu.memory_space<vmem>>, vector<16xi32>,
    %swap3A_356 = vector.shape_cast %swap3A_355 : vector<16xi32> to vector<16xi32>
    %swap3A_357 = vector.shape_cast %add3A_353 : vector<16xi32> to vector<16xi32>
    tpu.vector_store %arg14[%swap3A_354], %swap3A_357 {strides = array<i32>} : memref<128xi32, #tpu.memory_space<vmem>>, vector<16xi32>,
    %get3A_358 = arith.constant 352 : index
    %get3A_359 = tpu.vector_load %arg10[%get3A_358] {strides = array<i32>} : memref<1600xi32, #tpu.memory_space<vmem>>, vector<16xi32>,
    %get3A_360 = vector.shape_cast %get3A_359 : vector<16xi32> to vector<16xi32>
    %mul3A_361 = arith.constant 1000 : i32
    %mul3A_362 = vector.broadcast %mul3A_361 : i32 to vector<16xi32>
    %mul3A_363 = arith.muli %get3A_360, %mul3A_362 : vector<16xi32>
    %get3A_364 = arith.constant 352 : index
    %get3A_365 = tpu.vector_load %arg11[%get3A_364] {strides = array<i32>} : memref<1600xi32, #tpu.memory_space<vmem>>, vector<16xi32>,
    %get3A_366 = vector.shape_cast %get3A_365 : vector<16xi32> to vector<16xi32>
    %add3A_367 = arith.addi %mul3A_363, %get3A_366 : vector<16xi32>
    %swap3A_368 = arith.constant 96 : index
    %swap3A_369 = tpu.vector_load %arg14[%swap3A_368] {strides = array<i32>} : memref<128xi32, #tpu.memory_space<vmem>>, vector<16xi32>,
    %swap3A_370 = vector.shape_cast %swap3A_369 : vector<16xi32> to vector<16xi32>
    %swap3A_371 = vector.shape_cast %add3A_367 : vector<16xi32> to vector<16xi32>
    tpu.vector_store %arg14[%swap3A_368], %swap3A_371 {strides = array<i32>} : memref<128xi32, #tpu.memory_space<vmem>>, vector<16xi32>,
    %get3A_372 = arith.constant 368 : index
    %get3A_373 = tpu.vector_load %arg10[%get3A_372] {strides = array<i32>} : memref<1600xi32, #tpu.memory_space<vmem>>, vector<16xi32>,
    %get3A_374 = vector.shape_cast %get3A_373 : vector<16xi32> to vector<16xi32>
    %mul3A_375 = arith.constant 1000 : i32
    %mul3A_376 = vector.broadcast %mul3A_375 : i32 to vector<16xi32>
    %mul3A_377 = arith.muli %get3A_374, %mul3A_376 : vector<16xi32>
    %get3A_378 = arith.constant 368 : index
    %get3A_379 = tpu.vector_load %arg11[%get3A_378] {strides = array<i32>} : memref<1600xi32, #tpu.memory_space<vmem>>, vector<16xi32>,
    %get3A_380 = vector.shape_cast %get3A_379 : vector<16xi32> to vector<16xi32>
    %add3A_381 = arith.addi %mul3A_377, %get3A_380 : vector<16xi32>
    %swap3A_382 = arith.constant 112 : index
    %swap3A_383 = tpu.vector_load %arg14[%swap3A_382] {strides = array<i32>} : memref<128xi32, #tpu.memory_space<vmem>>, vector<16xi32>,
    %swap3A_384 = vector.shape_cast %swap3A_383 : vector<16xi32> to vector<16xi32>
    %swap3A_385 = vector.shape_cast %add3A_381 : vector<16xi32> to vector<16xi32>
    tpu.vector_store %arg14[%swap3A_382], %swap3A_385 {strides = array<i32>} : memref<128xi32, #tpu.memory_space<vmem>>, vector<16xi32>,
    "tpu.region"() ({
      %run_scoped3A = tpu.sem_alloc : memref<!tpu.dma_semaphore, #tpu.memory_space<semaphore_mem>>
      %dma_start3A_1545 = arith.constant 0 : i32
      %dma_start3A_1546 = tpu.memref_slice %arg16[%dma_start3A_1545] : memref<1000000xf32, #tpu.memory_space<vmem_shared>> -> memref<1000000xf32, #tpu.memory_space<vmem_shared>>
      tpu.enqueue_indirect_dma source(%arg15 : memref<128xf32, #tpu.memory_space<vmem>>) target(%dma_start3A_1546 : memref<1000000xf32, #tpu.memory_space<vmem_shared>>) offsets(%arg14 : memref<128xi32, #tpu.memory_space<vmem>>) semaphore(%run_scoped3A : memref<!tpu.dma_semaphore, #tpu.memory_space<semaphore_mem>>) {add = true}
      %dma_wait3A_1547 = arith.constant 0 : i32
      %dma_wait3A_1548 = tpu.memref_slice %arg16[%dma_wait3A_1547] : memref<1000000xf32, #tpu.memory_space<vmem_shared>> -> memref<1000000xf32, #tpu.memory_space<vmem_shared>>
      tpu.wait_indirect_dma semaphore(%run_scoped3A : memref<!tpu.dma_semaphore, #tpu.memory_space<semaphore_mem>>) src(%arg15 : memref<128xf32, #tpu.memory_space<vmem>>) dst(%dma_wait3A_1548 : memref<1000000xf32, #tpu.memory_space<vmem_shared>>)
      tpu.yield
    }) : () -> ()
    %get3A_386 = arith.constant 384 : index
    %get3A_387 = tpu.vector_load %arg10[%get3A_386] {strides = array<i32>} : memref<1600xi32, #tpu.memory_space<vmem>>, vector<16xi32>,
    %get3A_388 = vector.shape_cast %get3A_387 : vector<16xi32> to vector<16xi32>
    %mul3A_389 = arith.constant 1000 : i32
    %mul3A_390 = vector.broadcast %mul3A_389 : i32 to vector<16xi32>
    %mul3A_391 = arith.muli %get3A_388, %mul3A_390 : vector<16xi32>
    %get3A_392 = arith.constant 384 : index
    %get3A_393 = tpu.vector_load %arg11[%get3A_392] {strides = array<i32>} : memref<1600xi32, #tpu.memory_space<vmem>>, vector<16xi32>,
    %get3A_394 = vector.shape_cast %get3A_393 : vector<16xi32> to vector<16xi32>
    %add3A_395 = arith.addi %mul3A_391, %get3A_394 : vector<16xi32>
    %swap3A_396 = arith.constant 0 : index
    %swap3A_397 = tpu.vector_load %arg14[%swap3A_396] {strides = array<i32>} : memref<128xi32, #tpu.memory_space<vmem>>, vector<16xi32>,
    %swap3A_398 = vector.shape_cast %swap3A_397 : vector<16xi32> to vector<16xi32>
    %swap3A_399 = vector.shape_cast %add3A_395 : vector<16xi32> to vector<16xi32>
    tpu.vector_store %arg14[%swap3A_396], %swap3A_399 {strides = array<i32>} : memref<128xi32, #tpu.memory_space<vmem>>, vector<16xi32>,
    %get3A_400 = arith.constant 400 : index
    %get3A_401 = tpu.vector_load %arg10[%get3A_400] {strides = array<i32>} : memref<1600xi32, #tpu.memory_space<vmem>>, vector<16xi32>,
    %get3A_402 = vector.shape_cast %get3A_401 : vector<16xi32> to vector<16xi32>
    %mul3A_403 = arith.constant 1000 : i32
    %mul3A_404 = vector.broadcast %mul3A_403 : i32 to vector<16xi32>
    %mul3A_405 = arith.muli %get3A_402, %mul3A_404 : vector<16xi32>
    %get3A_406 = arith.constant 400 : index
    %get3A_407 = tpu.vector_load %arg11[%get3A_406] {strides = array<i32>} : memref<1600xi32, #tpu.memory_space<vmem>>, vector<16xi32>,
    %get3A_408 = vector.shape_cast %get3A_407 : vector<16xi32> to vector<16xi32>
    %add3A_409 = arith.addi %mul3A_405, %get3A_408 : vector<16xi32>
    %swap3A_410 = arith.constant 16 : index
    %swap3A_411 = tpu.vector_load %arg14[%swap3A_410] {strides = array<i32>} : memref<128xi32, #tpu.memory_space<vmem>>, vector<16xi32>,
    %swap3A_412 = vector.shape_cast %swap3A_411 : vector<16xi32> to vector<16xi32>
    %swap3A_413 = vector.shape_cast %add3A_409 : vector<16xi32> to vector<16xi32>
    tpu.vector_store %arg14[%swap3A_410], %swap3A_413 {strides = array<i32>} : memref<128xi32, #tpu.memory_space<vmem>>, vector<16xi32>,
    %get3A_414 = arith.constant 416 : index
    %get3A_415 = tpu.vector_load %arg10[%get3A_414] {strides = array<i32>} : memref<1600xi32, #tpu.memory_space<vmem>>, vector<16xi32>,
    %get3A_416 = vector.shape_cast %get3A_415 : vector<16xi32> to vector<16xi32>
    %mul3A_417 = arith.constant 1000 : i32
    %mul3A_418 = vector.broadcast %mul3A_417 : i32 to vector<16xi32>
    %mul3A_419 = arith.muli %get3A_416, %mul3A_418 : vector<16xi32>
    %get3A_420 = arith.constant 416 : index
    %get3A_421 = tpu.vector_load %arg11[%get3A_420] {strides = array<i32>} : memref<1600xi32, #tpu.memory_space<vmem>>, vector<16xi32>,
    %get3A_422 = vector.shape_cast %get3A_421 : vector<16xi32> to vector<16xi32>
    %add3A_423 = arith.addi %mul3A_419, %get3A_422 : vector<16xi32>
    %swap3A_424 = arith.constant 32 : index
    %swap3A_425 = tpu.vector_load %arg14[%swap3A_424] {strides = array<i32>} : memref<128xi32, #tpu.memory_space<vmem>>, vector<16xi32>,
    %swap3A_426 = vector.shape_cast %swap3A_425 : vector<16xi32> to vector<16xi32>
    %swap3A_427 = vector.shape_cast %add3A_423 : vector<16xi32> to vector<16xi32>
    tpu.vector_store %arg14[%swap3A_424], %swap3A_427 {strides = array<i32>} : memref<128xi32, #tpu.memory_space<vmem>>, vector<16xi32>,
    %get3A_428 = arith.constant 432 : index
    %get3A_429 = tpu.vector_load %arg10[%get3A_428] {strides = array<i32>} : memref<1600xi32, #tpu.memory_space<vmem>>, vector<16xi32>,
    %get3A_430 = vector.shape_cast %get3A_429 : vector<16xi32> to vector<16xi32>
    %mul3A_431 = arith.constant 1000 : i32
    %mul3A_432 = vector.broadcast %mul3A_431 : i32 to vector<16xi32>
    %mul3A_433 = arith.muli %get3A_430, %mul3A_432 : vector<16xi32>
    %get3A_434 = arith.constant 432 : index
    %get3A_435 = tpu.vector_load %arg11[%get3A_434] {strides = array<i32>} : memref<1600xi32, #tpu.memory_space<vmem>>, vector<16xi32>,
    %get3A_436 = vector.shape_cast %get3A_435 : vector<16xi32> to vector<16xi32>
    %add3A_437 = arith.addi %mul3A_433, %get3A_436 : vector<16xi32>
    %swap3A_438 = arith.constant 48 : index
    %swap3A_439 = tpu.vector_load %arg14[%swap3A_438] {strides = array<i32>} : memref<128xi32, #tpu.memory_space<vmem>>, vector<16xi32>,
    %swap3A_440 = vector.shape_cast %swap3A_439 : vector<16xi32> to vector<16xi32>
    %swap3A_441 = vector.shape_cast %add3A_437 : vector<16xi32> to vector<16xi32>
    tpu.vector_store %arg14[%swap3A_438], %swap3A_441 {strides = array<i32>} : memref<128xi32, #tpu.memory_space<vmem>>, vector<16xi32>,
    %get3A_442 = arith.constant 448 : index
    %get3A_443 = tpu.vector_load %arg10[%get3A_442] {strides = array<i32>} : memref<1600xi32, #tpu.memory_space<vmem>>, vector<16xi32>,
    %get3A_444 = vector.shape_cast %get3A_443 : vector<16xi32> to vector<16xi32>
    %mul3A_445 = arith.constant 1000 : i32
    %mul3A_446 = vector.broadcast %mul3A_445 : i32 to vector<16xi32>
    %mul3A_447 = arith.muli %get3A_444, %mul3A_446 : vector<16xi32>
    %get3A_448 = arith.constant 448 : index
    %get3A_449 = tpu.vector_load %arg11[%get3A_448] {strides = array<i32>} : memref<1600xi32, #tpu.memory_space<vmem>>, vector<16xi32>,
    %get3A_450 = vector.shape_cast %get3A_449 : vector<16xi32> to vector<16xi32>
    %add3A_451 = arith.addi %mul3A_447, %get3A_450 : vector<16xi32>
    %swap3A_452 = arith.constant 64 : index
    %swap3A_453 = tpu.vector_load %arg14[%swap3A_452] {strides = array<i32>} : memref<128xi32, #tpu.memory_space<vmem>>, vector<16xi32>,
    %swap3A_454 = vector.shape_cast %swap3A_453 : vector<16xi32> to vector<16xi32>
    %swap3A_455 = vector.shape_cast %add3A_451 : vector<16xi32> to vector<16xi32>
    tpu.vector_store %arg14[%swap3A_452], %swap3A_455 {strides = array<i32>} : memref<128xi32, #tpu.memory_space<vmem>>, vector<16xi32>,
    %get3A_456 = arith.constant 464 : index
    %get3A_457 = tpu.vector_load %arg10[%get3A_456] {strides = array<i32>} : memref<1600xi32, #tpu.memory_space<vmem>>, vector<16xi32>,
    %get3A_458 = vector.shape_cast %get3A_457 : vector<16xi32> to vector<16xi32>
    %mul3A_459 = arith.constant 1000 : i32
    %mul3A_460 = vector.broadcast %mul3A_459 : i32 to vector<16xi32>
    %mul3A_461 = arith.muli %get3A_458, %mul3A_460 : vector<16xi32>
    %get3A_462 = arith.constant 464 : index
    %get3A_463 = tpu.vector_load %arg11[%get3A_462] {strides = array<i32>} : memref<1600xi32, #tpu.memory_space<vmem>>, vector<16xi32>,
    %get3A_464 = vector.shape_cast %get3A_463 : vector<16xi32> to vector<16xi32>
    %add3A_465 = arith.addi %mul3A_461, %get3A_464 : vector<16xi32>
    %swap3A_466 = arith.constant 80 : index
    %swap3A_467 = tpu.vector_load %arg14[%swap3A_466] {strides = array<i32>} : memref<128xi32, #tpu.memory_space<vmem>>, vector<16xi32>,
    %swap3A_468 = vector.shape_cast %swap3A_467 : vector<16xi32> to vector<16xi32>
    %swap3A_469 = vector.shape_cast %add3A_465 : vector<16xi32> to vector<16xi32>
    tpu.vector_store %arg14[%swap3A_466], %swap3A_469 {strides = array<i32>} : memref<128xi32, #tpu.memory_space<vmem>>, vector<16xi32>,
    %get3A_470 = arith.constant 480 : index
    %get3A_471 = tpu.vector_load %arg10[%get3A_470] {strides = array<i32>} : memref<1600xi32, #tpu.memory_space<vmem>>, vector<16xi32>,
    %get3A_472 = vector.shape_cast %get3A_471 : vector<16xi32> to vector<16xi32>
    %mul3A_473 = arith.constant 1000 : i32
    %mul3A_474 = vector.broadcast %mul3A_473 : i32 to vector<16xi32>
    %mul3A_475 = arith.muli %get3A_472, %mul3A_474 : vector<16xi32>
    %get3A_476 = arith.constant 480 : index
    %get3A_477 = tpu.vector_load %arg11[%get3A_476] {strides = array<i32>} : memref<1600xi32, #tpu.memory_space<vmem>>, vector<16xi32>,
    %get3A_478 = vector.shape_cast %get3A_477 : vector<16xi32> to vector<16xi32>
    %add3A_479 = arith.addi %mul3A_475, %get3A_478 : vector<16xi32>
    %swap3A_480 = arith.constant 96 : index
    %swap3A_481 = tpu.vector_load %arg14[%swap3A_480] {strides = array<i32>} : memref<128xi32, #tpu.memory_space<vmem>>, vector<16xi32>,
    %swap3A_482 = vector.shape_cast %swap3A_481 : vector<16xi32> to vector<16xi32>
    %swap3A_483 = vector.shape_cast %add3A_479 : vector<16xi32> to vector<16xi32>
    tpu.vector_store %arg14[%swap3A_480], %swap3A_483 {strides = array<i32>} : memref<128xi32, #tpu.memory_space<vmem>>, vector<16xi32>,
    %get3A_484 = arith.constant 496 : index
    %get3A_485 = tpu.vector_load %arg10[%get3A_484] {strides = array<i32>} : memref<1600xi32, #tpu.memory_space<vmem>>, vector<16xi32>,
    %get3A_486 = vector.shape_cast %get3A_485 : vector<16xi32> to vector<16xi32>
    %mul3A_487 = arith.constant 1000 : i32
    %mul3A_488 = vector.broadcast %mul3A_487 : i32 to vector<16xi32>
    %mul3A_489 = arith.muli %get3A_486, %mul3A_488 : vector<16xi32>
    %get3A_490 = arith.constant 496 : index
    %get3A_491 = tpu.vector_load %arg11[%get3A_490] {strides = array<i32>} : memref<1600xi32, #tpu.memory_space<vmem>>, vector<16xi32>,
    %get3A_492 = vector.shape_cast %get3A_491 : vector<16xi32> to vector<16xi32>
    %add3A_493 = arith.addi %mul3A_489, %get3A_492 : vector<16xi32>
    %swap3A_494 = arith.constant 112 : index
    %swap3A_495 = tpu.vector_load %arg14[%swap3A_494] {strides = array<i32>} : memref<128xi32, #tpu.memory_space<vmem>>, vector<16xi32>,
    %swap3A_496 = vector.shape_cast %swap3A_495 : vector<16xi32> to vector<16xi32>
    %swap3A_497 = vector.shape_cast %add3A_493 : vector<16xi32> to vector<16xi32>
    tpu.vector_store %arg14[%swap3A_494], %swap3A_497 {strides = array<i32>} : memref<128xi32, #tpu.memory_space<vmem>>, vector<16xi32>,
    "tpu.region"() ({
      %run_scoped3A = tpu.sem_alloc : memref<!tpu.dma_semaphore, #tpu.memory_space<semaphore_mem>>
      %dma_start3A_1545 = arith.constant 0 : i32
      %dma_start3A_1546 = tpu.memref_slice %arg16[%dma_start3A_1545] : memref<1000000xf32, #tpu.memory_space<vmem_shared>> -> memref<1000000xf32, #tpu.memory_space<vmem_shared>>
      tpu.enqueue_indirect_dma source(%arg15 : memref<128xf32, #tpu.memory_space<vmem>>) target(%dma_start3A_1546 : memref<1000000xf32, #tpu.memory_space<vmem_shared>>) offsets(%arg14 : memref<128xi32, #tpu.memory_space<vmem>>) semaphore(%run_scoped3A : memref<!tpu.dma_semaphore, #tpu.memory_space<semaphore_mem>>) {add = true}
      %dma_wait3A_1547 = arith.constant 0 : i32
      %dma_wait3A_1548 = tpu.memref_slice %arg16[%dma_wait3A_1547] : memref<1000000xf32, #tpu.memory_space<vmem_shared>> -> memref<1000000xf32, #tpu.memory_space<vmem_shared>>
      tpu.wait_indirect_dma semaphore(%run_scoped3A : memref<!tpu.dma_semaphore, #tpu.memory_space<semaphore_mem>>) src(%arg15 : memref<128xf32, #tpu.memory_space<vmem>>) dst(%dma_wait3A_1548 : memref<1000000xf32, #tpu.memory_space<vmem_shared>>)
      tpu.yield
    }) : () -> ()
    %get3A_498 = arith.constant 512 : index
    %get3A_499 = tpu.vector_load %arg10[%get3A_498] {strides = array<i32>} : memref<1600xi32, #tpu.memory_space<vmem>>, vector<16xi32>,
    %get3A_500 = vector.shape_cast %get3A_499 : vector<16xi32> to vector<16xi32>
    %mul3A_501 = arith.constant 1000 : i32
    %mul3A_502 = vector.broadcast %mul3A_501 : i32 to vector<16xi32>
    %mul3A_503 = arith.muli %get3A_500, %mul3A_502 : vector<16xi32>
    %get3A_504 = arith.constant 512 : index
    %get3A_505 = tpu.vector_load %arg11[%get3A_504] {strides = array<i32>} : memref<1600xi32, #tpu.memory_space<vmem>>, vector<16xi32>,
    %get3A_506 = vector.shape_cast %get3A_505 : vector<16xi32> to vector<16xi32>
    %add3A_507 = arith.addi %mul3A_503, %get3A_506 : vector<16xi32>
    %swap3A_508 = arith.constant 0 : index
    %swap3A_509 = tpu.vector_load %arg14[%swap3A_508] {strides = array<i32>} : memref<128xi32, #tpu.memory_space<vmem>>, vector<16xi32>,
    %swap3A_510 = vector.shape_cast %swap3A_509 : vector<16xi32> to vector<16xi32>
    %swap3A_511 = vector.shape_cast %add3A_507 : vector<16xi32> to vector<16xi32>
    tpu.vector_store %arg14[%swap3A_508], %swap3A_511 {strides = array<i32>} : memref<128xi32, #tpu.memory_space<vmem>>, vector<16xi32>,
    %get3A_512 = arith.constant 528 : index
    %get3A_513 = tpu.vector_load %arg10[%get3A_512] {strides = array<i32>} : memref<1600xi32, #tpu.memory_space<vmem>>, vector<16xi32>,
    %get3A_514 = vector.shape_cast %get3A_513 : vector<16xi32> to vector<16xi32>
    %mul3A_515 = arith.constant 1000 : i32
    %mul3A_516 = vector.broadcast %mul3A_515 : i32 to vector<16xi32>
    %mul3A_517 = arith.muli %get3A_514, %mul3A_516 : vector<16xi32>
    %get3A_518 = arith.constant 528 : index
    %get3A_519 = tpu.vector_load %arg11[%get3A_518] {strides = array<i32>} : memref<1600xi32, #tpu.memory_space<vmem>>, vector<16xi32>,
    %get3A_520 = vector.shape_cast %get3A_519 : vector<16xi32> to vector<16xi32>
    %add3A_521 = arith.addi %mul3A_517, %get3A_520 : vector<16xi32>
    %swap3A_522 = arith.constant 16 : index
    %swap3A_523 = tpu.vector_load %arg14[%swap3A_522] {strides = array<i32>} : memref<128xi32, #tpu.memory_space<vmem>>, vector<16xi32>,
    %swap3A_524 = vector.shape_cast %swap3A_523 : vector<16xi32> to vector<16xi32>
    %swap3A_525 = vector.shape_cast %add3A_521 : vector<16xi32> to vector<16xi32>
    tpu.vector_store %arg14[%swap3A_522], %swap3A_525 {strides = array<i32>} : memref<128xi32, #tpu.memory_space<vmem>>, vector<16xi32>,
    %get3A_526 = arith.constant 544 : index
    %get3A_527 = tpu.vector_load %arg10[%get3A_526] {strides = array<i32>} : memref<1600xi32, #tpu.memory_space<vmem>>, vector<16xi32>,
    %get3A_528 = vector.shape_cast %get3A_527 : vector<16xi32> to vector<16xi32>
    %mul3A_529 = arith.constant 1000 : i32
    %mul3A_530 = vector.broadcast %mul3A_529 : i32 to vector<16xi32>
    %mul3A_531 = arith.muli %get3A_528, %mul3A_530 : vector<16xi32>
    %get3A_532 = arith.constant 544 : index
    %get3A_533 = tpu.vector_load %arg11[%get3A_532] {strides = array<i32>} : memref<1600xi32, #tpu.memory_space<vmem>>, vector<16xi32>,
    %get3A_534 = vector.shape_cast %get3A_533 : vector<16xi32> to vector<16xi32>
    %add3A_535 = arith.addi %mul3A_531, %get3A_534 : vector<16xi32>
    %swap3A_536 = arith.constant 32 : index
    %swap3A_537 = tpu.vector_load %arg14[%swap3A_536] {strides = array<i32>} : memref<128xi32, #tpu.memory_space<vmem>>, vector<16xi32>,
    %swap3A_538 = vector.shape_cast %swap3A_537 : vector<16xi32> to vector<16xi32>
    %swap3A_539 = vector.shape_cast %add3A_535 : vector<16xi32> to vector<16xi32>
    tpu.vector_store %arg14[%swap3A_536], %swap3A_539 {strides = array<i32>} : memref<128xi32, #tpu.memory_space<vmem>>, vector<16xi32>,
    %get3A_540 = arith.constant 560 : index
    %get3A_541 = tpu.vector_load %arg10[%get3A_540] {strides = array<i32>} : memref<1600xi32, #tpu.memory_space<vmem>>, vector<16xi32>,
    %get3A_542 = vector.shape_cast %get3A_541 : vector<16xi32> to vector<16xi32>
    %mul3A_543 = arith.constant 1000 : i32
    %mul3A_544 = vector.broadcast %mul3A_543 : i32 to vector<16xi32>
    %mul3A_545 = arith.muli %get3A_542, %mul3A_544 : vector<16xi32>
    %get3A_546 = arith.constant 560 : index
    %get3A_547 = tpu.vector_load %arg11[%get3A_546] {strides = array<i32>} : memref<1600xi32, #tpu.memory_space<vmem>>, vector<16xi32>,
    %get3A_548 = vector.shape_cast %get3A_547 : vector<16xi32> to vector<16xi32>
    %add3A_549 = arith.addi %mul3A_545, %get3A_548 : vector<16xi32>
    %swap3A_550 = arith.constant 48 : index
    %swap3A_551 = tpu.vector_load %arg14[%swap3A_550] {strides = array<i32>} : memref<128xi32, #tpu.memory_space<vmem>>, vector<16xi32>,
    %swap3A_552 = vector.shape_cast %swap3A_551 : vector<16xi32> to vector<16xi32>
    %swap3A_553 = vector.shape_cast %add3A_549 : vector<16xi32> to vector<16xi32>
    tpu.vector_store %arg14[%swap3A_550], %swap3A_553 {strides = array<i32>} : memref<128xi32, #tpu.memory_space<vmem>>, vector<16xi32>,
    %get3A_554 = arith.constant 576 : index
    %get3A_555 = tpu.vector_load %arg10[%get3A_554] {strides = array<i32>} : memref<1600xi32, #tpu.memory_space<vmem>>, vector<16xi32>,
    %get3A_556 = vector.shape_cast %get3A_555 : vector<16xi32> to vector<16xi32>
    %mul3A_557 = arith.constant 1000 : i32
    %mul3A_558 = vector.broadcast %mul3A_557 : i32 to vector<16xi32>
    %mul3A_559 = arith.muli %get3A_556, %mul3A_558 : vector<16xi32>
    %get3A_560 = arith.constant 576 : index
    %get3A_561 = tpu.vector_load %arg11[%get3A_560] {strides = array<i32>} : memref<1600xi32, #tpu.memory_space<vmem>>, vector<16xi32>,
    %get3A_562 = vector.shape_cast %get3A_561 : vector<16xi32> to vector<16xi32>
    %add3A_563 = arith.addi %mul3A_559, %get3A_562 : vector<16xi32>
    %swap3A_564 = arith.constant 64 : index
    %swap3A_565 = tpu.vector_load %arg14[%swap3A_564] {strides = array<i32>} : memref<128xi32, #tpu.memory_space<vmem>>, vector<16xi32>,
    %swap3A_566 = vector.shape_cast %swap3A_565 : vector<16xi32> to vector<16xi32>
    %swap3A_567 = vector.shape_cast %add3A_563 : vector<16xi32> to vector<16xi32>
    tpu.vector_store %arg14[%swap3A_564], %swap3A_567 {strides = array<i32>} : memref<128xi32, #tpu.memory_space<vmem>>, vector<16xi32>,
    %get3A_568 = arith.constant 592 : index
    %get3A_569 = tpu.vector_load %arg10[%get3A_568] {strides = array<i32>} : memref<1600xi32, #tpu.memory_space<vmem>>, vector<16xi32>,
    %get3A_570 = vector.shape_cast %get3A_569 : vector<16xi32> to vector<16xi32>
    %mul3A_571 = arith.constant 1000 : i32
    %mul3A_572 = vector.broadcast %mul3A_571 : i32 to vector<16xi32>
    %mul3A_573 = arith.muli %get3A_570, %mul3A_572 : vector<16xi32>
    %get3A_574 = arith.constant 592 : index
    %get3A_575 = tpu.vector_load %arg11[%get3A_574] {strides = array<i32>} : memref<1600xi32, #tpu.memory_space<vmem>>, vector<16xi32>,
    %get3A_576 = vector.shape_cast %get3A_575 : vector<16xi32> to vector<16xi32>
    %add3A_577 = arith.addi %mul3A_573, %get3A_576 : vector<16xi32>
    %swap3A_578 = arith.constant 80 : index
    %swap3A_579 = tpu.vector_load %arg14[%swap3A_578] {strides = array<i32>} : memref<128xi32, #tpu.memory_space<vmem>>, vector<16xi32>,
    %swap3A_580 = vector.shape_cast %swap3A_579 : vector<16xi32> to vector<16xi32>
    %swap3A_581 = vector.shape_cast %add3A_577 : vector<16xi32> to vector<16xi32>
    tpu.vector_store %arg14[%swap3A_578], %swap3A_581 {strides = array<i32>} : memref<128xi32, #tpu.memory_space<vmem>>, vector<16xi32>,
    %get3A_582 = arith.constant 608 : index
    %get3A_583 = tpu.vector_load %arg10[%get3A_582] {strides = array<i32>} : memref<1600xi32, #tpu.memory_space<vmem>>, vector<16xi32>,
    %get3A_584 = vector.shape_cast %get3A_583 : vector<16xi32> to vector<16xi32>
    %mul3A_585 = arith.constant 1000 : i32
    %mul3A_586 = vector.broadcast %mul3A_585 : i32 to vector<16xi32>
    %mul3A_587 = arith.muli %get3A_584, %mul3A_586 : vector<16xi32>
    %get3A_588 = arith.constant 608 : index
    %get3A_589 = tpu.vector_load %arg11[%get3A_588] {strides = array<i32>} : memref<1600xi32, #tpu.memory_space<vmem>>, vector<16xi32>,
    %get3A_590 = vector.shape_cast %get3A_589 : vector<16xi32> to vector<16xi32>
    %add3A_591 = arith.addi %mul3A_587, %get3A_590 : vector<16xi32>
    %swap3A_592 = arith.constant 96 : index
    %swap3A_593 = tpu.vector_load %arg14[%swap3A_592] {strides = array<i32>} : memref<128xi32, #tpu.memory_space<vmem>>, vector<16xi32>,
    %swap3A_594 = vector.shape_cast %swap3A_593 : vector<16xi32> to vector<16xi32>
    %swap3A_595 = vector.shape_cast %add3A_591 : vector<16xi32> to vector<16xi32>
    tpu.vector_store %arg14[%swap3A_592], %swap3A_595 {strides = array<i32>} : memref<128xi32, #tpu.memory_space<vmem>>, vector<16xi32>,
    %get3A_596 = arith.constant 624 : index
    %get3A_597 = tpu.vector_load %arg10[%get3A_596] {strides = array<i32>} : memref<1600xi32, #tpu.memory_space<vmem>>, vector<16xi32>,
    %get3A_598 = vector.shape_cast %get3A_597 : vector<16xi32> to vector<16xi32>
    %mul3A_599 = arith.constant 1000 : i32
    %mul3A_600 = vector.broadcast %mul3A_599 : i32 to vector<16xi32>
    %mul3A_601 = arith.muli %get3A_598, %mul3A_600 : vector<16xi32>
    %get3A_602 = arith.constant 624 : index
    %get3A_603 = tpu.vector_load %arg11[%get3A_602] {strides = array<i32>} : memref<1600xi32, #tpu.memory_space<vmem>>, vector<16xi32>,
    %get3A_604 = vector.shape_cast %get3A_603 : vector<16xi32> to vector<16xi32>
    %add3A_605 = arith.addi %mul3A_601, %get3A_604 : vector<16xi32>
    %swap3A_606 = arith.constant 112 : index
    %swap3A_607 = tpu.vector_load %arg14[%swap3A_606] {strides = array<i32>} : memref<128xi32, #tpu.memory_space<vmem>>, vector<16xi32>,
    %swap3A_608 = vector.shape_cast %swap3A_607 : vector<16xi32> to vector<16xi32>
    %swap3A_609 = vector.shape_cast %add3A_605 : vector<16xi32> to vector<16xi32>
    tpu.vector_store %arg14[%swap3A_606], %swap3A_609 {strides = array<i32>} : memref<128xi32, #tpu.memory_space<vmem>>, vector<16xi32>,
    "tpu.region"() ({
      %run_scoped3A = tpu.sem_alloc : memref<!tpu.dma_semaphore, #tpu.memory_space<semaphore_mem>>
      %dma_start3A_1545 = arith.constant 0 : i32
      %dma_start3A_1546 = tpu.memref_slice %arg16[%dma_start3A_1545] : memref<1000000xf32, #tpu.memory_space<vmem_shared>> -> memref<1000000xf32, #tpu.memory_space<vmem_shared>>
      tpu.enqueue_indirect_dma source(%arg15 : memref<128xf32, #tpu.memory_space<vmem>>) target(%dma_start3A_1546 : memref<1000000xf32, #tpu.memory_space<vmem_shared>>) offsets(%arg14 : memref<128xi32, #tpu.memory_space<vmem>>) semaphore(%run_scoped3A : memref<!tpu.dma_semaphore, #tpu.memory_space<semaphore_mem>>) {add = true}
      %dma_wait3A_1547 = arith.constant 0 : i32
      %dma_wait3A_1548 = tpu.memref_slice %arg16[%dma_wait3A_1547] : memref<1000000xf32, #tpu.memory_space<vmem_shared>> -> memref<1000000xf32, #tpu.memory_space<vmem_shared>>
      tpu.wait_indirect_dma semaphore(%run_scoped3A : memref<!tpu.dma_semaphore, #tpu.memory_space<semaphore_mem>>) src(%arg15 : memref<128xf32, #tpu.memory_space<vmem>>) dst(%dma_wait3A_1548 : memref<1000000xf32, #tpu.memory_space<vmem_shared>>)
      tpu.yield
    }) : () -> ()
    %get3A_610 = arith.constant 640 : index
    %get3A_611 = tpu.vector_load %arg10[%get3A_610] {strides = array<i32>} : memref<1600xi32, #tpu.memory_space<vmem>>, vector<16xi32>,
    %get3A_612 = vector.shape_cast %get3A_611 : vector<16xi32> to vector<16xi32>
    %mul3A_613 = arith.constant 1000 : i32
    %mul3A_614 = vector.broadcast %mul3A_613 : i32 to vector<16xi32>
    %mul3A_615 = arith.muli %get3A_612, %mul3A_614 : vector<16xi32>
    %get3A_616 = arith.constant 640 : index
    %get3A_617 = tpu.vector_load %arg11[%get3A_616] {strides = array<i32>} : memref<1600xi32, #tpu.memory_space<vmem>>, vector<16xi32>,
    %get3A_618 = vector.shape_cast %get3A_617 : vector<16xi32> to vector<16xi32>
    %add3A_619 = arith.addi %mul3A_615, %get3A_618 : vector<16xi32>
    %swap3A_620 = arith.constant 0 : index
    %swap3A_621 = tpu.vector_load %arg14[%swap3A_620] {strides = array<i32>} : memref<128xi32, #tpu.memory_space<vmem>>, vector<16xi32>,
    %swap3A_622 = vector.shape_cast %swap3A_621 : vector<16xi32> to vector<16xi32>
    %swap3A_623 = vector.shape_cast %add3A_619 : vector<16xi32> to vector<16xi32>
    tpu.vector_store %arg14[%swap3A_620], %swap3A_623 {strides = array<i32>} : memref<128xi32, #tpu.memory_space<vmem>>, vector<16xi32>,
    %get3A_624 = arith.constant 656 : index
    %get3A_625 = tpu.vector_load %arg10[%get3A_624] {strides = array<i32>} : memref<1600xi32, #tpu.memory_space<vmem>>, vector<16xi32>,
    %get3A_626 = vector.shape_cast %get3A_625 : vector<16xi32> to vector<16xi32>
    %mul3A_627 = arith.constant 1000 : i32
    %mul3A_628 = vector.broadcast %mul3A_627 : i32 to vector<16xi32>
    %mul3A_629 = arith.muli %get3A_626, %mul3A_628 : vector<16xi32>
    %get3A_630 = arith.constant 656 : index
    %get3A_631 = tpu.vector_load %arg11[%get3A_630] {strides = array<i32>} : memref<1600xi32, #tpu.memory_space<vmem>>, vector<16xi32>,
    %get3A_632 = vector.shape_cast %get3A_631 : vector<16xi32> to vector<16xi32>
    %add3A_633 = arith.addi %mul3A_629, %get3A_632 : vector<16xi32>
    %swap3A_634 = arith.constant 16 : index
    %swap3A_635 = tpu.vector_load %arg14[%swap3A_634] {strides = array<i32>} : memref<128xi32, #tpu.memory_space<vmem>>, vector<16xi32>,
    %swap3A_636 = vector.shape_cast %swap3A_635 : vector<16xi32> to vector<16xi32>
    %swap3A_637 = vector.shape_cast %add3A_633 : vector<16xi32> to vector<16xi32>
    tpu.vector_store %arg14[%swap3A_634], %swap3A_637 {strides = array<i32>} : memref<128xi32, #tpu.memory_space<vmem>>, vector<16xi32>,
    %get3A_638 = arith.constant 672 : index
    %get3A_639 = tpu.vector_load %arg10[%get3A_638] {strides = array<i32>} : memref<1600xi32, #tpu.memory_space<vmem>>, vector<16xi32>,
    %get3A_640 = vector.shape_cast %get3A_639 : vector<16xi32> to vector<16xi32>
    %mul3A_641 = arith.constant 1000 : i32
    %mul3A_642 = vector.broadcast %mul3A_641 : i32 to vector<16xi32>
    %mul3A_643 = arith.muli %get3A_640, %mul3A_642 : vector<16xi32>
    %get3A_644 = arith.constant 672 : index
    %get3A_645 = tpu.vector_load %arg11[%get3A_644] {strides = array<i32>} : memref<1600xi32, #tpu.memory_space<vmem>>, vector<16xi32>,
    %get3A_646 = vector.shape_cast %get3A_645 : vector<16xi32> to vector<16xi32>
    %add3A_647 = arith.addi %mul3A_643, %get3A_646 : vector<16xi32>
    %swap3A_648 = arith.constant 32 : index
    %swap3A_649 = tpu.vector_load %arg14[%swap3A_648] {strides = array<i32>} : memref<128xi32, #tpu.memory_space<vmem>>, vector<16xi32>,
    %swap3A_650 = vector.shape_cast %swap3A_649 : vector<16xi32> to vector<16xi32>
    %swap3A_651 = vector.shape_cast %add3A_647 : vector<16xi32> to vector<16xi32>
    tpu.vector_store %arg14[%swap3A_648], %swap3A_651 {strides = array<i32>} : memref<128xi32, #tpu.memory_space<vmem>>, vector<16xi32>,
    %get3A_652 = arith.constant 688 : index
    %get3A_653 = tpu.vector_load %arg10[%get3A_652] {strides = array<i32>} : memref<1600xi32, #tpu.memory_space<vmem>>, vector<16xi32>,
    %get3A_654 = vector.shape_cast %get3A_653 : vector<16xi32> to vector<16xi32>
    %mul3A_655 = arith.constant 1000 : i32
    %mul3A_656 = vector.broadcast %mul3A_655 : i32 to vector<16xi32>
    %mul3A_657 = arith.muli %get3A_654, %mul3A_656 : vector<16xi32>
    %get3A_658 = arith.constant 688 : index
    %get3A_659 = tpu.vector_load %arg11[%get3A_658] {strides = array<i32>} : memref<1600xi32, #tpu.memory_space<vmem>>, vector<16xi32>,
    %get3A_660 = vector.shape_cast %get3A_659 : vector<16xi32> to vector<16xi32>
    %add3A_661 = arith.addi %mul3A_657, %get3A_660 : vector<16xi32>
    %swap3A_662 = arith.constant 48 : index
    %swap3A_663 = tpu.vector_load %arg14[%swap3A_662] {strides = array<i32>} : memref<128xi32, #tpu.memory_space<vmem>>, vector<16xi32>,
    %swap3A_664 = vector.shape_cast %swap3A_663 : vector<16xi32> to vector<16xi32>
    %swap3A_665 = vector.shape_cast %add3A_661 : vector<16xi32> to vector<16xi32>
    tpu.vector_store %arg14[%swap3A_662], %swap3A_665 {strides = array<i32>} : memref<128xi32, #tpu.memory_space<vmem>>, vector<16xi32>,
    %get3A_666 = arith.constant 704 : index
    %get3A_667 = tpu.vector_load %arg10[%get3A_666] {strides = array<i32>} : memref<1600xi32, #tpu.memory_space<vmem>>, vector<16xi32>,
    %get3A_668 = vector.shape_cast %get3A_667 : vector<16xi32> to vector<16xi32>
    %mul3A_669 = arith.constant 1000 : i32
    %mul3A_670 = vector.broadcast %mul3A_669 : i32 to vector<16xi32>
    %mul3A_671 = arith.muli %get3A_668, %mul3A_670 : vector<16xi32>
    %get3A_672 = arith.constant 704 : index
    %get3A_673 = tpu.vector_load %arg11[%get3A_672] {strides = array<i32>} : memref<1600xi32, #tpu.memory_space<vmem>>, vector<16xi32>,
    %get3A_674 = vector.shape_cast %get3A_673 : vector<16xi32> to vector<16xi32>
    %add3A_675 = arith.addi %mul3A_671, %get3A_674 : vector<16xi32>
    %swap3A_676 = arith.constant 64 : index
    %swap3A_677 = tpu.vector_load %arg14[%swap3A_676] {strides = array<i32>} : memref<128xi32, #tpu.memory_space<vmem>>, vector<16xi32>,
    %swap3A_678 = vector.shape_cast %swap3A_677 : vector<16xi32> to vector<16xi32>
    %swap3A_679 = vector.shape_cast %add3A_675 : vector<16xi32> to vector<16xi32>
    tpu.vector_store %arg14[%swap3A_676], %swap3A_679 {strides = array<i32>} : memref<128xi32, #tpu.memory_space<vmem>>, vector<16xi32>,
    %get3A_680 = arith.constant 720 : index
    %get3A_681 = tpu.vector_load %arg10[%get3A_680] {strides = array<i32>} : memref<1600xi32, #tpu.memory_space<vmem>>, vector<16xi32>,
    %get3A_682 = vector.shape_cast %get3A_681 : vector<16xi32> to vector<16xi32>
    %mul3A_683 = arith.constant 1000 : i32
    %mul3A_684 = vector.broadcast %mul3A_683 : i32 to vector<16xi32>
    %mul3A_685 = arith.muli %get3A_682, %mul3A_684 : vector<16xi32>
    %get3A_686 = arith.constant 720 : index
    %get3A_687 = tpu.vector_load %arg11[%get3A_686] {strides = array<i32>} : memref<1600xi32, #tpu.memory_space<vmem>>, vector<16xi32>,
    %get3A_688 = vector.shape_cast %get3A_687 : vector<16xi32> to vector<16xi32>
    %add3A_689 = arith.addi %mul3A_685, %get3A_688 : vector<16xi32>
    %swap3A_690 = arith.constant 80 : index
    %swap3A_691 = tpu.vector_load %arg14[%swap3A_690] {strides = array<i32>} : memref<128xi32, #tpu.memory_space<vmem>>, vector<16xi32>,
    %swap3A_692 = vector.shape_cast %swap3A_691 : vector<16xi32> to vector<16xi32>
    %swap3A_693 = vector.shape_cast %add3A_689 : vector<16xi32> to vector<16xi32>
    tpu.vector_store %arg14[%swap3A_690], %swap3A_693 {strides = array<i32>} : memref<128xi32, #tpu.memory_space<vmem>>, vector<16xi32>,
    %get3A_694 = arith.constant 736 : index
    %get3A_695 = tpu.vector_load %arg10[%get3A_694] {strides = array<i32>} : memref<1600xi32, #tpu.memory_space<vmem>>, vector<16xi32>,
    %get3A_696 = vector.shape_cast %get3A_695 : vector<16xi32> to vector<16xi32>
    %mul3A_697 = arith.constant 1000 : i32
    %mul3A_698 = vector.broadcast %mul3A_697 : i32 to vector<16xi32>
    %mul3A_699 = arith.muli %get3A_696, %mul3A_698 : vector<16xi32>
    %get3A_700 = arith.constant 736 : index
    %get3A_701 = tpu.vector_load %arg11[%get3A_700] {strides = array<i32>} : memref<1600xi32, #tpu.memory_space<vmem>>, vector<16xi32>,
    %get3A_702 = vector.shape_cast %get3A_701 : vector<16xi32> to vector<16xi32>
    %add3A_703 = arith.addi %mul3A_699, %get3A_702 : vector<16xi32>
    %swap3A_704 = arith.constant 96 : index
    %swap3A_705 = tpu.vector_load %arg14[%swap3A_704] {strides = array<i32>} : memref<128xi32, #tpu.memory_space<vmem>>, vector<16xi32>,
    %swap3A_706 = vector.shape_cast %swap3A_705 : vector<16xi32> to vector<16xi32>
    %swap3A_707 = vector.shape_cast %add3A_703 : vector<16xi32> to vector<16xi32>
    tpu.vector_store %arg14[%swap3A_704], %swap3A_707 {strides = array<i32>} : memref<128xi32, #tpu.memory_space<vmem>>, vector<16xi32>,
    %get3A_708 = arith.constant 752 : index
    %get3A_709 = tpu.vector_load %arg10[%get3A_708] {strides = array<i32>} : memref<1600xi32, #tpu.memory_space<vmem>>, vector<16xi32>,
    %get3A_710 = vector.shape_cast %get3A_709 : vector<16xi32> to vector<16xi32>
    %mul3A_711 = arith.constant 1000 : i32
    %mul3A_712 = vector.broadcast %mul3A_711 : i32 to vector<16xi32>
    %mul3A_713 = arith.muli %get3A_710, %mul3A_712 : vector<16xi32>
    %get3A_714 = arith.constant 752 : index
    %get3A_715 = tpu.vector_load %arg11[%get3A_714] {strides = array<i32>} : memref<1600xi32, #tpu.memory_space<vmem>>, vector<16xi32>,
    %get3A_716 = vector.shape_cast %get3A_715 : vector<16xi32> to vector<16xi32>
    %add3A_717 = arith.addi %mul3A_713, %get3A_716 : vector<16xi32>
    %swap3A_718 = arith.constant 112 : index
    %swap3A_719 = tpu.vector_load %arg14[%swap3A_718] {strides = array<i32>} : memref<128xi32, #tpu.memory_space<vmem>>, vector<16xi32>,
    %swap3A_720 = vector.shape_cast %swap3A_719 : vector<16xi32> to vector<16xi32>
    %swap3A_721 = vector.shape_cast %add3A_717 : vector<16xi32> to vector<16xi32>
    tpu.vector_store %arg14[%swap3A_718], %swap3A_721 {strides = array<i32>} : memref<128xi32, #tpu.memory_space<vmem>>, vector<16xi32>,
    "tpu.region"() ({
      %run_scoped3A = tpu.sem_alloc : memref<!tpu.dma_semaphore, #tpu.memory_space<semaphore_mem>>
      %dma_start3A_1545 = arith.constant 0 : i32
      %dma_start3A_1546 = tpu.memref_slice %arg16[%dma_start3A_1545] : memref<1000000xf32, #tpu.memory_space<vmem_shared>> -> memref<1000000xf32, #tpu.memory_space<vmem_shared>>
      tpu.enqueue_indirect_dma source(%arg15 : memref<128xf32, #tpu.memory_space<vmem>>) target(%dma_start3A_1546 : memref<1000000xf32, #tpu.memory_space<vmem_shared>>) offsets(%arg14 : memref<128xi32, #tpu.memory_space<vmem>>) semaphore(%run_scoped3A : memref<!tpu.dma_semaphore, #tpu.memory_space<semaphore_mem>>) {add = true}
      %dma_wait3A_1547 = arith.constant 0 : i32
      %dma_wait3A_1548 = tpu.memref_slice %arg16[%dma_wait3A_1547] : memref<1000000xf32, #tpu.memory_space<vmem_shared>> -> memref<1000000xf32, #tpu.memory_space<vmem_shared>>
      tpu.wait_indirect_dma semaphore(%run_scoped3A : memref<!tpu.dma_semaphore, #tpu.memory_space<semaphore_mem>>) src(%arg15 : memref<128xf32, #tpu.memory_space<vmem>>) dst(%dma_wait3A_1548 : memref<1000000xf32, #tpu.memory_space<vmem_shared>>)
      tpu.yield
    }) : () -> ()
    %get3A_722 = arith.constant 768 : index
    %get3A_723 = tpu.vector_load %arg10[%get3A_722] {strides = array<i32>} : memref<1600xi32, #tpu.memory_space<vmem>>, vector<16xi32>,
    %get3A_724 = vector.shape_cast %get3A_723 : vector<16xi32> to vector<16xi32>
    %mul3A_725 = arith.constant 1000 : i32
    %mul3A_726 = vector.broadcast %mul3A_725 : i32 to vector<16xi32>
    %mul3A_727 = arith.muli %get3A_724, %mul3A_726 : vector<16xi32>
    %get3A_728 = arith.constant 768 : index
    %get3A_729 = tpu.vector_load %arg11[%get3A_728] {strides = array<i32>} : memref<1600xi32, #tpu.memory_space<vmem>>, vector<16xi32>,
    %get3A_730 = vector.shape_cast %get3A_729 : vector<16xi32> to vector<16xi32>
    %add3A_731 = arith.addi %mul3A_727, %get3A_730 : vector<16xi32>
    %swap3A_732 = arith.constant 0 : index
    %swap3A_733 = tpu.vector_load %arg14[%swap3A_732] {strides = array<i32>} : memref<128xi32, #tpu.memory_space<vmem>>, vector<16xi32>,
    %swap3A_734 = vector.shape_cast %swap3A_733 : vector<16xi32> to vector<16xi32>
    %swap3A_735 = vector.shape_cast %add3A_731 : vector<16xi32> to vector<16xi32>
    tpu.vector_store %arg14[%swap3A_732], %swap3A_735 {strides = array<i32>} : memref<128xi32, #tpu.memory_space<vmem>>, vector<16xi32>,
    %get3A_736 = arith.constant 784 : index
    %get3A_737 = tpu.vector_load %arg10[%get3A_736] {strides = array<i32>} : memref<1600xi32, #tpu.memory_space<vmem>>, vector<16xi32>,
    %get3A_738 = vector.shape_cast %get3A_737 : vector<16xi32> to vector<16xi32>
    %mul3A_739 = arith.constant 1000 : i32
    %mul3A_740 = vector.broadcast %mul3A_739 : i32 to vector<16xi32>
    %mul3A_741 = arith.muli %get3A_738, %mul3A_740 : vector<16xi32>
    %get3A_742 = arith.constant 784 : index
    %get3A_743 = tpu.vector_load %arg11[%get3A_742] {strides = array<i32>} : memref<1600xi32, #tpu.memory_space<vmem>>, vector<16xi32>,
    %get3A_744 = vector.shape_cast %get3A_743 : vector<16xi32> to vector<16xi32>
    %add3A_745 = arith.addi %mul3A_741, %get3A_744 : vector<16xi32>
    %swap3A_746 = arith.constant 16 : index
    %swap3A_747 = tpu.vector_load %arg14[%swap3A_746] {strides = array<i32>} : memref<128xi32, #tpu.memory_space<vmem>>, vector<16xi32>,
    %swap3A_748 = vector.shape_cast %swap3A_747 : vector<16xi32> to vector<16xi32>
    %swap3A_749 = vector.shape_cast %add3A_745 : vector<16xi32> to vector<16xi32>
    tpu.vector_store %arg14[%swap3A_746], %swap3A_749 {strides = array<i32>} : memref<128xi32, #tpu.memory_space<vmem>>, vector<16xi32>,
    %get3A_750 = arith.constant 800 : index
    %get3A_751 = tpu.vector_load %arg10[%get3A_750] {strides = array<i32>} : memref<1600xi32, #tpu.memory_space<vmem>>, vector<16xi32>,
    %get3A_752 = vector.shape_cast %get3A_751 : vector<16xi32> to vector<16xi32>
    %mul3A_753 = arith.constant 1000 : i32
    %mul3A_754 = vector.broadcast %mul3A_753 : i32 to vector<16xi32>
    %mul3A_755 = arith.muli %get3A_752, %mul3A_754 : vector<16xi32>
    %get3A_756 = arith.constant 800 : index
    %get3A_757 = tpu.vector_load %arg11[%get3A_756] {strides = array<i32>} : memref<1600xi32, #tpu.memory_space<vmem>>, vector<16xi32>,
    %get3A_758 = vector.shape_cast %get3A_757 : vector<16xi32> to vector<16xi32>
    %add3A_759 = arith.addi %mul3A_755, %get3A_758 : vector<16xi32>
    %swap3A_760 = arith.constant 32 : index
    %swap3A_761 = tpu.vector_load %arg14[%swap3A_760] {strides = array<i32>} : memref<128xi32, #tpu.memory_space<vmem>>, vector<16xi32>,
    %swap3A_762 = vector.shape_cast %swap3A_761 : vector<16xi32> to vector<16xi32>
    %swap3A_763 = vector.shape_cast %add3A_759 : vector<16xi32> to vector<16xi32>
    tpu.vector_store %arg14[%swap3A_760], %swap3A_763 {strides = array<i32>} : memref<128xi32, #tpu.memory_space<vmem>>, vector<16xi32>,
    %get3A_764 = arith.constant 816 : index
    %get3A_765 = tpu.vector_load %arg10[%get3A_764] {strides = array<i32>} : memref<1600xi32, #tpu.memory_space<vmem>>, vector<16xi32>,
    %get3A_766 = vector.shape_cast %get3A_765 : vector<16xi32> to vector<16xi32>
    %mul3A_767 = arith.constant 1000 : i32
    %mul3A_768 = vector.broadcast %mul3A_767 : i32 to vector<16xi32>
    %mul3A_769 = arith.muli %get3A_766, %mul3A_768 : vector<16xi32>
    %get3A_770 = arith.constant 816 : index
    %get3A_771 = tpu.vector_load %arg11[%get3A_770] {strides = array<i32>} : memref<1600xi32, #tpu.memory_space<vmem>>, vector<16xi32>,
    %get3A_772 = vector.shape_cast %get3A_771 : vector<16xi32> to vector<16xi32>
    %add3A_773 = arith.addi %mul3A_769, %get3A_772 : vector<16xi32>
    %swap3A_774 = arith.constant 48 : index
    %swap3A_775 = tpu.vector_load %arg14[%swap3A_774] {strides = array<i32>} : memref<128xi32, #tpu.memory_space<vmem>>, vector<16xi32>,
    %swap3A_776 = vector.shape_cast %swap3A_775 : vector<16xi32> to vector<16xi32>
    %swap3A_777 = vector.shape_cast %add3A_773 : vector<16xi32> to vector<16xi32>
    tpu.vector_store %arg14[%swap3A_774], %swap3A_777 {strides = array<i32>} : memref<128xi32, #tpu.memory_space<vmem>>, vector<16xi32>,
    %get3A_778 = arith.constant 832 : index
    %get3A_779 = tpu.vector_load %arg10[%get3A_778] {strides = array<i32>} : memref<1600xi32, #tpu.memory_space<vmem>>, vector<16xi32>,
    %get3A_780 = vector.shape_cast %get3A_779 : vector<16xi32> to vector<16xi32>
    %mul3A_781 = arith.constant 1000 : i32
    %mul3A_782 = vector.broadcast %mul3A_781 : i32 to vector<16xi32>
    %mul3A_783 = arith.muli %get3A_780, %mul3A_782 : vector<16xi32>
    %get3A_784 = arith.constant 832 : index
    %get3A_785 = tpu.vector_load %arg11[%get3A_784] {strides = array<i32>} : memref<1600xi32, #tpu.memory_space<vmem>>, vector<16xi32>,
    %get3A_786 = vector.shape_cast %get3A_785 : vector<16xi32> to vector<16xi32>
    %add3A_787 = arith.addi %mul3A_783, %get3A_786 : vector<16xi32>
    %swap3A_788 = arith.constant 64 : index
    %swap3A_789 = tpu.vector_load %arg14[%swap3A_788] {strides = array<i32>} : memref<128xi32, #tpu.memory_space<vmem>>, vector<16xi32>,
    %swap3A_790 = vector.shape_cast %swap3A_789 : vector<16xi32> to vector<16xi32>
    %swap3A_791 = vector.shape_cast %add3A_787 : vector<16xi32> to vector<16xi32>
    tpu.vector_store %arg14[%swap3A_788], %swap3A_791 {strides = array<i32>} : memref<128xi32, #tpu.memory_space<vmem>>, vector<16xi32>,
    %get3A_792 = arith.constant 848 : index
    %get3A_793 = tpu.vector_load %arg10[%get3A_792] {strides = array<i32>} : memref<1600xi32, #tpu.memory_space<vmem>>, vector<16xi32>,
    %get3A_794 = vector.shape_cast %get3A_793 : vector<16xi32> to vector<16xi32>
    %mul3A_795 = arith.constant 1000 : i32
    %mul3A_796 = vector.broadcast %mul3A_795 : i32 to vector<16xi32>
    %mul3A_797 = arith.muli %get3A_794, %mul3A_796 : vector<16xi32>
    %get3A_798 = arith.constant 848 : index
    %get3A_799 = tpu.vector_load %arg11[%get3A_798] {strides = array<i32>} : memref<1600xi32, #tpu.memory_space<vmem>>, vector<16xi32>,
    %get3A_800 = vector.shape_cast %get3A_799 : vector<16xi32> to vector<16xi32>
    %add3A_801 = arith.addi %mul3A_797, %get3A_800 : vector<16xi32>
    %swap3A_802 = arith.constant 80 : index
    %swap3A_803 = tpu.vector_load %arg14[%swap3A_802] {strides = array<i32>} : memref<128xi32, #tpu.memory_space<vmem>>, vector<16xi32>,
    %swap3A_804 = vector.shape_cast %swap3A_803 : vector<16xi32> to vector<16xi32>
    %swap3A_805 = vector.shape_cast %add3A_801 : vector<16xi32> to vector<16xi32>
    tpu.vector_store %arg14[%swap3A_802], %swap3A_805 {strides = array<i32>} : memref<128xi32, #tpu.memory_space<vmem>>, vector<16xi32>,
    %get3A_806 = arith.constant 864 : index
    %get3A_807 = tpu.vector_load %arg10[%get3A_806] {strides = array<i32>} : memref<1600xi32, #tpu.memory_space<vmem>>, vector<16xi32>,
    %get3A_808 = vector.shape_cast %get3A_807 : vector<16xi32> to vector<16xi32>
    %mul3A_809 = arith.constant 1000 : i32
    %mul3A_810 = vector.broadcast %mul3A_809 : i32 to vector<16xi32>
    %mul3A_811 = arith.muli %get3A_808, %mul3A_810 : vector<16xi32>
    %get3A_812 = arith.constant 864 : index
    %get3A_813 = tpu.vector_load %arg11[%get3A_812] {strides = array<i32>} : memref<1600xi32, #tpu.memory_space<vmem>>, vector<16xi32>,
    %get3A_814 = vector.shape_cast %get3A_813 : vector<16xi32> to vector<16xi32>
    %add3A_815 = arith.addi %mul3A_811, %get3A_814 : vector<16xi32>
    %swap3A_816 = arith.constant 96 : index
    %swap3A_817 = tpu.vector_load %arg14[%swap3A_816] {strides = array<i32>} : memref<128xi32, #tpu.memory_space<vmem>>, vector<16xi32>,
    %swap3A_818 = vector.shape_cast %swap3A_817 : vector<16xi32> to vector<16xi32>
    %swap3A_819 = vector.shape_cast %add3A_815 : vector<16xi32> to vector<16xi32>
    tpu.vector_store %arg14[%swap3A_816], %swap3A_819 {strides = array<i32>} : memref<128xi32, #tpu.memory_space<vmem>>, vector<16xi32>,
    %get3A_820 = arith.constant 880 : index
    %get3A_821 = tpu.vector_load %arg10[%get3A_820] {strides = array<i32>} : memref<1600xi32, #tpu.memory_space<vmem>>, vector<16xi32>,
    %get3A_822 = vector.shape_cast %get3A_821 : vector<16xi32> to vector<16xi32>
    %mul3A_823 = arith.constant 1000 : i32
    %mul3A_824 = vector.broadcast %mul3A_823 : i32 to vector<16xi32>
    %mul3A_825 = arith.muli %get3A_822, %mul3A_824 : vector<16xi32>
    %get3A_826 = arith.constant 880 : index
    %get3A_827 = tpu.vector_load %arg11[%get3A_826] {strides = array<i32>} : memref<1600xi32, #tpu.memory_space<vmem>>, vector<16xi32>,
    %get3A_828 = vector.shape_cast %get3A_827 : vector<16xi32> to vector<16xi32>
    %add3A_829 = arith.addi %mul3A_825, %get3A_828 : vector<16xi32>
    %swap3A_830 = arith.constant 112 : index
    %swap3A_831 = tpu.vector_load %arg14[%swap3A_830] {strides = array<i32>} : memref<128xi32, #tpu.memory_space<vmem>>, vector<16xi32>,
    %swap3A_832 = vector.shape_cast %swap3A_831 : vector<16xi32> to vector<16xi32>
    %swap3A_833 = vector.shape_cast %add3A_829 : vector<16xi32> to vector<16xi32>
    tpu.vector_store %arg14[%swap3A_830], %swap3A_833 {strides = array<i32>} : memref<128xi32, #tpu.memory_space<vmem>>, vector<16xi32>,
    "tpu.region"() ({
      %run_scoped3A = tpu.sem_alloc : memref<!tpu.dma_semaphore, #tpu.memory_space<semaphore_mem>>
      %dma_start3A_1545 = arith.constant 0 : i32
      %dma_start3A_1546 = tpu.memref_slice %arg16[%dma_start3A_1545] : memref<1000000xf32, #tpu.memory_space<vmem_shared>> -> memref<1000000xf32, #tpu.memory_space<vmem_shared>>
      tpu.enqueue_indirect_dma source(%arg15 : memref<128xf32, #tpu.memory_space<vmem>>) target(%dma_start3A_1546 : memref<1000000xf32, #tpu.memory_space<vmem_shared>>) offsets(%arg14 : memref<128xi32, #tpu.memory_space<vmem>>) semaphore(%run_scoped3A : memref<!tpu.dma_semaphore, #tpu.memory_space<semaphore_mem>>) {add = true}
      %dma_wait3A_1547 = arith.constant 0 : i32
      %dma_wait3A_1548 = tpu.memref_slice %arg16[%dma_wait3A_1547] : memref<1000000xf32, #tpu.memory_space<vmem_shared>> -> memref<1000000xf32, #tpu.memory_space<vmem_shared>>
      tpu.wait_indirect_dma semaphore(%run_scoped3A : memref<!tpu.dma_semaphore, #tpu.memory_space<semaphore_mem>>) src(%arg15 : memref<128xf32, #tpu.memory_space<vmem>>) dst(%dma_wait3A_1548 : memref<1000000xf32, #tpu.memory_space<vmem_shared>>)
      tpu.yield
    }) : () -> ()
    %get3A_834 = arith.constant 896 : index
    %get3A_835 = tpu.vector_load %arg10[%get3A_834] {strides = array<i32>} : memref<1600xi32, #tpu.memory_space<vmem>>, vector<16xi32>,
    %get3A_836 = vector.shape_cast %get3A_835 : vector<16xi32> to vector<16xi32>
    %mul3A_837 = arith.constant 1000 : i32
    %mul3A_838 = vector.broadcast %mul3A_837 : i32 to vector<16xi32>
    %mul3A_839 = arith.muli %get3A_836, %mul3A_838 : vector<16xi32>
    %get3A_840 = arith.constant 896 : index
    %get3A_841 = tpu.vector_load %arg11[%get3A_840] {strides = array<i32>} : memref<1600xi32, #tpu.memory_space<vmem>>, vector<16xi32>,
    %get3A_842 = vector.shape_cast %get3A_841 : vector<16xi32> to vector<16xi32>
    %add3A_843 = arith.addi %mul3A_839, %get3A_842 : vector<16xi32>
    %swap3A_844 = arith.constant 0 : index
    %swap3A_845 = tpu.vector_load %arg14[%swap3A_844] {strides = array<i32>} : memref<128xi32, #tpu.memory_space<vmem>>, vector<16xi32>,
    %swap3A_846 = vector.shape_cast %swap3A_845 : vector<16xi32> to vector<16xi32>
    %swap3A_847 = vector.shape_cast %add3A_843 : vector<16xi32> to vector<16xi32>
    tpu.vector_store %arg14[%swap3A_844], %swap3A_847 {strides = array<i32>} : memref<128xi32, #tpu.memory_space<vmem>>, vector<16xi32>,
    %get3A_848 = arith.constant 912 : index
    %get3A_849 = tpu.vector_load %arg10[%get3A_848] {strides = array<i32>} : memref<1600xi32, #tpu.memory_space<vmem>>, vector<16xi32>,
    %get3A_850 = vector.shape_cast %get3A_849 : vector<16xi32> to vector<16xi32>
    %mul3A_851 = arith.constant 1000 : i32
    %mul3A_852 = vector.broadcast %mul3A_851 : i32 to vector<16xi32>
    %mul3A_853 = arith.muli %get3A_850, %mul3A_852 : vector<16xi32>
    %get3A_854 = arith.constant 912 : index
    %get3A_855 = tpu.vector_load %arg11[%get3A_854] {strides = array<i32>} : memref<1600xi32, #tpu.memory_space<vmem>>, vector<16xi32>,
    %get3A_856 = vector.shape_cast %get3A_855 : vector<16xi32> to vector<16xi32>
    %add3A_857 = arith.addi %mul3A_853, %get3A_856 : vector<16xi32>
    %swap3A_858 = arith.constant 16 : index
    %swap3A_859 = tpu.vector_load %arg14[%swap3A_858] {strides = array<i32>} : memref<128xi32, #tpu.memory_space<vmem>>, vector<16xi32>,
    %swap3A_860 = vector.shape_cast %swap3A_859 : vector<16xi32> to vector<16xi32>
    %swap3A_861 = vector.shape_cast %add3A_857 : vector<16xi32> to vector<16xi32>
    tpu.vector_store %arg14[%swap3A_858], %swap3A_861 {strides = array<i32>} : memref<128xi32, #tpu.memory_space<vmem>>, vector<16xi32>,
    %get3A_862 = arith.constant 928 : index
    %get3A_863 = tpu.vector_load %arg10[%get3A_862] {strides = array<i32>} : memref<1600xi32, #tpu.memory_space<vmem>>, vector<16xi32>,
    %get3A_864 = vector.shape_cast %get3A_863 : vector<16xi32> to vector<16xi32>
    %mul3A_865 = arith.constant 1000 : i32
    %mul3A_866 = vector.broadcast %mul3A_865 : i32 to vector<16xi32>
    %mul3A_867 = arith.muli %get3A_864, %mul3A_866 : vector<16xi32>
    %get3A_868 = arith.constant 928 : index
    %get3A_869 = tpu.vector_load %arg11[%get3A_868] {strides = array<i32>} : memref<1600xi32, #tpu.memory_space<vmem>>, vector<16xi32>,
    %get3A_870 = vector.shape_cast %get3A_869 : vector<16xi32> to vector<16xi32>
    %add3A_871 = arith.addi %mul3A_867, %get3A_870 : vector<16xi32>
    %swap3A_872 = arith.constant 32 : index
    %swap3A_873 = tpu.vector_load %arg14[%swap3A_872] {strides = array<i32>} : memref<128xi32, #tpu.memory_space<vmem>>, vector<16xi32>,
    %swap3A_874 = vector.shape_cast %swap3A_873 : vector<16xi32> to vector<16xi32>
    %swap3A_875 = vector.shape_cast %add3A_871 : vector<16xi32> to vector<16xi32>
    tpu.vector_store %arg14[%swap3A_872], %swap3A_875 {strides = array<i32>} : memref<128xi32, #tpu.memory_space<vmem>>, vector<16xi32>,
    %get3A_876 = arith.constant 944 : index
    %get3A_877 = tpu.vector_load %arg10[%get3A_876] {strides = array<i32>} : memref<1600xi32, #tpu.memory_space<vmem>>, vector<16xi32>,
    %get3A_878 = vector.shape_cast %get3A_877 : vector<16xi32> to vector<16xi32>
    %mul3A_879 = arith.constant 1000 : i32
    %mul3A_880 = vector.broadcast %mul3A_879 : i32 to vector<16xi32>
    %mul3A_881 = arith.muli %get3A_878, %mul3A_880 : vector<16xi32>
    %get3A_882 = arith.constant 944 : index
    %get3A_883 = tpu.vector_load %arg11[%get3A_882] {strides = array<i32>} : memref<1600xi32, #tpu.memory_space<vmem>>, vector<16xi32>,
    %get3A_884 = vector.shape_cast %get3A_883 : vector<16xi32> to vector<16xi32>
    %add3A_885 = arith.addi %mul3A_881, %get3A_884 : vector<16xi32>
    %swap3A_886 = arith.constant 48 : index
    %swap3A_887 = tpu.vector_load %arg14[%swap3A_886] {strides = array<i32>} : memref<128xi32, #tpu.memory_space<vmem>>, vector<16xi32>,
    %swap3A_888 = vector.shape_cast %swap3A_887 : vector<16xi32> to vector<16xi32>
    %swap3A_889 = vector.shape_cast %add3A_885 : vector<16xi32> to vector<16xi32>
    tpu.vector_store %arg14[%swap3A_886], %swap3A_889 {strides = array<i32>} : memref<128xi32, #tpu.memory_space<vmem>>, vector<16xi32>,
    %get3A_890 = arith.constant 960 : index
    %get3A_891 = tpu.vector_load %arg10[%get3A_890] {strides = array<i32>} : memref<1600xi32, #tpu.memory_space<vmem>>, vector<16xi32>,
    %get3A_892 = vector.shape_cast %get3A_891 : vector<16xi32> to vector<16xi32>
    %mul3A_893 = arith.constant 1000 : i32
    %mul3A_894 = vector.broadcast %mul3A_893 : i32 to vector<16xi32>
    %mul3A_895 = arith.muli %get3A_892, %mul3A_894 : vector<16xi32>
    %get3A_896 = arith.constant 960 : index
    %get3A_897 = tpu.vector_load %arg11[%get3A_896] {strides = array<i32>} : memref<1600xi32, #tpu.memory_space<vmem>>, vector<16xi32>,
    %get3A_898 = vector.shape_cast %get3A_897 : vector<16xi32> to vector<16xi32>
    %add3A_899 = arith.addi %mul3A_895, %get3A_898 : vector<16xi32>
    %swap3A_900 = arith.constant 64 : index
    %swap3A_901 = tpu.vector_load %arg14[%swap3A_900] {strides = array<i32>} : memref<128xi32, #tpu.memory_space<vmem>>, vector<16xi32>,
    %swap3A_902 = vector.shape_cast %swap3A_901 : vector<16xi32> to vector<16xi32>
    %swap3A_903 = vector.shape_cast %add3A_899 : vector<16xi32> to vector<16xi32>
    tpu.vector_store %arg14[%swap3A_900], %swap3A_903 {strides = array<i32>} : memref<128xi32, #tpu.memory_space<vmem>>, vector<16xi32>,
    %get3A_904 = arith.constant 976 : index
    %get3A_905 = tpu.vector_load %arg10[%get3A_904] {strides = array<i32>} : memref<1600xi32, #tpu.memory_space<vmem>>, vector<16xi32>,
    %get3A_906 = vector.shape_cast %get3A_905 : vector<16xi32> to vector<16xi32>
    %mul3A_907 = arith.constant 1000 : i32
    %mul3A_908 = vector.broadcast %mul3A_907 : i32 to vector<16xi32>
    %mul3A_909 = arith.muli %get3A_906, %mul3A_908 : vector<16xi32>
    %get3A_910 = arith.constant 976 : index
    %get3A_911 = tpu.vector_load %arg11[%get3A_910] {strides = array<i32>} : memref<1600xi32, #tpu.memory_space<vmem>>, vector<16xi32>,
    %get3A_912 = vector.shape_cast %get3A_911 : vector<16xi32> to vector<16xi32>
    %add3A_913 = arith.addi %mul3A_909, %get3A_912 : vector<16xi32>
    %swap3A_914 = arith.constant 80 : index
    %swap3A_915 = tpu.vector_load %arg14[%swap3A_914] {strides = array<i32>} : memref<128xi32, #tpu.memory_space<vmem>>, vector<16xi32>,
    %swap3A_916 = vector.shape_cast %swap3A_915 : vector<16xi32> to vector<16xi32>
    %swap3A_917 = vector.shape_cast %add3A_913 : vector<16xi32> to vector<16xi32>
    tpu.vector_store %arg14[%swap3A_914], %swap3A_917 {strides = array<i32>} : memref<128xi32, #tpu.memory_space<vmem>>, vector<16xi32>,
    %get3A_918 = arith.constant 992 : index
    %get3A_919 = tpu.vector_load %arg10[%get3A_918] {strides = array<i32>} : memref<1600xi32, #tpu.memory_space<vmem>>, vector<16xi32>,
    %get3A_920 = vector.shape_cast %get3A_919 : vector<16xi32> to vector<16xi32>
    %mul3A_921 = arith.constant 1000 : i32
    %mul3A_922 = vector.broadcast %mul3A_921 : i32 to vector<16xi32>
    %mul3A_923 = arith.muli %get3A_920, %mul3A_922 : vector<16xi32>
    %get3A_924 = arith.constant 992 : index
    %get3A_925 = tpu.vector_load %arg11[%get3A_924] {strides = array<i32>} : memref<1600xi32, #tpu.memory_space<vmem>>, vector<16xi32>,
    %get3A_926 = vector.shape_cast %get3A_925 : vector<16xi32> to vector<16xi32>
    %add3A_927 = arith.addi %mul3A_923, %get3A_926 : vector<16xi32>
    %swap3A_928 = arith.constant 96 : index
    %swap3A_929 = tpu.vector_load %arg14[%swap3A_928] {strides = array<i32>} : memref<128xi32, #tpu.memory_space<vmem>>, vector<16xi32>,
    %swap3A_930 = vector.shape_cast %swap3A_929 : vector<16xi32> to vector<16xi32>
    %swap3A_931 = vector.shape_cast %add3A_927 : vector<16xi32> to vector<16xi32>
    tpu.vector_store %arg14[%swap3A_928], %swap3A_931 {strides = array<i32>} : memref<128xi32, #tpu.memory_space<vmem>>, vector<16xi32>,
    %get3A_932 = arith.constant 1008 : index
    %get3A_933 = tpu.vector_load %arg10[%get3A_932] {strides = array<i32>} : memref<1600xi32, #tpu.memory_space<vmem>>, vector<16xi32>,
    %get3A_934 = vector.shape_cast %get3A_933 : vector<16xi32> to vector<16xi32>
    %mul3A_935 = arith.constant 1000 : i32
    %mul3A_936 = vector.broadcast %mul3A_935 : i32 to vector<16xi32>
    %mul3A_937 = arith.muli %get3A_934, %mul3A_936 : vector<16xi32>
    %get3A_938 = arith.constant 1008 : index
    %get3A_939 = tpu.vector_load %arg11[%get3A_938] {strides = array<i32>} : memref<1600xi32, #tpu.memory_space<vmem>>, vector<16xi32>,
    %get3A_940 = vector.shape_cast %get3A_939 : vector<16xi32> to vector<16xi32>
    %add3A_941 = arith.addi %mul3A_937, %get3A_940 : vector<16xi32>
    %swap3A_942 = arith.constant 112 : index
    %swap3A_943 = tpu.vector_load %arg14[%swap3A_942] {strides = array<i32>} : memref<128xi32, #tpu.memory_space<vmem>>, vector<16xi32>,
    %swap3A_944 = vector.shape_cast %swap3A_943 : vector<16xi32> to vector<16xi32>
    %swap3A_945 = vector.shape_cast %add3A_941 : vector<16xi32> to vector<16xi32>
    tpu.vector_store %arg14[%swap3A_942], %swap3A_945 {strides = array<i32>} : memref<128xi32, #tpu.memory_space<vmem>>, vector<16xi32>,
    "tpu.region"() ({
      %run_scoped3A = tpu.sem_alloc : memref<!tpu.dma_semaphore, #tpu.memory_space<semaphore_mem>>
      %dma_start3A_1545 = arith.constant 0 : i32
      %dma_start3A_1546 = tpu.memref_slice %arg16[%dma_start3A_1545] : memref<1000000xf32, #tpu.memory_space<vmem_shared>> -> memref<1000000xf32, #tpu.memory_space<vmem_shared>>
      tpu.enqueue_indirect_dma source(%arg15 : memref<128xf32, #tpu.memory_space<vmem>>) target(%dma_start3A_1546 : memref<1000000xf32, #tpu.memory_space<vmem_shared>>) offsets(%arg14 : memref<128xi32, #tpu.memory_space<vmem>>) semaphore(%run_scoped3A : memref<!tpu.dma_semaphore, #tpu.memory_space<semaphore_mem>>) {add = true}
      %dma_wait3A_1547 = arith.constant 0 : i32
      %dma_wait3A_1548 = tpu.memref_slice %arg16[%dma_wait3A_1547] : memref<1000000xf32, #tpu.memory_space<vmem_shared>> -> memref<1000000xf32, #tpu.memory_space<vmem_shared>>
      tpu.wait_indirect_dma semaphore(%run_scoped3A : memref<!tpu.dma_semaphore, #tpu.memory_space<semaphore_mem>>) src(%arg15 : memref<128xf32, #tpu.memory_space<vmem>>) dst(%dma_wait3A_1548 : memref<1000000xf32, #tpu.memory_space<vmem_shared>>)
      tpu.yield
    }) : () -> ()
    %get3A_946 = arith.constant 1024 : index
    %get3A_947 = tpu.vector_load %arg10[%get3A_946] {strides = array<i32>} : memref<1600xi32, #tpu.memory_space<vmem>>, vector<16xi32>,
    %get3A_948 = vector.shape_cast %get3A_947 : vector<16xi32> to vector<16xi32>
    %mul3A_949 = arith.constant 1000 : i32
    %mul3A_950 = vector.broadcast %mul3A_949 : i32 to vector<16xi32>
    %mul3A_951 = arith.muli %get3A_948, %mul3A_950 : vector<16xi32>
    %get3A_952 = arith.constant 1024 : index
    %get3A_953 = tpu.vector_load %arg11[%get3A_952] {strides = array<i32>} : memref<1600xi32, #tpu.memory_space<vmem>>, vector<16xi32>,
    %get3A_954 = vector.shape_cast %get3A_953 : vector<16xi32> to vector<16xi32>
    %add3A_955 = arith.addi %mul3A_951, %get3A_954 : vector<16xi32>
    %swap3A_956 = arith.constant 0 : index
    %swap3A_957 = tpu.vector_load %arg14[%swap3A_956] {strides = array<i32>} : memref<128xi32, #tpu.memory_space<vmem>>, vector<16xi32>,
    %swap3A_958 = vector.shape_cast %swap3A_957 : vector<16xi32> to vector<16xi32>
    %swap3A_959 = vector.shape_cast %add3A_955 : vector<16xi32> to vector<16xi32>
    tpu.vector_store %arg14[%swap3A_956], %swap3A_959 {strides = array<i32>} : memref<128xi32, #tpu.memory_space<vmem>>, vector<16xi32>,
    %get3A_960 = arith.constant 1040 : index
    %get3A_961 = tpu.vector_load %arg10[%get3A_960] {strides = array<i32>} : memref<1600xi32, #tpu.memory_space<vmem>>, vector<16xi32>,
    %get3A_962 = vector.shape_cast %get3A_961 : vector<16xi32> to vector<16xi32>
    %mul3A_963 = arith.constant 1000 : i32
    %mul3A_964 = vector.broadcast %mul3A_963 : i32 to vector<16xi32>
    %mul3A_965 = arith.muli %get3A_962, %mul3A_964 : vector<16xi32>
    %get3A_966 = arith.constant 1040 : index
    %get3A_967 = tpu.vector_load %arg11[%get3A_966] {strides = array<i32>} : memref<1600xi32, #tpu.memory_space<vmem>>, vector<16xi32>,
    %get3A_968 = vector.shape_cast %get3A_967 : vector<16xi32> to vector<16xi32>
    %add3A_969 = arith.addi %mul3A_965, %get3A_968 : vector<16xi32>
    %swap3A_970 = arith.constant 16 : index
    %swap3A_971 = tpu.vector_load %arg14[%swap3A_970] {strides = array<i32>} : memref<128xi32, #tpu.memory_space<vmem>>, vector<16xi32>,
    %swap3A_972 = vector.shape_cast %swap3A_971 : vector<16xi32> to vector<16xi32>
    %swap3A_973 = vector.shape_cast %add3A_969 : vector<16xi32> to vector<16xi32>
    tpu.vector_store %arg14[%swap3A_970], %swap3A_973 {strides = array<i32>} : memref<128xi32, #tpu.memory_space<vmem>>, vector<16xi32>,
    %get3A_974 = arith.constant 1056 : index
    %get3A_975 = tpu.vector_load %arg10[%get3A_974] {strides = array<i32>} : memref<1600xi32, #tpu.memory_space<vmem>>, vector<16xi32>,
    %get3A_976 = vector.shape_cast %get3A_975 : vector<16xi32> to vector<16xi32>
    %mul3A_977 = arith.constant 1000 : i32
    %mul3A_978 = vector.broadcast %mul3A_977 : i32 to vector<16xi32>
    %mul3A_979 = arith.muli %get3A_976, %mul3A_978 : vector<16xi32>
    %get3A_980 = arith.constant 1056 : index
    %get3A_981 = tpu.vector_load %arg11[%get3A_980] {strides = array<i32>} : memref<1600xi32, #tpu.memory_space<vmem>>, vector<16xi32>,
    %get3A_982 = vector.shape_cast %get3A_981 : vector<16xi32> to vector<16xi32>
    %add3A_983 = arith.addi %mul3A_979, %get3A_982 : vector<16xi32>
    %swap3A_984 = arith.constant 32 : index
    %swap3A_985 = tpu.vector_load %arg14[%swap3A_984] {strides = array<i32>} : memref<128xi32, #tpu.memory_space<vmem>>, vector<16xi32>,
    %swap3A_986 = vector.shape_cast %swap3A_985 : vector<16xi32> to vector<16xi32>
    %swap3A_987 = vector.shape_cast %add3A_983 : vector<16xi32> to vector<16xi32>
    tpu.vector_store %arg14[%swap3A_984], %swap3A_987 {strides = array<i32>} : memref<128xi32, #tpu.memory_space<vmem>>, vector<16xi32>,
    %get3A_988 = arith.constant 1072 : index
    %get3A_989 = tpu.vector_load %arg10[%get3A_988] {strides = array<i32>} : memref<1600xi32, #tpu.memory_space<vmem>>, vector<16xi32>,
    %get3A_990 = vector.shape_cast %get3A_989 : vector<16xi32> to vector<16xi32>
    %mul3A_991 = arith.constant 1000 : i32
    %mul3A_992 = vector.broadcast %mul3A_991 : i32 to vector<16xi32>
    %mul3A_993 = arith.muli %get3A_990, %mul3A_992 : vector<16xi32>
    %get3A_994 = arith.constant 1072 : index
    %get3A_995 = tpu.vector_load %arg11[%get3A_994] {strides = array<i32>} : memref<1600xi32, #tpu.memory_space<vmem>>, vector<16xi32>,
    %get3A_996 = vector.shape_cast %get3A_995 : vector<16xi32> to vector<16xi32>
    %add3A_997 = arith.addi %mul3A_993, %get3A_996 : vector<16xi32>
    %swap3A_998 = arith.constant 48 : index
    %swap3A_999 = tpu.vector_load %arg14[%swap3A_998] {strides = array<i32>} : memref<128xi32, #tpu.memory_space<vmem>>, vector<16xi32>,
    %swap3A_1000 = vector.shape_cast %swap3A_999 : vector<16xi32> to vector<16xi32>
    %swap3A_1001 = vector.shape_cast %add3A_997 : vector<16xi32> to vector<16xi32>
    tpu.vector_store %arg14[%swap3A_998], %swap3A_1001 {strides = array<i32>} : memref<128xi32, #tpu.memory_space<vmem>>, vector<16xi32>,
    %get3A_1002 = arith.constant 1088 : index
    %get3A_1003 = tpu.vector_load %arg10[%get3A_1002] {strides = array<i32>} : memref<1600xi32, #tpu.memory_space<vmem>>, vector<16xi32>,
    %get3A_1004 = vector.shape_cast %get3A_1003 : vector<16xi32> to vector<16xi32>
    %mul3A_1005 = arith.constant 1000 : i32
    %mul3A_1006 = vector.broadcast %mul3A_1005 : i32 to vector<16xi32>
    %mul3A_1007 = arith.muli %get3A_1004, %mul3A_1006 : vector<16xi32>
    %get3A_1008 = arith.constant 1088 : index
    %get3A_1009 = tpu.vector_load %arg11[%get3A_1008] {strides = array<i32>} : memref<1600xi32, #tpu.memory_space<vmem>>, vector<16xi32>,
    %get3A_1010 = vector.shape_cast %get3A_1009 : vector<16xi32> to vector<16xi32>
    %add3A_1011 = arith.addi %mul3A_1007, %get3A_1010 : vector<16xi32>
    %swap3A_1012 = arith.constant 64 : index
    %swap3A_1013 = tpu.vector_load %arg14[%swap3A_1012] {strides = array<i32>} : memref<128xi32, #tpu.memory_space<vmem>>, vector<16xi32>,
    %swap3A_1014 = vector.shape_cast %swap3A_1013 : vector<16xi32> to vector<16xi32>
    %swap3A_1015 = vector.shape_cast %add3A_1011 : vector<16xi32> to vector<16xi32>
    tpu.vector_store %arg14[%swap3A_1012], %swap3A_1015 {strides = array<i32>} : memref<128xi32, #tpu.memory_space<vmem>>, vector<16xi32>,
    %get3A_1016 = arith.constant 1104 : index
    %get3A_1017 = tpu.vector_load %arg10[%get3A_1016] {strides = array<i32>} : memref<1600xi32, #tpu.memory_space<vmem>>, vector<16xi32>,
    %get3A_1018 = vector.shape_cast %get3A_1017 : vector<16xi32> to vector<16xi32>
    %mul3A_1019 = arith.constant 1000 : i32
    %mul3A_1020 = vector.broadcast %mul3A_1019 : i32 to vector<16xi32>
    %mul3A_1021 = arith.muli %get3A_1018, %mul3A_1020 : vector<16xi32>
    %get3A_1022 = arith.constant 1104 : index
    %get3A_1023 = tpu.vector_load %arg11[%get3A_1022] {strides = array<i32>} : memref<1600xi32, #tpu.memory_space<vmem>>, vector<16xi32>,
    %get3A_1024 = vector.shape_cast %get3A_1023 : vector<16xi32> to vector<16xi32>
    %add3A_1025 = arith.addi %mul3A_1021, %get3A_1024 : vector<16xi32>
    %swap3A_1026 = arith.constant 80 : index
    %swap3A_1027 = tpu.vector_load %arg14[%swap3A_1026] {strides = array<i32>} : memref<128xi32, #tpu.memory_space<vmem>>, vector<16xi32>,
    %swap3A_1028 = vector.shape_cast %swap3A_1027 : vector<16xi32> to vector<16xi32>
    %swap3A_1029 = vector.shape_cast %add3A_1025 : vector<16xi32> to vector<16xi32>
    tpu.vector_store %arg14[%swap3A_1026], %swap3A_1029 {strides = array<i32>} : memref<128xi32, #tpu.memory_space<vmem>>, vector<16xi32>,
    %get3A_1030 = arith.constant 1120 : index
    %get3A_1031 = tpu.vector_load %arg10[%get3A_1030] {strides = array<i32>} : memref<1600xi32, #tpu.memory_space<vmem>>, vector<16xi32>,
    %get3A_1032 = vector.shape_cast %get3A_1031 : vector<16xi32> to vector<16xi32>
    %mul3A_1033 = arith.constant 1000 : i32
    %mul3A_1034 = vector.broadcast %mul3A_1033 : i32 to vector<16xi32>
    %mul3A_1035 = arith.muli %get3A_1032, %mul3A_1034 : vector<16xi32>
    %get3A_1036 = arith.constant 1120 : index
    %get3A_1037 = tpu.vector_load %arg11[%get3A_1036] {strides = array<i32>} : memref<1600xi32, #tpu.memory_space<vmem>>, vector<16xi32>,
    %get3A_1038 = vector.shape_cast %get3A_1037 : vector<16xi32> to vector<16xi32>
    %add3A_1039 = arith.addi %mul3A_1035, %get3A_1038 : vector<16xi32>
    %swap3A_1040 = arith.constant 96 : index
    %swap3A_1041 = tpu.vector_load %arg14[%swap3A_1040] {strides = array<i32>} : memref<128xi32, #tpu.memory_space<vmem>>, vector<16xi32>,
    %swap3A_1042 = vector.shape_cast %swap3A_1041 : vector<16xi32> to vector<16xi32>
    %swap3A_1043 = vector.shape_cast %add3A_1039 : vector<16xi32> to vector<16xi32>
    tpu.vector_store %arg14[%swap3A_1040], %swap3A_1043 {strides = array<i32>} : memref<128xi32, #tpu.memory_space<vmem>>, vector<16xi32>,
    %get3A_1044 = arith.constant 1136 : index
    %get3A_1045 = tpu.vector_load %arg10[%get3A_1044] {strides = array<i32>} : memref<1600xi32, #tpu.memory_space<vmem>>, vector<16xi32>,
    %get3A_1046 = vector.shape_cast %get3A_1045 : vector<16xi32> to vector<16xi32>
    %mul3A_1047 = arith.constant 1000 : i32
    %mul3A_1048 = vector.broadcast %mul3A_1047 : i32 to vector<16xi32>
    %mul3A_1049 = arith.muli %get3A_1046, %mul3A_1048 : vector<16xi32>
    %get3A_1050 = arith.constant 1136 : index
    %get3A_1051 = tpu.vector_load %arg11[%get3A_1050] {strides = array<i32>} : memref<1600xi32, #tpu.memory_space<vmem>>, vector<16xi32>,
    %get3A_1052 = vector.shape_cast %get3A_1051 : vector<16xi32> to vector<16xi32>
    %add3A_1053 = arith.addi %mul3A_1049, %get3A_1052 : vector<16xi32>
    %swap3A_1054 = arith.constant 112 : index
    %swap3A_1055 = tpu.vector_load %arg14[%swap3A_1054] {strides = array<i32>} : memref<128xi32, #tpu.memory_space<vmem>>, vector<16xi32>,
    %swap3A_1056 = vector.shape_cast %swap3A_1055 : vector<16xi32> to vector<16xi32>
    %swap3A_1057 = vector.shape_cast %add3A_1053 : vector<16xi32> to vector<16xi32>
    tpu.vector_store %arg14[%swap3A_1054], %swap3A_1057 {strides = array<i32>} : memref<128xi32, #tpu.memory_space<vmem>>, vector<16xi32>,
    "tpu.region"() ({
      %run_scoped3A = tpu.sem_alloc : memref<!tpu.dma_semaphore, #tpu.memory_space<semaphore_mem>>
      %dma_start3A_1545 = arith.constant 0 : i32
      %dma_start3A_1546 = tpu.memref_slice %arg16[%dma_start3A_1545] : memref<1000000xf32, #tpu.memory_space<vmem_shared>> -> memref<1000000xf32, #tpu.memory_space<vmem_shared>>
      tpu.enqueue_indirect_dma source(%arg15 : memref<128xf32, #tpu.memory_space<vmem>>) target(%dma_start3A_1546 : memref<1000000xf32, #tpu.memory_space<vmem_shared>>) offsets(%arg14 : memref<128xi32, #tpu.memory_space<vmem>>) semaphore(%run_scoped3A : memref<!tpu.dma_semaphore, #tpu.memory_space<semaphore_mem>>) {add = true}
      %dma_wait3A_1547 = arith.constant 0 : i32
      %dma_wait3A_1548 = tpu.memref_slice %arg16[%dma_wait3A_1547] : memref<1000000xf32, #tpu.memory_space<vmem_shared>> -> memref<1000000xf32, #tpu.memory_space<vmem_shared>>
      tpu.wait_indirect_dma semaphore(%run_scoped3A : memref<!tpu.dma_semaphore, #tpu.memory_space<semaphore_mem>>) src(%arg15 : memref<128xf32, #tpu.memory_space<vmem>>) dst(%dma_wait3A_1548 : memref<1000000xf32, #tpu.memory_space<vmem_shared>>)
      tpu.yield
    }) : () -> ()
    %get3A_1058 = arith.constant 1152 : index
    %get3A_1059 = tpu.vector_load %arg10[%get3A_1058] {strides = array<i32>} : memref<1600xi32, #tpu.memory_space<vmem>>, vector<16xi32>,
    %get3A_1060 = vector.shape_cast %get3A_1059 : vector<16xi32> to vector<16xi32>
    %mul3A_1061 = arith.constant 1000 : i32
    %mul3A_1062 = vector.broadcast %mul3A_1061 : i32 to vector<16xi32>
    %mul3A_1063 = arith.muli %get3A_1060, %mul3A_1062 : vector<16xi32>
    %get3A_1064 = arith.constant 1152 : index
    %get3A_1065 = tpu.vector_load %arg11[%get3A_1064] {strides = array<i32>} : memref<1600xi32, #tpu.memory_space<vmem>>, vector<16xi32>,
    %get3A_1066 = vector.shape_cast %get3A_1065 : vector<16xi32> to vector<16xi32>
    %add3A_1067 = arith.addi %mul3A_1063, %get3A_1066 : vector<16xi32>
    %swap3A_1068 = arith.constant 0 : index
    %swap3A_1069 = tpu.vector_load %arg14[%swap3A_1068] {strides = array<i32>} : memref<128xi32, #tpu.memory_space<vmem>>, vector<16xi32>,
    %swap3A_1070 = vector.shape_cast %swap3A_1069 : vector<16xi32> to vector<16xi32>
    %swap3A_1071 = vector.shape_cast %add3A_1067 : vector<16xi32> to vector<16xi32>
    tpu.vector_store %arg14[%swap3A_1068], %swap3A_1071 {strides = array<i32>} : memref<128xi32, #tpu.memory_space<vmem>>, vector<16xi32>,
    %get3A_1072 = arith.constant 1168 : index
    %get3A_1073 = tpu.vector_load %arg10[%get3A_1072] {strides = array<i32>} : memref<1600xi32, #tpu.memory_space<vmem>>, vector<16xi32>,
    %get3A_1074 = vector.shape_cast %get3A_1073 : vector<16xi32> to vector<16xi32>
    %mul3A_1075 = arith.constant 1000 : i32
    %mul3A_1076 = vector.broadcast %mul3A_1075 : i32 to vector<16xi32>
    %mul3A_1077 = arith.muli %get3A_1074, %mul3A_1076 : vector<16xi32>
    %get3A_1078 = arith.constant 1168 : index
    %get3A_1079 = tpu.vector_load %arg11[%get3A_1078] {strides = array<i32>} : memref<1600xi32, #tpu.memory_space<vmem>>, vector<16xi32>,
    %get3A_1080 = vector.shape_cast %get3A_1079 : vector<16xi32> to vector<16xi32>
    %add3A_1081 = arith.addi %mul3A_1077, %get3A_1080 : vector<16xi32>
    %swap3A_1082 = arith.constant 16 : index
    %swap3A_1083 = tpu.vector_load %arg14[%swap3A_1082] {strides = array<i32>} : memref<128xi32, #tpu.memory_space<vmem>>, vector<16xi32>,
    %swap3A_1084 = vector.shape_cast %swap3A_1083 : vector<16xi32> to vector<16xi32>
    %swap3A_1085 = vector.shape_cast %add3A_1081 : vector<16xi32> to vector<16xi32>
    tpu.vector_store %arg14[%swap3A_1082], %swap3A_1085 {strides = array<i32>} : memref<128xi32, #tpu.memory_space<vmem>>, vector<16xi32>,
    %get3A_1086 = arith.constant 1184 : index
    %get3A_1087 = tpu.vector_load %arg10[%get3A_1086] {strides = array<i32>} : memref<1600xi32, #tpu.memory_space<vmem>>, vector<16xi32>,
    %get3A_1088 = vector.shape_cast %get3A_1087 : vector<16xi32> to vector<16xi32>
    %mul3A_1089 = arith.constant 1000 : i32
    %mul3A_1090 = vector.broadcast %mul3A_1089 : i32 to vector<16xi32>
    %mul3A_1091 = arith.muli %get3A_1088, %mul3A_1090 : vector<16xi32>
    %get3A_1092 = arith.constant 1184 : index
    %get3A_1093 = tpu.vector_load %arg11[%get3A_1092] {strides = array<i32>} : memref<1600xi32, #tpu.memory_space<vmem>>, vector<16xi32>,
    %get3A_1094 = vector.shape_cast %get3A_1093 : vector<16xi32> to vector<16xi32>
    %add3A_1095 = arith.addi %mul3A_1091, %get3A_1094 : vector<16xi32>
    %swap3A_1096 = arith.constant 32 : index
    %swap3A_1097 = tpu.vector_load %arg14[%swap3A_1096] {strides = array<i32>} : memref<128xi32, #tpu.memory_space<vmem>>, vector<16xi32>,
    %swap3A_1098 = vector.shape_cast %swap3A_1097 : vector<16xi32> to vector<16xi32>
    %swap3A_1099 = vector.shape_cast %add3A_1095 : vector<16xi32> to vector<16xi32>
    tpu.vector_store %arg14[%swap3A_1096], %swap3A_1099 {strides = array<i32>} : memref<128xi32, #tpu.memory_space<vmem>>, vector<16xi32>,
    %get3A_1100 = arith.constant 1200 : index
    %get3A_1101 = tpu.vector_load %arg10[%get3A_1100] {strides = array<i32>} : memref<1600xi32, #tpu.memory_space<vmem>>, vector<16xi32>,
    %get3A_1102 = vector.shape_cast %get3A_1101 : vector<16xi32> to vector<16xi32>
    %mul3A_1103 = arith.constant 1000 : i32
    %mul3A_1104 = vector.broadcast %mul3A_1103 : i32 to vector<16xi32>
    %mul3A_1105 = arith.muli %get3A_1102, %mul3A_1104 : vector<16xi32>
    %get3A_1106 = arith.constant 1200 : index
    %get3A_1107 = tpu.vector_load %arg11[%get3A_1106] {strides = array<i32>} : memref<1600xi32, #tpu.memory_space<vmem>>, vector<16xi32>,
    %get3A_1108 = vector.shape_cast %get3A_1107 : vector<16xi32> to vector<16xi32>
    %add3A_1109 = arith.addi %mul3A_1105, %get3A_1108 : vector<16xi32>
    %swap3A_1110 = arith.constant 48 : index
    %swap3A_1111 = tpu.vector_load %arg14[%swap3A_1110] {strides = array<i32>} : memref<128xi32, #tpu.memory_space<vmem>>, vector<16xi32>,
    %swap3A_1112 = vector.shape_cast %swap3A_1111 : vector<16xi32> to vector<16xi32>
    %swap3A_1113 = vector.shape_cast %add3A_1109 : vector<16xi32> to vector<16xi32>
    tpu.vector_store %arg14[%swap3A_1110], %swap3A_1113 {strides = array<i32>} : memref<128xi32, #tpu.memory_space<vmem>>, vector<16xi32>,
    %get3A_1114 = arith.constant 1216 : index
    %get3A_1115 = tpu.vector_load %arg10[%get3A_1114] {strides = array<i32>} : memref<1600xi32, #tpu.memory_space<vmem>>, vector<16xi32>,
    %get3A_1116 = vector.shape_cast %get3A_1115 : vector<16xi32> to vector<16xi32>
    %mul3A_1117 = arith.constant 1000 : i32
    %mul3A_1118 = vector.broadcast %mul3A_1117 : i32 to vector<16xi32>
    %mul3A_1119 = arith.muli %get3A_1116, %mul3A_1118 : vector<16xi32>
    %get3A_1120 = arith.constant 1216 : index
    %get3A_1121 = tpu.vector_load %arg11[%get3A_1120] {strides = array<i32>} : memref<1600xi32, #tpu.memory_space<vmem>>, vector<16xi32>,
    %get3A_1122 = vector.shape_cast %get3A_1121 : vector<16xi32> to vector<16xi32>
    %add3A_1123 = arith.addi %mul3A_1119, %get3A_1122 : vector<16xi32>
    %swap3A_1124 = arith.constant 64 : index
    %swap3A_1125 = tpu.vector_load %arg14[%swap3A_1124] {strides = array<i32>} : memref<128xi32, #tpu.memory_space<vmem>>, vector<16xi32>,
    %swap3A_1126 = vector.shape_cast %swap3A_1125 : vector<16xi32> to vector<16xi32>
    %swap3A_1127 = vector.shape_cast %add3A_1123 : vector<16xi32> to vector<16xi32>
    tpu.vector_store %arg14[%swap3A_1124], %swap3A_1127 {strides = array<i32>} : memref<128xi32, #tpu.memory_space<vmem>>, vector<16xi32>,
    %get3A_1128 = arith.constant 1232 : index
    %get3A_1129 = tpu.vector_load %arg10[%get3A_1128] {strides = array<i32>} : memref<1600xi32, #tpu.memory_space<vmem>>, vector<16xi32>,
    %get3A_1130 = vector.shape_cast %get3A_1129 : vector<16xi32> to vector<16xi32>
    %mul3A_1131 = arith.constant 1000 : i32
    %mul3A_1132 = vector.broadcast %mul3A_1131 : i32 to vector<16xi32>
    %mul3A_1133 = arith.muli %get3A_1130, %mul3A_1132 : vector<16xi32>
    %get3A_1134 = arith.constant 1232 : index
    %get3A_1135 = tpu.vector_load %arg11[%get3A_1134] {strides = array<i32>} : memref<1600xi32, #tpu.memory_space<vmem>>, vector<16xi32>,
    %get3A_1136 = vector.shape_cast %get3A_1135 : vector<16xi32> to vector<16xi32>
    %add3A_1137 = arith.addi %mul3A_1133, %get3A_1136 : vector<16xi32>
    %swap3A_1138 = arith.constant 80 : index
    %swap3A_1139 = tpu.vector_load %arg14[%swap3A_1138] {strides = array<i32>} : memref<128xi32, #tpu.memory_space<vmem>>, vector<16xi32>,
    %swap3A_1140 = vector.shape_cast %swap3A_1139 : vector<16xi32> to vector<16xi32>
    %swap3A_1141 = vector.shape_cast %add3A_1137 : vector<16xi32> to vector<16xi32>
    tpu.vector_store %arg14[%swap3A_1138], %swap3A_1141 {strides = array<i32>} : memref<128xi32, #tpu.memory_space<vmem>>, vector<16xi32>,
    %get3A_1142 = arith.constant 1248 : index
    %get3A_1143 = tpu.vector_load %arg10[%get3A_1142] {strides = array<i32>} : memref<1600xi32, #tpu.memory_space<vmem>>, vector<16xi32>,
    %get3A_1144 = vector.shape_cast %get3A_1143 : vector<16xi32> to vector<16xi32>
    %mul3A_1145 = arith.constant 1000 : i32
    %mul3A_1146 = vector.broadcast %mul3A_1145 : i32 to vector<16xi32>
    %mul3A_1147 = arith.muli %get3A_1144, %mul3A_1146 : vector<16xi32>
    %get3A_1148 = arith.constant 1248 : index
    %get3A_1149 = tpu.vector_load %arg11[%get3A_1148] {strides = array<i32>} : memref<1600xi32, #tpu.memory_space<vmem>>, vector<16xi32>,
    %get3A_1150 = vector.shape_cast %get3A_1149 : vector<16xi32> to vector<16xi32>
    %add3A_1151 = arith.addi %mul3A_1147, %get3A_1150 : vector<16xi32>
    %swap3A_1152 = arith.constant 96 : index
    %swap3A_1153 = tpu.vector_load %arg14[%swap3A_1152] {strides = array<i32>} : memref<128xi32, #tpu.memory_space<vmem>>, vector<16xi32>,
    %swap3A_1154 = vector.shape_cast %swap3A_1153 : vector<16xi32> to vector<16xi32>
    %swap3A_1155 = vector.shape_cast %add3A_1151 : vector<16xi32> to vector<16xi32>
    tpu.vector_store %arg14[%swap3A_1152], %swap3A_1155 {strides = array<i32>} : memref<128xi32, #tpu.memory_space<vmem>>, vector<16xi32>,
    %get3A_1156 = arith.constant 1264 : index
    %get3A_1157 = tpu.vector_load %arg10[%get3A_1156] {strides = array<i32>} : memref<1600xi32, #tpu.memory_space<vmem>>, vector<16xi32>,
    %get3A_1158 = vector.shape_cast %get3A_1157 : vector<16xi32> to vector<16xi32>
    %mul3A_1159 = arith.constant 1000 : i32
    %mul3A_1160 = vector.broadcast %mul3A_1159 : i32 to vector<16xi32>
    %mul3A_1161 = arith.muli %get3A_1158, %mul3A_1160 : vector<16xi32>
    %get3A_1162 = arith.constant 1264 : index
    %get3A_1163 = tpu.vector_load %arg11[%get3A_1162] {strides = array<i32>} : memref<1600xi32, #tpu.memory_space<vmem>>, vector<16xi32>,
    %get3A_1164 = vector.shape_cast %get3A_1163 : vector<16xi32> to vector<16xi32>
    %add3A_1165 = arith.addi %mul3A_1161, %get3A_1164 : vector<16xi32>
    %swap3A_1166 = arith.constant 112 : index
    %swap3A_1167 = tpu.vector_load %arg14[%swap3A_1166] {strides = array<i32>} : memref<128xi32, #tpu.memory_space<vmem>>, vector<16xi32>,
    %swap3A_1168 = vector.shape_cast %swap3A_1167 : vector<16xi32> to vector<16xi32>
    %swap3A_1169 = vector.shape_cast %add3A_1165 : vector<16xi32> to vector<16xi32>
    tpu.vector_store %arg14[%swap3A_1166], %swap3A_1169 {strides = array<i32>} : memref<128xi32, #tpu.memory_space<vmem>>, vector<16xi32>,
    "tpu.region"() ({
      %run_scoped3A = tpu.sem_alloc : memref<!tpu.dma_semaphore, #tpu.memory_space<semaphore_mem>>
      %dma_start3A_1545 = arith.constant 0 : i32
      %dma_start3A_1546 = tpu.memref_slice %arg16[%dma_start3A_1545] : memref<1000000xf32, #tpu.memory_space<vmem_shared>> -> memref<1000000xf32, #tpu.memory_space<vmem_shared>>
      tpu.enqueue_indirect_dma source(%arg15 : memref<128xf32, #tpu.memory_space<vmem>>) target(%dma_start3A_1546 : memref<1000000xf32, #tpu.memory_space<vmem_shared>>) offsets(%arg14 : memref<128xi32, #tpu.memory_space<vmem>>) semaphore(%run_scoped3A : memref<!tpu.dma_semaphore, #tpu.memory_space<semaphore_mem>>) {add = true}
      %dma_wait3A_1547 = arith.constant 0 : i32
      %dma_wait3A_1548 = tpu.memref_slice %arg16[%dma_wait3A_1547] : memref<1000000xf32, #tpu.memory_space<vmem_shared>> -> memref<1000000xf32, #tpu.memory_space<vmem_shared>>
      tpu.wait_indirect_dma semaphore(%run_scoped3A : memref<!tpu.dma_semaphore, #tpu.memory_space<semaphore_mem>>) src(%arg15 : memref<128xf32, #tpu.memory_space<vmem>>) dst(%dma_wait3A_1548 : memref<1000000xf32, #tpu.memory_space<vmem_shared>>)
      tpu.yield
    }) : () -> ()
    %get3A_1170 = arith.constant 1280 : index
    %get3A_1171 = tpu.vector_load %arg10[%get3A_1170] {strides = array<i32>} : memref<1600xi32, #tpu.memory_space<vmem>>, vector<16xi32>,
    %get3A_1172 = vector.shape_cast %get3A_1171 : vector<16xi32> to vector<16xi32>
    %mul3A_1173 = arith.constant 1000 : i32
    %mul3A_1174 = vector.broadcast %mul3A_1173 : i32 to vector<16xi32>
    %mul3A_1175 = arith.muli %get3A_1172, %mul3A_1174 : vector<16xi32>
    %get3A_1176 = arith.constant 1280 : index
    %get3A_1177 = tpu.vector_load %arg11[%get3A_1176] {strides = array<i32>} : memref<1600xi32, #tpu.memory_space<vmem>>, vector<16xi32>,
    %get3A_1178 = vector.shape_cast %get3A_1177 : vector<16xi32> to vector<16xi32>
    %add3A_1179 = arith.addi %mul3A_1175, %get3A_1178 : vector<16xi32>
    %swap3A_1180 = arith.constant 0 : index
    %swap3A_1181 = tpu.vector_load %arg14[%swap3A_1180] {strides = array<i32>} : memref<128xi32, #tpu.memory_space<vmem>>, vector<16xi32>,
    %swap3A_1182 = vector.shape_cast %swap3A_1181 : vector<16xi32> to vector<16xi32>
    %swap3A_1183 = vector.shape_cast %add3A_1179 : vector<16xi32> to vector<16xi32>
    tpu.vector_store %arg14[%swap3A_1180], %swap3A_1183 {strides = array<i32>} : memref<128xi32, #tpu.memory_space<vmem>>, vector<16xi32>,
    %get3A_1184 = arith.constant 1296 : index
    %get3A_1185 = tpu.vector_load %arg10[%get3A_1184] {strides = array<i32>} : memref<1600xi32, #tpu.memory_space<vmem>>, vector<16xi32>,
    %get3A_1186 = vector.shape_cast %get3A_1185 : vector<16xi32> to vector<16xi32>
    %mul3A_1187 = arith.constant 1000 : i32
    %mul3A_1188 = vector.broadcast %mul3A_1187 : i32 to vector<16xi32>
    %mul3A_1189 = arith.muli %get3A_1186, %mul3A_1188 : vector<16xi32>
    %get3A_1190 = arith.constant 1296 : index
    %get3A_1191 = tpu.vector_load %arg11[%get3A_1190] {strides = array<i32>} : memref<1600xi32, #tpu.memory_space<vmem>>, vector<16xi32>,
    %get3A_1192 = vector.shape_cast %get3A_1191 : vector<16xi32> to vector<16xi32>
    %add3A_1193 = arith.addi %mul3A_1189, %get3A_1192 : vector<16xi32>
    %swap3A_1194 = arith.constant 16 : index
    %swap3A_1195 = tpu.vector_load %arg14[%swap3A_1194] {strides = array<i32>} : memref<128xi32, #tpu.memory_space<vmem>>, vector<16xi32>,
    %swap3A_1196 = vector.shape_cast %swap3A_1195 : vector<16xi32> to vector<16xi32>
    %swap3A_1197 = vector.shape_cast %add3A_1193 : vector<16xi32> to vector<16xi32>
    tpu.vector_store %arg14[%swap3A_1194], %swap3A_1197 {strides = array<i32>} : memref<128xi32, #tpu.memory_space<vmem>>, vector<16xi32>,
    %get3A_1198 = arith.constant 1312 : index
    %get3A_1199 = tpu.vector_load %arg10[%get3A_1198] {strides = array<i32>} : memref<1600xi32, #tpu.memory_space<vmem>>, vector<16xi32>,
    %get3A_1200 = vector.shape_cast %get3A_1199 : vector<16xi32> to vector<16xi32>
    %mul3A_1201 = arith.constant 1000 : i32
    %mul3A_1202 = vector.broadcast %mul3A_1201 : i32 to vector<16xi32>
    %mul3A_1203 = arith.muli %get3A_1200, %mul3A_1202 : vector<16xi32>
    %get3A_1204 = arith.constant 1312 : index
    %get3A_1205 = tpu.vector_load %arg11[%get3A_1204] {strides = array<i32>} : memref<1600xi32, #tpu.memory_space<vmem>>, vector<16xi32>,
    %get3A_1206 = vector.shape_cast %get3A_1205 : vector<16xi32> to vector<16xi32>
    %add3A_1207 = arith.addi %mul3A_1203, %get3A_1206 : vector<16xi32>
    %swap3A_1208 = arith.constant 32 : index
    %swap3A_1209 = tpu.vector_load %arg14[%swap3A_1208] {strides = array<i32>} : memref<128xi32, #tpu.memory_space<vmem>>, vector<16xi32>,
    %swap3A_1210 = vector.shape_cast %swap3A_1209 : vector<16xi32> to vector<16xi32>
    %swap3A_1211 = vector.shape_cast %add3A_1207 : vector<16xi32> to vector<16xi32>
    tpu.vector_store %arg14[%swap3A_1208], %swap3A_1211 {strides = array<i32>} : memref<128xi32, #tpu.memory_space<vmem>>, vector<16xi32>,
    %get3A_1212 = arith.constant 1328 : index
    %get3A_1213 = tpu.vector_load %arg10[%get3A_1212] {strides = array<i32>} : memref<1600xi32, #tpu.memory_space<vmem>>, vector<16xi32>,
    %get3A_1214 = vector.shape_cast %get3A_1213 : vector<16xi32> to vector<16xi32>
    %mul3A_1215 = arith.constant 1000 : i32
    %mul3A_1216 = vector.broadcast %mul3A_1215 : i32 to vector<16xi32>
    %mul3A_1217 = arith.muli %get3A_1214, %mul3A_1216 : vector<16xi32>
    %get3A_1218 = arith.constant 1328 : index
    %get3A_1219 = tpu.vector_load %arg11[%get3A_1218] {strides = array<i32>} : memref<1600xi32, #tpu.memory_space<vmem>>, vector<16xi32>,
    %get3A_1220 = vector.shape_cast %get3A_1219 : vector<16xi32> to vector<16xi32>
    %add3A_1221 = arith.addi %mul3A_1217, %get3A_1220 : vector<16xi32>
    %swap3A_1222 = arith.constant 48 : index
    %swap3A_1223 = tpu.vector_load %arg14[%swap3A_1222] {strides = array<i32>} : memref<128xi32, #tpu.memory_space<vmem>>, vector<16xi32>,
    %swap3A_1224 = vector.shape_cast %swap3A_1223 : vector<16xi32> to vector<16xi32>
    %swap3A_1225 = vector.shape_cast %add3A_1221 : vector<16xi32> to vector<16xi32>
    tpu.vector_store %arg14[%swap3A_1222], %swap3A_1225 {strides = array<i32>} : memref<128xi32, #tpu.memory_space<vmem>>, vector<16xi32>,
    %get3A_1226 = arith.constant 1344 : index
    %get3A_1227 = tpu.vector_load %arg10[%get3A_1226] {strides = array<i32>} : memref<1600xi32, #tpu.memory_space<vmem>>, vector<16xi32>,
    %get3A_1228 = vector.shape_cast %get3A_1227 : vector<16xi32> to vector<16xi32>
    %mul3A_1229 = arith.constant 1000 : i32
    %mul3A_1230 = vector.broadcast %mul3A_1229 : i32 to vector<16xi32>
    %mul3A_1231 = arith.muli %get3A_1228, %mul3A_1230 : vector<16xi32>
    %get3A_1232 = arith.constant 1344 : index
    %get3A_1233 = tpu.vector_load %arg11[%get3A_1232] {strides = array<i32>} : memref<1600xi32, #tpu.memory_space<vmem>>, vector<16xi32>,
    %get3A_1234 = vector.shape_cast %get3A_1233 : vector<16xi32> to vector<16xi32>
    %add3A_1235 = arith.addi %mul3A_1231, %get3A_1234 : vector<16xi32>
    %swap3A_1236 = arith.constant 64 : index
    %swap3A_1237 = tpu.vector_load %arg14[%swap3A_1236] {strides = array<i32>} : memref<128xi32, #tpu.memory_space<vmem>>, vector<16xi32>,
    %swap3A_1238 = vector.shape_cast %swap3A_1237 : vector<16xi32> to vector<16xi32>
    %swap3A_1239 = vector.shape_cast %add3A_1235 : vector<16xi32> to vector<16xi32>
    tpu.vector_store %arg14[%swap3A_1236], %swap3A_1239 {strides = array<i32>} : memref<128xi32, #tpu.memory_space<vmem>>, vector<16xi32>,
    %get3A_1240 = arith.constant 1360 : index
    %get3A_1241 = tpu.vector_load %arg10[%get3A_1240] {strides = array<i32>} : memref<1600xi32, #tpu.memory_space<vmem>>, vector<16xi32>,
    %get3A_1242 = vector.shape_cast %get3A_1241 : vector<16xi32> to vector<16xi32>
    %mul3A_1243 = arith.constant 1000 : i32
    %mul3A_1244 = vector.broadcast %mul3A_1243 : i32 to vector<16xi32>
    %mul3A_1245 = arith.muli %get3A_1242, %mul3A_1244 : vector<16xi32>
    %get3A_1246 = arith.constant 1360 : index
    %get3A_1247 = tpu.vector_load %arg11[%get3A_1246] {strides = array<i32>} : memref<1600xi32, #tpu.memory_space<vmem>>, vector<16xi32>,
    %get3A_1248 = vector.shape_cast %get3A_1247 : vector<16xi32> to vector<16xi32>
    %add3A_1249 = arith.addi %mul3A_1245, %get3A_1248 : vector<16xi32>
    %swap3A_1250 = arith.constant 80 : index
    %swap3A_1251 = tpu.vector_load %arg14[%swap3A_1250] {strides = array<i32>} : memref<128xi32, #tpu.memory_space<vmem>>, vector<16xi32>,
    %swap3A_1252 = vector.shape_cast %swap3A_1251 : vector<16xi32> to vector<16xi32>
    %swap3A_1253 = vector.shape_cast %add3A_1249 : vector<16xi32> to vector<16xi32>
    tpu.vector_store %arg14[%swap3A_1250], %swap3A_1253 {strides = array<i32>} : memref<128xi32, #tpu.memory_space<vmem>>, vector<16xi32>,
    %get3A_1254 = arith.constant 1376 : index
    %get3A_1255 = tpu.vector_load %arg10[%get3A_1254] {strides = array<i32>} : memref<1600xi32, #tpu.memory_space<vmem>>, vector<16xi32>,
    %get3A_1256 = vector.shape_cast %get3A_1255 : vector<16xi32> to vector<16xi32>
    %mul3A_1257 = arith.constant 1000 : i32
    %mul3A_1258 = vector.broadcast %mul3A_1257 : i32 to vector<16xi32>
    %mul3A_1259 = arith.muli %get3A_1256, %mul3A_1258 : vector<16xi32>
    %get3A_1260 = arith.constant 1376 : index
    %get3A_1261 = tpu.vector_load %arg11[%get3A_1260] {strides = array<i32>} : memref<1600xi32, #tpu.memory_space<vmem>>, vector<16xi32>,
    %get3A_1262 = vector.shape_cast %get3A_1261 : vector<16xi32> to vector<16xi32>
    %add3A_1263 = arith.addi %mul3A_1259, %get3A_1262 : vector<16xi32>
    %swap3A_1264 = arith.constant 96 : index
    %swap3A_1265 = tpu.vector_load %arg14[%swap3A_1264] {strides = array<i32>} : memref<128xi32, #tpu.memory_space<vmem>>, vector<16xi32>,
    %swap3A_1266 = vector.shape_cast %swap3A_1265 : vector<16xi32> to vector<16xi32>
    %swap3A_1267 = vector.shape_cast %add3A_1263 : vector<16xi32> to vector<16xi32>
    tpu.vector_store %arg14[%swap3A_1264], %swap3A_1267 {strides = array<i32>} : memref<128xi32, #tpu.memory_space<vmem>>, vector<16xi32>,
    %get3A_1268 = arith.constant 1392 : index
    %get3A_1269 = tpu.vector_load %arg10[%get3A_1268] {strides = array<i32>} : memref<1600xi32, #tpu.memory_space<vmem>>, vector<16xi32>,
    %get3A_1270 = vector.shape_cast %get3A_1269 : vector<16xi32> to vector<16xi32>
    %mul3A_1271 = arith.constant 1000 : i32
    %mul3A_1272 = vector.broadcast %mul3A_1271 : i32 to vector<16xi32>
    %mul3A_1273 = arith.muli %get3A_1270, %mul3A_1272 : vector<16xi32>
    %get3A_1274 = arith.constant 1392 : index
    %get3A_1275 = tpu.vector_load %arg11[%get3A_1274] {strides = array<i32>} : memref<1600xi32, #tpu.memory_space<vmem>>, vector<16xi32>,
    %get3A_1276 = vector.shape_cast %get3A_1275 : vector<16xi32> to vector<16xi32>
    %add3A_1277 = arith.addi %mul3A_1273, %get3A_1276 : vector<16xi32>
    %swap3A_1278 = arith.constant 112 : index
    %swap3A_1279 = tpu.vector_load %arg14[%swap3A_1278] {strides = array<i32>} : memref<128xi32, #tpu.memory_space<vmem>>, vector<16xi32>,
    %swap3A_1280 = vector.shape_cast %swap3A_1279 : vector<16xi32> to vector<16xi32>
    %swap3A_1281 = vector.shape_cast %add3A_1277 : vector<16xi32> to vector<16xi32>
    tpu.vector_store %arg14[%swap3A_1278], %swap3A_1281 {strides = array<i32>} : memref<128xi32, #tpu.memory_space<vmem>>, vector<16xi32>,
    "tpu.region"() ({
      %run_scoped3A = tpu.sem_alloc : memref<!tpu.dma_semaphore, #tpu.memory_space<semaphore_mem>>
      %dma_start3A_1545 = arith.constant 0 : i32
      %dma_start3A_1546 = tpu.memref_slice %arg16[%dma_start3A_1545] : memref<1000000xf32, #tpu.memory_space<vmem_shared>> -> memref<1000000xf32, #tpu.memory_space<vmem_shared>>
      tpu.enqueue_indirect_dma source(%arg15 : memref<128xf32, #tpu.memory_space<vmem>>) target(%dma_start3A_1546 : memref<1000000xf32, #tpu.memory_space<vmem_shared>>) offsets(%arg14 : memref<128xi32, #tpu.memory_space<vmem>>) semaphore(%run_scoped3A : memref<!tpu.dma_semaphore, #tpu.memory_space<semaphore_mem>>) {add = true}
      %dma_wait3A_1547 = arith.constant 0 : i32
      %dma_wait3A_1548 = tpu.memref_slice %arg16[%dma_wait3A_1547] : memref<1000000xf32, #tpu.memory_space<vmem_shared>> -> memref<1000000xf32, #tpu.memory_space<vmem_shared>>
      tpu.wait_indirect_dma semaphore(%run_scoped3A : memref<!tpu.dma_semaphore, #tpu.memory_space<semaphore_mem>>) src(%arg15 : memref<128xf32, #tpu.memory_space<vmem>>) dst(%dma_wait3A_1548 : memref<1000000xf32, #tpu.memory_space<vmem_shared>>)
      tpu.yield
    }) : () -> ()
    %get3A_1282 = arith.constant 1408 : index
    %get3A_1283 = tpu.vector_load %arg10[%get3A_1282] {strides = array<i32>} : memref<1600xi32, #tpu.memory_space<vmem>>, vector<16xi32>,
    %get3A_1284 = vector.shape_cast %get3A_1283 : vector<16xi32> to vector<16xi32>
    %mul3A_1285 = arith.constant 1000 : i32
    %mul3A_1286 = vector.broadcast %mul3A_1285 : i32 to vector<16xi32>
    %mul3A_1287 = arith.muli %get3A_1284, %mul3A_1286 : vector<16xi32>
    %get3A_1288 = arith.constant 1408 : index
    %get3A_1289 = tpu.vector_load %arg11[%get3A_1288] {strides = array<i32>} : memref<1600xi32, #tpu.memory_space<vmem>>, vector<16xi32>,
    %get3A_1290 = vector.shape_cast %get3A_1289 : vector<16xi32> to vector<16xi32>
    %add3A_1291 = arith.addi %mul3A_1287, %get3A_1290 : vector<16xi32>
    %swap3A_1292 = arith.constant 0 : index
    %swap3A_1293 = tpu.vector_load %arg14[%swap3A_1292] {strides = array<i32>} : memref<128xi32, #tpu.memory_space<vmem>>, vector<16xi32>,
    %swap3A_1294 = vector.shape_cast %swap3A_1293 : vector<16xi32> to vector<16xi32>
    %swap3A_1295 = vector.shape_cast %add3A_1291 : vector<16xi32> to vector<16xi32>
    tpu.vector_store %arg14[%swap3A_1292], %swap3A_1295 {strides = array<i32>} : memref<128xi32, #tpu.memory_space<vmem>>, vector<16xi32>,
    %get3A_1296 = arith.constant 1424 : index
    %get3A_1297 = tpu.vector_load %arg10[%get3A_1296] {strides = array<i32>} : memref<1600xi32, #tpu.memory_space<vmem>>, vector<16xi32>,
    %get3A_1298 = vector.shape_cast %get3A_1297 : vector<16xi32> to vector<16xi32>
    %mul3A_1299 = arith.constant 1000 : i32
    %mul3A_1300 = vector.broadcast %mul3A_1299 : i32 to vector<16xi32>
    %mul3A_1301 = arith.muli %get3A_1298, %mul3A_1300 : vector<16xi32>
    %get3A_1302 = arith.constant 1424 : index
    %get3A_1303 = tpu.vector_load %arg11[%get3A_1302] {strides = array<i32>} : memref<1600xi32, #tpu.memory_space<vmem>>, vector<16xi32>,
    %get3A_1304 = vector.shape_cast %get3A_1303 : vector<16xi32> to vector<16xi32>
    %add3A_1305 = arith.addi %mul3A_1301, %get3A_1304 : vector<16xi32>
    %swap3A_1306 = arith.constant 16 : index
    %swap3A_1307 = tpu.vector_load %arg14[%swap3A_1306] {strides = array<i32>} : memref<128xi32, #tpu.memory_space<vmem>>, vector<16xi32>,
    %swap3A_1308 = vector.shape_cast %swap3A_1307 : vector<16xi32> to vector<16xi32>
    %swap3A_1309 = vector.shape_cast %add3A_1305 : vector<16xi32> to vector<16xi32>
    tpu.vector_store %arg14[%swap3A_1306], %swap3A_1309 {strides = array<i32>} : memref<128xi32, #tpu.memory_space<vmem>>, vector<16xi32>,
    %get3A_1310 = arith.constant 1440 : index
    %get3A_1311 = tpu.vector_load %arg10[%get3A_1310] {strides = array<i32>} : memref<1600xi32, #tpu.memory_space<vmem>>, vector<16xi32>,
    %get3A_1312 = vector.shape_cast %get3A_1311 : vector<16xi32> to vector<16xi32>
    %mul3A_1313 = arith.constant 1000 : i32
    %mul3A_1314 = vector.broadcast %mul3A_1313 : i32 to vector<16xi32>
    %mul3A_1315 = arith.muli %get3A_1312, %mul3A_1314 : vector<16xi32>
    %get3A_1316 = arith.constant 1440 : index
    %get3A_1317 = tpu.vector_load %arg11[%get3A_1316] {strides = array<i32>} : memref<1600xi32, #tpu.memory_space<vmem>>, vector<16xi32>,
    %get3A_1318 = vector.shape_cast %get3A_1317 : vector<16xi32> to vector<16xi32>
    %add3A_1319 = arith.addi %mul3A_1315, %get3A_1318 : vector<16xi32>
    %swap3A_1320 = arith.constant 32 : index
    %swap3A_1321 = tpu.vector_load %arg14[%swap3A_1320] {strides = array<i32>} : memref<128xi32, #tpu.memory_space<vmem>>, vector<16xi32>,
    %swap3A_1322 = vector.shape_cast %swap3A_1321 : vector<16xi32> to vector<16xi32>
    %swap3A_1323 = vector.shape_cast %add3A_1319 : vector<16xi32> to vector<16xi32>
    tpu.vector_store %arg14[%swap3A_1320], %swap3A_1323 {strides = array<i32>} : memref<128xi32, #tpu.memory_space<vmem>>, vector<16xi32>,
    %get3A_1324 = arith.constant 1456 : index
    %get3A_1325 = tpu.vector_load %arg10[%get3A_1324] {strides = array<i32>} : memref<1600xi32, #tpu.memory_space<vmem>>, vector<16xi32>,
    %get3A_1326 = vector.shape_cast %get3A_1325 : vector<16xi32> to vector<16xi32>
    %mul3A_1327 = arith.constant 1000 : i32
    %mul3A_1328 = vector.broadcast %mul3A_1327 : i32 to vector<16xi32>
    %mul3A_1329 = arith.muli %get3A_1326, %mul3A_1328 : vector<16xi32>
    %get3A_1330 = arith.constant 1456 : index
    %get3A_1331 = tpu.vector_load %arg11[%get3A_1330] {strides = array<i32>} : memref<1600xi32, #tpu.memory_space<vmem>>, vector<16xi32>,
    %get3A_1332 = vector.shape_cast %get3A_1331 : vector<16xi32> to vector<16xi32>
    %add3A_1333 = arith.addi %mul3A_1329, %get3A_1332 : vector<16xi32>
    %swap3A_1334 = arith.constant 48 : index
    %swap3A_1335 = tpu.vector_load %arg14[%swap3A_1334] {strides = array<i32>} : memref<128xi32, #tpu.memory_space<vmem>>, vector<16xi32>,
    %swap3A_1336 = vector.shape_cast %swap3A_1335 : vector<16xi32> to vector<16xi32>
    %swap3A_1337 = vector.shape_cast %add3A_1333 : vector<16xi32> to vector<16xi32>
    tpu.vector_store %arg14[%swap3A_1334], %swap3A_1337 {strides = array<i32>} : memref<128xi32, #tpu.memory_space<vmem>>, vector<16xi32>,
    %get3A_1338 = arith.constant 1472 : index
    %get3A_1339 = tpu.vector_load %arg10[%get3A_1338] {strides = array<i32>} : memref<1600xi32, #tpu.memory_space<vmem>>, vector<16xi32>,
    %get3A_1340 = vector.shape_cast %get3A_1339 : vector<16xi32> to vector<16xi32>
    %mul3A_1341 = arith.constant 1000 : i32
    %mul3A_1342 = vector.broadcast %mul3A_1341 : i32 to vector<16xi32>
    %mul3A_1343 = arith.muli %get3A_1340, %mul3A_1342 : vector<16xi32>
    %get3A_1344 = arith.constant 1472 : index
    %get3A_1345 = tpu.vector_load %arg11[%get3A_1344] {strides = array<i32>} : memref<1600xi32, #tpu.memory_space<vmem>>, vector<16xi32>,
    %get3A_1346 = vector.shape_cast %get3A_1345 : vector<16xi32> to vector<16xi32>
    %add3A_1347 = arith.addi %mul3A_1343, %get3A_1346 : vector<16xi32>
    %swap3A_1348 = arith.constant 64 : index
    %swap3A_1349 = tpu.vector_load %arg14[%swap3A_1348] {strides = array<i32>} : memref<128xi32, #tpu.memory_space<vmem>>, vector<16xi32>,
    %swap3A_1350 = vector.shape_cast %swap3A_1349 : vector<16xi32> to vector<16xi32>
    %swap3A_1351 = vector.shape_cast %add3A_1347 : vector<16xi32> to vector<16xi32>
    tpu.vector_store %arg14[%swap3A_1348], %swap3A_1351 {strides = array<i32>} : memref<128xi32, #tpu.memory_space<vmem>>, vector<16xi32>,
    %get3A_1352 = arith.constant 1488 : index
    %get3A_1353 = tpu.vector_load %arg10[%get3A_1352] {strides = array<i32>} : memref<1600xi32, #tpu.memory_space<vmem>>, vector<16xi32>,
    %get3A_1354 = vector.shape_cast %get3A_1353 : vector<16xi32> to vector<16xi32>
    %mul3A_1355 = arith.constant 1000 : i32
    %mul3A_1356 = vector.broadcast %mul3A_1355 : i32 to vector<16xi32>
    %mul3A_1357 = arith.muli %get3A_1354, %mul3A_1356 : vector<16xi32>
    %get3A_1358 = arith.constant 1488 : index
    %get3A_1359 = tpu.vector_load %arg11[%get3A_1358] {strides = array<i32>} : memref<1600xi32, #tpu.memory_space<vmem>>, vector<16xi32>,
    %get3A_1360 = vector.shape_cast %get3A_1359 : vector<16xi32> to vector<16xi32>
    %add3A_1361 = arith.addi %mul3A_1357, %get3A_1360 : vector<16xi32>
    %swap3A_1362 = arith.constant 80 : index
    %swap3A_1363 = tpu.vector_load %arg14[%swap3A_1362] {strides = array<i32>} : memref<128xi32, #tpu.memory_space<vmem>>, vector<16xi32>,
    %swap3A_1364 = vector.shape_cast %swap3A_1363 : vector<16xi32> to vector<16xi32>
    %swap3A_1365 = vector.shape_cast %add3A_1361 : vector<16xi32> to vector<16xi32>
    tpu.vector_store %arg14[%swap3A_1362], %swap3A_1365 {strides = array<i32>} : memref<128xi32, #tpu.memory_space<vmem>>, vector<16xi32>,
    %get3A_1366 = arith.constant 1504 : index
    %get3A_1367 = tpu.vector_load %arg10[%get3A_1366] {strides = array<i32>} : memref<1600xi32, #tpu.memory_space<vmem>>, vector<16xi32>,
    %get3A_1368 = vector.shape_cast %get3A_1367 : vector<16xi32> to vector<16xi32>
    %mul3A_1369 = arith.constant 1000 : i32
    %mul3A_1370 = vector.broadcast %mul3A_1369 : i32 to vector<16xi32>
    %mul3A_1371 = arith.muli %get3A_1368, %mul3A_1370 : vector<16xi32>
    %get3A_1372 = arith.constant 1504 : index
    %get3A_1373 = tpu.vector_load %arg11[%get3A_1372] {strides = array<i32>} : memref<1600xi32, #tpu.memory_space<vmem>>, vector<16xi32>,
    %get3A_1374 = vector.shape_cast %get3A_1373 : vector<16xi32> to vector<16xi32>
    %add3A_1375 = arith.addi %mul3A_1371, %get3A_1374 : vector<16xi32>
    %swap3A_1376 = arith.constant 96 : index
    %swap3A_1377 = tpu.vector_load %arg14[%swap3A_1376] {strides = array<i32>} : memref<128xi32, #tpu.memory_space<vmem>>, vector<16xi32>,
    %swap3A_1378 = vector.shape_cast %swap3A_1377 : vector<16xi32> to vector<16xi32>
    %swap3A_1379 = vector.shape_cast %add3A_1375 : vector<16xi32> to vector<16xi32>
    tpu.vector_store %arg14[%swap3A_1376], %swap3A_1379 {strides = array<i32>} : memref<128xi32, #tpu.memory_space<vmem>>, vector<16xi32>,
    %get3A_1380 = arith.constant 1520 : index
    %get3A_1381 = tpu.vector_load %arg10[%get3A_1380] {strides = array<i32>} : memref<1600xi32, #tpu.memory_space<vmem>>, vector<16xi32>,
    %get3A_1382 = vector.shape_cast %get3A_1381 : vector<16xi32> to vector<16xi32>
    %mul3A_1383 = arith.constant 1000 : i32
    %mul3A_1384 = vector.broadcast %mul3A_1383 : i32 to vector<16xi32>
    %mul3A_1385 = arith.muli %get3A_1382, %mul3A_1384 : vector<16xi32>
    %get3A_1386 = arith.constant 1520 : index
    %get3A_1387 = tpu.vector_load %arg11[%get3A_1386] {strides = array<i32>} : memref<1600xi32, #tpu.memory_space<vmem>>, vector<16xi32>,
    %get3A_1388 = vector.shape_cast %get3A_1387 : vector<16xi32> to vector<16xi32>
    %add3A_1389 = arith.addi %mul3A_1385, %get3A_1388 : vector<16xi32>
    %swap3A_1390 = arith.constant 112 : index
    %swap3A_1391 = tpu.vector_load %arg14[%swap3A_1390] {strides = array<i32>} : memref<128xi32, #tpu.memory_space<vmem>>, vector<16xi32>,
    %swap3A_1392 = vector.shape_cast %swap3A_1391 : vector<16xi32> to vector<16xi32>
    %swap3A_1393 = vector.shape_cast %add3A_1389 : vector<16xi32> to vector<16xi32>
    tpu.vector_store %arg14[%swap3A_1390], %swap3A_1393 {strides = array<i32>} : memref<128xi32, #tpu.memory_space<vmem>>, vector<16xi32>,
    "tpu.region"() ({
      %run_scoped3A = tpu.sem_alloc : memref<!tpu.dma_semaphore, #tpu.memory_space<semaphore_mem>>
      %dma_start3A_1545 = arith.constant 0 : i32
      %dma_start3A_1546 = tpu.memref_slice %arg16[%dma_start3A_1545] : memref<1000000xf32, #tpu.memory_space<vmem_shared>> -> memref<1000000xf32, #tpu.memory_space<vmem_shared>>
      tpu.enqueue_indirect_dma source(%arg15 : memref<128xf32, #tpu.memory_space<vmem>>) target(%dma_start3A_1546 : memref<1000000xf32, #tpu.memory_space<vmem_shared>>) offsets(%arg14 : memref<128xi32, #tpu.memory_space<vmem>>) semaphore(%run_scoped3A : memref<!tpu.dma_semaphore, #tpu.memory_space<semaphore_mem>>) {add = true}
      %dma_wait3A_1547 = arith.constant 0 : i32
      %dma_wait3A_1548 = tpu.memref_slice %arg16[%dma_wait3A_1547] : memref<1000000xf32, #tpu.memory_space<vmem_shared>> -> memref<1000000xf32, #tpu.memory_space<vmem_shared>>
      tpu.wait_indirect_dma semaphore(%run_scoped3A : memref<!tpu.dma_semaphore, #tpu.memory_space<semaphore_mem>>) src(%arg15 : memref<128xf32, #tpu.memory_space<vmem>>) dst(%dma_wait3A_1548 : memref<1000000xf32, #tpu.memory_space<vmem_shared>>)
      tpu.yield
    }) : () -> ()
    %get3A_1394 = arith.constant 1536 : index
    %get3A_1395 = tpu.vector_load %arg10[%get3A_1394] {strides = array<i32>} : memref<1600xi32, #tpu.memory_space<vmem>>, vector<16xi32>,
    %get3A_1396 = vector.shape_cast %get3A_1395 : vector<16xi32> to vector<16xi32>
    %mul3A_1397 = arith.constant 1000 : i32
    %mul3A_1398 = vector.broadcast %mul3A_1397 : i32 to vector<16xi32>
    %mul3A_1399 = arith.muli %get3A_1396, %mul3A_1398 : vector<16xi32>
    %get3A_1400 = arith.constant 1536 : index
    %get3A_1401 = tpu.vector_load %arg11[%get3A_1400] {strides = array<i32>} : memref<1600xi32, #tpu.memory_space<vmem>>, vector<16xi32>,
    %get3A_1402 = vector.shape_cast %get3A_1401 : vector<16xi32> to vector<16xi32>
    %add3A_1403 = arith.addi %mul3A_1399, %get3A_1402 : vector<16xi32>
    %swap3A_1404 = arith.constant 0 : index
    %swap3A_1405 = tpu.vector_load %arg14[%swap3A_1404] {strides = array<i32>} : memref<128xi32, #tpu.memory_space<vmem>>, vector<16xi32>,
    %swap3A_1406 = vector.shape_cast %swap3A_1405 : vector<16xi32> to vector<16xi32>
    %swap3A_1407 = vector.shape_cast %add3A_1403 : vector<16xi32> to vector<16xi32>
    tpu.vector_store %arg14[%swap3A_1404], %swap3A_1407 {strides = array<i32>} : memref<128xi32, #tpu.memory_space<vmem>>, vector<16xi32>,
    %get3A_1408 = arith.constant 1552 : index
    %get3A_1409 = tpu.vector_load %arg10[%get3A_1408] {strides = array<i32>} : memref<1600xi32, #tpu.memory_space<vmem>>, vector<16xi32>,
    %get3A_1410 = vector.shape_cast %get3A_1409 : vector<16xi32> to vector<16xi32>
    %mul3A_1411 = arith.constant 1000 : i32
    %mul3A_1412 = vector.broadcast %mul3A_1411 : i32 to vector<16xi32>
    %mul3A_1413 = arith.muli %get3A_1410, %mul3A_1412 : vector<16xi32>
    %get3A_1414 = arith.constant 1552 : index
    %get3A_1415 = tpu.vector_load %arg11[%get3A_1414] {strides = array<i32>} : memref<1600xi32, #tpu.memory_space<vmem>>, vector<16xi32>,
    %get3A_1416 = vector.shape_cast %get3A_1415 : vector<16xi32> to vector<16xi32>
    %add3A_1417 = arith.addi %mul3A_1413, %get3A_1416 : vector<16xi32>
    %swap3A_1418 = arith.constant 16 : index
    %swap3A_1419 = tpu.vector_load %arg14[%swap3A_1418] {strides = array<i32>} : memref<128xi32, #tpu.memory_space<vmem>>, vector<16xi32>,
    %swap3A_1420 = vector.shape_cast %swap3A_1419 : vector<16xi32> to vector<16xi32>
    %swap3A_1421 = vector.shape_cast %add3A_1417 : vector<16xi32> to vector<16xi32>
    tpu.vector_store %arg14[%swap3A_1418], %swap3A_1421 {strides = array<i32>} : memref<128xi32, #tpu.memory_space<vmem>>, vector<16xi32>,
    %get3A_1422 = arith.constant 1568 : index
    %get3A_1423 = tpu.vector_load %arg10[%get3A_1422] {strides = array<i32>} : memref<1600xi32, #tpu.memory_space<vmem>>, vector<16xi32>,
    %get3A_1424 = vector.shape_cast %get3A_1423 : vector<16xi32> to vector<16xi32>
    %mul3A_1425 = arith.constant 1000 : i32
    %mul3A_1426 = vector.broadcast %mul3A_1425 : i32 to vector<16xi32>
    %mul3A_1427 = arith.muli %get3A_1424, %mul3A_1426 : vector<16xi32>
    %get3A_1428 = arith.constant 1568 : index
    %get3A_1429 = tpu.vector_load %arg11[%get3A_1428] {strides = array<i32>} : memref<1600xi32, #tpu.memory_space<vmem>>, vector<16xi32>,
    %get3A_1430 = vector.shape_cast %get3A_1429 : vector<16xi32> to vector<16xi32>
    %add3A_1431 = arith.addi %mul3A_1427, %get3A_1430 : vector<16xi32>
    %swap3A_1432 = arith.constant 32 : index
    %swap3A_1433 = tpu.vector_load %arg14[%swap3A_1432] {strides = array<i32>} : memref<128xi32, #tpu.memory_space<vmem>>, vector<16xi32>,
    %swap3A_1434 = vector.shape_cast %swap3A_1433 : vector<16xi32> to vector<16xi32>
    %swap3A_1435 = vector.shape_cast %add3A_1431 : vector<16xi32> to vector<16xi32>
    tpu.vector_store %arg14[%swap3A_1432], %swap3A_1435 {strides = array<i32>} : memref<128xi32, #tpu.memory_space<vmem>>, vector<16xi32>,
    %get3A_1436 = arith.constant 1584 : index
    %get3A_1437 = tpu.vector_load %arg10[%get3A_1436] {strides = array<i32>} : memref<1600xi32, #tpu.memory_space<vmem>>, vector<16xi32>,
    %get3A_1438 = vector.shape_cast %get3A_1437 : vector<16xi32> to vector<16xi32>
    %mul3A_1439 = arith.constant 1000 : i32
    %mul3A_1440 = vector.broadcast %mul3A_1439 : i32 to vector<16xi32>
    %mul3A_1441 = arith.muli %get3A_1438, %mul3A_1440 : vector<16xi32>
    %get3A_1442 = arith.constant 1584 : index
    %get3A_1443 = tpu.vector_load %arg11[%get3A_1442] {strides = array<i32>} : memref<1600xi32, #tpu.memory_space<vmem>>, vector<16xi32>,
    %get3A_1444 = vector.shape_cast %get3A_1443 : vector<16xi32> to vector<16xi32>
    %add3A_1445 = arith.addi %mul3A_1441, %get3A_1444 : vector<16xi32>
    %swap3A_1446 = arith.constant 48 : index
    %swap3A_1447 = tpu.vector_load %arg14[%swap3A_1446] {strides = array<i32>} : memref<128xi32, #tpu.memory_space<vmem>>, vector<16xi32>,
    %swap3A_1448 = vector.shape_cast %swap3A_1447 : vector<16xi32> to vector<16xi32>
    %swap3A_1449 = vector.shape_cast %add3A_1445 : vector<16xi32> to vector<16xi32>
    tpu.vector_store %arg14[%swap3A_1446], %swap3A_1449 {strides = array<i32>} : memref<128xi32, #tpu.memory_space<vmem>>, vector<16xi32>,
    %broadcast_in_dim3A_1450 = arith.constant 0 : i32
    %broadcast_in_dim3A_1451 = vector.broadcast %broadcast_in_dim3A_1450 : i32 to vector<16xi32>
    %swap3A_1452 = arith.constant 64 : index
    %swap3A_1453 = tpu.vector_load %arg14[%swap3A_1452] {strides = array<i32>} : memref<128xi32, #tpu.memory_space<vmem>>, vector<16xi32>,
    %swap3A_1454 = vector.shape_cast %swap3A_1453 : vector<16xi32> to vector<16xi32>
    %swap3A_1455 = vector.shape_cast %broadcast_in_dim3A_1451 : vector<16xi32> to vector<16xi32>
    tpu.vector_store %arg14[%swap3A_1452], %swap3A_1455 {strides = array<i32>} : memref<128xi32, #tpu.memory_space<vmem>>, vector<16xi32>,
    %broadcast_in_dim3A_1456 = arith.constant 0.000000e+00 : f32
    %broadcast_in_dim3A_1457 = vector.broadcast %broadcast_in_dim3A_1456 : f32 to vector<16xf32>
    %swap3A_1458 = arith.constant 64 : index
    %swap3A_1459 = tpu.vector_load %arg15[%swap3A_1458] {strides = array<i32>} : memref<128xf32, #tpu.memory_space<vmem>>, vector<16xf32>,
    %swap3A_1460 = vector.shape_cast %swap3A_1459 : vector<16xf32> to vector<16xf32>
    %swap3A_1461 = vector.shape_cast %broadcast_in_dim3A_1457 : vector<16xf32> to vector<16xf32>
    tpu.vector_store %arg15[%swap3A_1458], %swap3A_1461 {strides = array<i32>} : memref<128xf32, #tpu.memory_space<vmem>>, vector<16xf32>,
    %broadcast_in_dim3A_1462 = arith.constant 0 : i32
    %broadcast_in_dim3A_1463 = vector.broadcast %broadcast_in_dim3A_1462 : i32 to vector<16xi32>
    %swap3A_1464 = arith.constant 80 : index
    %swap3A_1465 = tpu.vector_load %arg14[%swap3A_1464] {strides = array<i32>} : memref<128xi32, #tpu.memory_space<vmem>>, vector<16xi32>,
    %swap3A_1466 = vector.shape_cast %swap3A_1465 : vector<16xi32> to vector<16xi32>
    %swap3A_1467 = vector.shape_cast %broadcast_in_dim3A_1463 : vector<16xi32> to vector<16xi32>
    tpu.vector_store %arg14[%swap3A_1464], %swap3A_1467 {strides = array<i32>} : memref<128xi32, #tpu.memory_space<vmem>>, vector<16xi32>,
    %broadcast_in_dim3A_1468 = arith.constant 0.000000e+00 : f32
    %broadcast_in_dim3A_1469 = vector.broadcast %broadcast_in_dim3A_1468 : f32 to vector<16xf32>
    %swap3A_1470 = arith.constant 80 : index
    %swap3A_1471 = tpu.vector_load %arg15[%swap3A_1470] {strides = array<i32>} : memref<128xf32, #tpu.memory_space<vmem>>, vector<16xf32>,
    %swap3A_1472 = vector.shape_cast %swap3A_1471 : vector<16xf32> to vector<16xf32>
    %swap3A_1473 = vector.shape_cast %broadcast_in_dim3A_1469 : vector<16xf32> to vector<16xf32>
    tpu.vector_store %arg15[%swap3A_1470], %swap3A_1473 {strides = array<i32>} : memref<128xf32, #tpu.memory_space<vmem>>, vector<16xf32>,
    %broadcast_in_dim3A_1474 = arith.constant 0 : i32
    %broadcast_in_dim3A_1475 = vector.broadcast %broadcast_in_dim3A_1474 : i32 to vector<16xi32>
    %swap3A_1476 = arith.constant 96 : index
    %swap3A_1477 = tpu.vector_load %arg14[%swap3A_1476] {strides = array<i32>} : memref<128xi32, #tpu.memory_space<vmem>>, vector<16xi32>,
    %swap3A_1478 = vector.shape_cast %swap3A_1477 : vector<16xi32> to vector<16xi32>
    %swap3A_1479 = vector.shape_cast %broadcast_in_dim3A_1475 : vector<16xi32> to vector<16xi32>
    tpu.vector_store %arg14[%swap3A_1476], %swap3A_1479 {strides = array<i32>} : memref<128xi32, #tpu.memory_space<vmem>>, vector<16xi32>,
    %broadcast_in_dim3A_1480 = arith.constant 0.000000e+00 : f32
    %broadcast_in_dim3A_1481 = vector.broadcast %broadcast_in_dim3A_1480 : f32 to vector<16xf32>
    %swap3A_1482 = arith.constant 96 : index
    %swap3A_1483 = tpu.vector_load %arg15[%swap3A_1482] {strides = array<i32>} : memref<128xf32, #tpu.memory_space<vmem>>, vector<16xf32>,
    %swap3A_1484 = vector.shape_cast %swap3A_1483 : vector<16xf32> to vector<16xf32>
    %swap3A_1485 = vector.shape_cast %broadcast_in_dim3A_1481 : vector<16xf32> to vector<16xf32>
    tpu.vector_store %arg15[%swap3A_1482], %swap3A_1485 {strides = array<i32>} : memref<128xf32, #tpu.memory_space<vmem>>, vector<16xf32>,
    %broadcast_in_dim3A_1486 = arith.constant 0 : i32
    %broadcast_in_dim3A_1487 = vector.broadcast %broadcast_in_dim3A_1486 : i32 to vector<16xi32>
    %swap3A_1488 = arith.constant 112 : index
    %swap3A_1489 = tpu.vector_load %arg14[%swap3A_1488] {strides = array<i32>} : memref<128xi32, #tpu.memory_space<vmem>>, vector<16xi32>,
    %swap3A_1490 = vector.shape_cast %swap3A_1489 : vector<16xi32> to vector<16xi32>
    %swap3A_1491 = vector.shape_cast %broadcast_in_dim3A_1487 : vector<16xi32> to vector<16xi32>
    tpu.vector_store %arg14[%swap3A_1488], %swap3A_1491 {strides = array<i32>} : memref<128xi32, #tpu.memory_space<vmem>>, vector<16xi32>,
    %broadcast_in_dim3A_1492 = arith.constant 0.000000e+00 : f32
    %broadcast_in_dim3A_1493 = vector.broadcast %broadcast_in_dim3A_1492 : f32 to vector<16xf32>
    %swap3A_1494 = arith.constant 112 : index
    %swap3A_1495 = tpu.vector_load %arg15[%swap3A_1494] {strides = array<i32>} : memref<128xf32, #tpu.memory_space<vmem>>, vector<16xf32>,
    %swap3A_1496 = vector.shape_cast %swap3A_1495 : vector<16xf32> to vector<16xf32>
    %swap3A_1497 = vector.shape_cast %broadcast_in_dim3A_1493 : vector<16xf32> to vector<16xf32>
    tpu.vector_store %arg15[%swap3A_1494], %swap3A_1497 {strides = array<i32>} : memref<128xf32, #tpu.memory_space<vmem>>, vector<16xf32>,
    "tpu.region"() ({
      %run_scoped3A = tpu.sem_alloc : memref<!tpu.dma_semaphore, #tpu.memory_space<semaphore_mem>>
      %dma_start3A_1545 = arith.constant 0 : i32
      %dma_start3A_1546 = tpu.memref_slice %arg16[%dma_start3A_1545] : memref<1000000xf32, #tpu.memory_space<vmem_shared>> -> memref<1000000xf32, #tpu.memory_space<vmem_shared>>
      tpu.enqueue_indirect_dma source(%arg15 : memref<128xf32, #tpu.memory_space<vmem>>) target(%dma_start3A_1546 : memref<1000000xf32, #tpu.memory_space<vmem_shared>>) offsets(%arg14 : memref<128xi32, #tpu.memory_space<vmem>>) semaphore(%run_scoped3A : memref<!tpu.dma_semaphore, #tpu.memory_space<semaphore_mem>>) {add = true}
      %dma_wait3A_1547 = arith.constant 0 : i32
      %dma_wait3A_1548 = tpu.memref_slice %arg16[%dma_wait3A_1547] : memref<1000000xf32, #tpu.memory_space<vmem_shared>> -> memref<1000000xf32, #tpu.memory_space<vmem_shared>>
      tpu.wait_indirect_dma semaphore(%run_scoped3A : memref<!tpu.dma_semaphore, #tpu.memory_space<semaphore_mem>>) src(%arg15 : memref<128xf32, #tpu.memory_space<vmem>>) dst(%dma_wait3A_1548 : memref<1000000xf32, #tpu.memory_space<vmem_shared>>)
      tpu.yield
    }) : () -> ()
    %get3A_1498 = arith.constant 0 : index
    %get3A_1499 = tpu.vector_load %arg10[%get3A_1498] {strides = array<i32>} : memref<1600xi32, #tpu.memory_space<vmem>>, vector<16xi32>,
    %get3A_1500 = vector.shape_cast %get3A_1499 : vector<16xi32> to vector<16xi32>
    %swap3A_1501 = arith.constant 0 : index
    %swap3A_1502 = tpu.vector_load %arg12[%swap3A_1501] {strides = array<i32>} : memref<32xi32, #tpu.memory_space<vmem>>, vector<16xi32>,
    %swap3A_1503 = vector.shape_cast %swap3A_1502 : vector<16xi32> to vector<16xi32>
    %swap3A_1504 = vector.shape_cast %get3A_1500 : vector<16xi32> to vector<16xi32>
    tpu.vector_store %arg12[%swap3A_1501], %swap3A_1504 {strides = array<i32>} : memref<32xi32, #tpu.memory_space<vmem>>, vector<16xi32>,
    %get3A_1505 = arith.constant 16 : index
    %get3A_1506 = tpu.vector_load %arg10[%get3A_1505] {strides = array<i32>} : memref<1600xi32, #tpu.memory_space<vmem>>, vector<16xi32>,
    %get3A_1507 = vector.shape_cast %get3A_1506 : vector<16xi32> to vector<16xi32>
    %swap3A_1508 = arith.constant 16 : index
    %swap3A_1509 = tpu.vector_load %arg12[%swap3A_1508] {strides = array<i32>} : memref<32xi32, #tpu.memory_space<vmem>>, vector<16xi32>,
    %swap3A_1510 = vector.shape_cast %swap3A_1509 : vector<16xi32> to vector<16xi32>
    %swap3A_1511 = vector.shape_cast %get3A_1507 : vector<16xi32> to vector<16xi32>
    tpu.vector_store %arg12[%swap3A_1508], %swap3A_1511 {strides = array<i32>} : memref<32xi32, #tpu.memory_space<vmem>>, vector<16xi32>,
    %dma_start3A = arith.constant 0 : i32
    %dma_start3A_1512 = arith.constant 0 : i32
    %dma_start3A_1513 = tpu.memref_slice %arg2[%dma_start3A, %dma_start3A_1512] : memref<1000x1000xf32, #tpu.memory_space<hbm>> -> memref<1000x1000xf32, #tpu.memory_space<hbm>>
    tpu.enqueue_indirect_dma source(%dma_start3A_1513 : memref<1000x1000xf32, #tpu.memory_space<hbm>>) target(%arg8 : memref<32x1000xf32, #tpu.memory_space<vmem>>) offsets(%arg12 : memref<32xi32, #tpu.memory_space<vmem>>) semaphore(%arg17 : memref<!tpu.dma_semaphore, #tpu.memory_space<semaphore_mem>>)
    %get3A_1514 = arith.constant 32 : index
    %get3A_1515 = tpu.vector_load %arg10[%get3A_1514] {strides = array<i32>} : memref<1600xi32, #tpu.memory_space<vmem>>, vector<16xi32>,
    %get3A_1516 = vector.shape_cast %get3A_1515 : vector<16xi32> to vector<16xi32>
    %swap3A_1517 = arith.constant 0 : index
    %swap3A_1518 = tpu.vector_load %arg13[%swap3A_1517] {strides = array<i32>} : memref<32xi32, #tpu.memory_space<vmem>>, vector<16xi32>,
    %swap3A_1519 = vector.shape_cast %swap3A_1518 : vector<16xi32> to vector<16xi32>
    %swap3A_1520 = vector.shape_cast %get3A_1516 : vector<16xi32> to vector<16xi32>
    tpu.vector_store %arg13[%swap3A_1517], %swap3A_1520 {strides = array<i32>} : memref<32xi32, #tpu.memory_space<vmem>>, vector<16xi32>,
    %get3A_1521 = arith.constant 48 : index
    %get3A_1522 = tpu.vector_load %arg10[%get3A_1521] {strides = array<i32>} : memref<1600xi32, #tpu.memory_space<vmem>>, vector<16xi32>,
    %get3A_1523 = vector.shape_cast %get3A_1522 : vector<16xi32> to vector<16xi32>
    %swap3A_1524 = arith.constant 16 : index
    %swap3A_1525 = tpu.vector_load %arg13[%swap3A_1524] {strides = array<i32>} : memref<32xi32, #tpu.memory_space<vmem>>, vector<16xi32>,
    %swap3A_1526 = vector.shape_cast %swap3A_1525 : vector<16xi32> to vector<16xi32>
    %swap3A_1527 = vector.shape_cast %get3A_1523 : vector<16xi32> to vector<16xi32>
    tpu.vector_store %arg13[%swap3A_1524], %swap3A_1527 {strides = array<i32>} : memref<32xi32, #tpu.memory_space<vmem>>, vector<16xi32>,
    %dma_start3A_1528 = arith.constant 0 : i32
    %dma_start3A_1529 = arith.constant 0 : i32
    %dma_start3A_1530 = tpu.memref_slice %arg2[%dma_start3A_1528, %dma_start3A_1529] : memref<1000x1000xf32, #tpu.memory_space<hbm>> -> memref<1000x1000xf32, #tpu.memory_space<hbm>>
    tpu.enqueue_indirect_dma source(%dma_start3A_1530 : memref<1000x1000xf32, #tpu.memory_space<hbm>>) target(%arg9 : memref<32x1000xf32, #tpu.memory_space<vmem>>) offsets(%arg13 : memref<32xi32, #tpu.memory_space<vmem>>) semaphore(%arg18 : memref<!tpu.dma_semaphore, #tpu.memory_space<semaphore_mem>>)
    %scan3A = arith.constant 0 : i32
    %scan3A_1531 = arith.constant 25 : i32
    %scan3A_1532 = arith.addi %scan3A, %scan3A_1531 : i32
    %scan3A_1533 = arith.constant 1 : i32
    scf.for %scan3A_1545 = %scan3A to %scan3A_1532 step %scan3A_1533  : i32 {
      %mul3A_1546 = arith.constant 2 : i32
      %mul3A_1547 = arith.muli %scan3A_1545, %mul3A_1546 : i32
      %dma_wait3A_1548 = arith.constant 0 : i32
      %dma_wait3A_1549 = arith.constant 0 : i32
      %dma_wait3A_1550 = tpu.memref_slice %arg2[%dma_wait3A_1548, %dma_wait3A_1549] : memref<1000x1000xf32, #tpu.memory_space<hbm>> -> memref<1000x1000xf32, #tpu.memory_space<hbm>>
      tpu.wait_indirect_dma semaphore(%arg17 : memref<!tpu.dma_semaphore, #tpu.memory_space<semaphore_mem>>) src(%dma_wait3A_1550 : memref<1000x1000xf32, #tpu.memory_space<hbm>>) dst(%arg8 : memref<32x1000xf32, #tpu.memory_space<vmem>>)
      %scan3A_1551 = arith.constant 0 : i32
      %scan3A_1552 = arith.constant 32 : i32
      %scan3A_1553 = arith.addi %scan3A_1551, %scan3A_1552 : i32
      %scan3A_1554 = arith.constant 1 : i32
      scf.for %scan3A_1580 = %scan3A_1551 to %scan3A_1553 step %scan3A_1554  : i32 {
        %mul3A_1581 = arith.constant 32 : i32
        %mul3A_1582 = arith.muli %mul3A_1547, %mul3A_1581 : i32
        %add3A_1583 = arith.addi %mul3A_2, %mul3A_1582 : i32
        %add3A_1584 = arith.addi %add3A_1583, %scan3A_1580 : i32
        %mul3A_1585 = arith.constant 1024 : i32
        %mul3A_1586 = arith.muli %add3A_1584, %mul3A_1585 : i32
        %dma_start3A_1587 = arith.constant 0 : i32
        %dma_start3A_1588 = tpu.memref_slice %arg8[%scan3A_1580, %dma_start3A_1587] : memref<32x1000xf32, #tpu.memory_space<vmem>> -> memref<1x1000xf32, #tpu.memory_space<vmem>>
        %dma_start3A_1589 = tpu.memref_squeeze %dma_start3A_1588 : memref<1x1000xf32, #tpu.memory_space<vmem>> -> memref<1000xf32, #tpu.memory_space<vmem>>
        %dma_start3A_1590 = tpu.memref_slice %arg6[%mul3A_1586] : memref<52428800xf32, #tpu.memory_space<hbm>> -> memref<1000xf32, #tpu.memory_space<hbm>>
        %dma_start3A_1591 = tpu.memref_slice %arg6[%mul3A_1586] : memref<52428800xf32, #tpu.memory_space<hbm>> -> memref<1000xf32, #tpu.memory_space<hbm>>
        %dma_start3A_1592 = arith.constant 0 : i32
        %dma_start3A_1593 = tpu.memref_slice %arg8[%scan3A_1580, %dma_start3A_1592] : memref<32x1000xf32, #tpu.memory_space<vmem>> -> memref<1x1000xf32, #tpu.memory_space<vmem>>
        %dma_start3A_1594 = tpu.memref_squeeze %dma_start3A_1593 : memref<1x1000xf32, #tpu.memory_space<vmem>> -> memref<1000xf32, #tpu.memory_space<vmem>>
        tpu.enqueue_dma source(%dma_start3A_1594 : memref<1000xf32, #tpu.memory_space<vmem>>) target(%dma_start3A_1591 : memref<1000xf32, #tpu.memory_space<hbm>>) target_semaphore(%arg19 : memref<!tpu.dma_semaphore, #tpu.memory_space<semaphore_mem>>)
      }
      %scan3A_1555 = arith.constant 32 : i32
      %dma_wait3A_1556 = arith.constant 0 : i32
      %dma_wait3A_1557 = arith.constant 0 : i32
      %dma_wait3A_1558 = tpu.memref_slice %arg2[%dma_wait3A_1556, %dma_wait3A_1557] : memref<1000x1000xf32, #tpu.memory_space<hbm>> -> memref<1000x1000xf32, #tpu.memory_space<hbm>>
      tpu.wait_indirect_dma semaphore(%arg18 : memref<!tpu.dma_semaphore, #tpu.memory_space<semaphore_mem>>) src(%dma_wait3A_1558 : memref<1000x1000xf32, #tpu.memory_space<hbm>>) dst(%arg9 : memref<32x1000xf32, #tpu.memory_space<vmem>>)
      %add3A_1559 = arith.constant 1 : i32
      %add3A_1560 = arith.addi %mul3A_1547, %add3A_1559 : i32
      %scan3A_1561 = arith.constant 0 : i32
      %scan3A_1562 = arith.constant 32 : i32
      %scan3A_1563 = arith.addi %scan3A_1561, %scan3A_1562 : i32
      %scan3A_1564 = arith.constant 1 : i32
      scf.for %scan3A_1580 = %scan3A_1561 to %scan3A_1563 step %scan3A_1564  : i32 {
        %mul3A_1581 = arith.constant 32 : i32
        %mul3A_1582 = arith.muli %add3A_1560, %mul3A_1581 : i32
        %add3A_1583 = arith.addi %mul3A_2, %mul3A_1582 : i32
        %add3A_1584 = arith.addi %add3A_1583, %scan3A_1580 : i32
        %mul3A_1585 = arith.constant 1024 : i32
        %mul3A_1586 = arith.muli %add3A_1584, %mul3A_1585 : i32
        %dma_start3A_1587 = arith.constant 0 : i32
        %dma_start3A_1588 = tpu.memref_slice %arg9[%scan3A_1580, %dma_start3A_1587] : memref<32x1000xf32, #tpu.memory_space<vmem>> -> memref<1x1000xf32, #tpu.memory_space<vmem>>
        %dma_start3A_1589 = tpu.memref_squeeze %dma_start3A_1588 : memref<1x1000xf32, #tpu.memory_space<vmem>> -> memref<1000xf32, #tpu.memory_space<vmem>>
        %dma_start3A_1590 = tpu.memref_slice %arg6[%mul3A_1586] : memref<52428800xf32, #tpu.memory_space<hbm>> -> memref<1000xf32, #tpu.memory_space<hbm>>
        %dma_start3A_1591 = tpu.memref_slice %arg6[%mul3A_1586] : memref<52428800xf32, #tpu.memory_space<hbm>> -> memref<1000xf32, #tpu.memory_space<hbm>>
        %dma_start3A_1592 = arith.constant 0 : i32
        %dma_start3A_1593 = tpu.memref_slice %arg9[%scan3A_1580, %dma_start3A_1592] : memref<32x1000xf32, #tpu.memory_space<vmem>> -> memref<1x1000xf32, #tpu.memory_space<vmem>>
        %dma_start3A_1594 = tpu.memref_squeeze %dma_start3A_1593 : memref<1x1000xf32, #tpu.memory_space<vmem>> -> memref<1000xf32, #tpu.memory_space<vmem>>
        tpu.enqueue_dma source(%dma_start3A_1594 : memref<1000xf32, #tpu.memory_space<vmem>>) target(%dma_start3A_1591 : memref<1000xf32, #tpu.memory_space<hbm>>) target_semaphore(%arg20 : memref<!tpu.dma_semaphore, #tpu.memory_space<semaphore_mem>>)
      }
      %scan3A_1565 = arith.constant 32 : i32
      %add3A_1566 = arith.constant 2 : i32
      %add3A_1567 = arith.addi %mul3A_1547, %add3A_1566 : i32
      %lt3A_1568 = arith.constant 50 : i32
      %lt3A_1569 = arith.cmpi slt, %add3A_1567, %lt3A_1568 : i32
      %convert_element_type3A_1570 = arith.extui %lt3A_1569 : i1 to i32
      %cond3A_1571 = arith.constant 0 : i32
      %cond3A_1572 = arith.cmpi ne, %convert_element_type3A_1570, %cond3A_1571 : i32
      scf.if %cond3A_1572 {
        %dma_wait3A_1580 = arith.constant 0 : i32
        %dma_wait3A_1581 = arith.constant 0 : i32
        %dma_wait3A_1582 = tpu.memref_slice %arg2[%dma_wait3A_1580, %dma_wait3A_1581] : memref<1000x1000xf32, #tpu.memory_space<hbm>> -> memref<1000x1000xf32, #tpu.memory_space<hbm>>
        tpu.wait_indirect_dma semaphore(%arg19 : memref<!tpu.dma_semaphore, #tpu.memory_space<semaphore_mem>>) src(%dma_wait3A_1582 : memref<1000x1000xf32, #tpu.memory_space<hbm>>) dst(%arg8 : memref<32x1000xf32, #tpu.memory_space<vmem>>)
        %add3A_1583 = arith.constant 2 : i32
        %add3A_1584 = arith.addi %mul3A_1547, %add3A_1583 : i32
        %mul3A_1585 = arith.constant 32 : i32
        %mul3A_1586 = arith.muli %add3A_1584, %mul3A_1585 : i32
        %add3A_1587 = arith.constant 0 : i32
        %add3A_1588 = arith.addi %mul3A_1586, %add3A_1587 : i32
        %get3A_1589 = arith.index_cast %add3A_1588 : i32 to index
        %get3A_1590 = tpu.vector_load %arg10[%get3A_1589] {strides = array<i32>} : memref<1600xi32, #tpu.memory_space<vmem>>, vector<16xi32>,
        %get3A_1591 = vector.shape_cast %get3A_1590 : vector<16xi32> to vector<16xi32>
        %swap3A_1592 = arith.constant 0 : index
        %swap3A_1593 = tpu.vector_load %arg12[%swap3A_1592] {strides = array<i32>} : memref<32xi32, #tpu.memory_space<vmem>>, vector<16xi32>,
        %swap3A_1594 = vector.shape_cast %swap3A_1593 : vector<16xi32> to vector<16xi32>
        %swap3A_1595 = vector.shape_cast %get3A_1591 : vector<16xi32> to vector<16xi32>
        tpu.vector_store %arg12[%swap3A_1592], %swap3A_1595 {strides = array<i32>} : memref<32xi32, #tpu.memory_space<vmem>>, vector<16xi32>,
        %mul3A_1596 = arith.constant 32 : i32
        %mul3A_1597 = arith.muli %add3A_1584, %mul3A_1596 : i32
        %add3A_1598 = arith.constant 16 : i32
        %add3A_1599 = arith.addi %mul3A_1597, %add3A_1598 : i32
        %get3A_1600 = arith.index_cast %add3A_1599 : i32 to index
        %get3A_1601 = tpu.vector_load %arg10[%get3A_1600] {strides = array<i32>} : memref<1600xi32, #tpu.memory_space<vmem>>, vector<16xi32>,
        %get3A_1602 = vector.shape_cast %get3A_1601 : vector<16xi32> to vector<16xi32>
        %swap3A_1603 = arith.constant 16 : index
        %swap3A_1604 = tpu.vector_load %arg12[%swap3A_1603] {strides = array<i32>} : memref<32xi32, #tpu.memory_space<vmem>>, vector<16xi32>,
        %swap3A_1605 = vector.shape_cast %swap3A_1604 : vector<16xi32> to vector<16xi32>
        %swap3A_1606 = vector.shape_cast %get3A_1602 : vector<16xi32> to vector<16xi32>
        tpu.vector_store %arg12[%swap3A_1603], %swap3A_1606 {strides = array<i32>} : memref<32xi32, #tpu.memory_space<vmem>>, vector<16xi32>,
        %dma_start3A_1607 = arith.constant 0 : i32
        %dma_start3A_1608 = arith.constant 0 : i32
        %dma_start3A_1609 = tpu.memref_slice %arg2[%dma_start3A_1607, %dma_start3A_1608] : memref<1000x1000xf32, #tpu.memory_space<hbm>> -> memref<1000x1000xf32, #tpu.memory_space<hbm>>
        tpu.enqueue_indirect_dma source(%dma_start3A_1609 : memref<1000x1000xf32, #tpu.memory_space<hbm>>) target(%arg8 : memref<32x1000xf32, #tpu.memory_space<vmem>>) offsets(%arg12 : memref<32xi32, #tpu.memory_space<vmem>>) semaphore(%arg17 : memref<!tpu.dma_semaphore, #tpu.memory_space<semaphore_mem>>)
      } else {
      }
      %add3A_1573 = arith.constant 3 : i32
      %add3A_1574 = arith.addi %mul3A_1547, %add3A_1573 : i32
      %lt3A_1575 = arith.constant 50 : i32
      %lt3A_1576 = arith.cmpi slt, %add3A_1574, %lt3A_1575 : i32
      %convert_element_type3A_1577 = arith.extui %lt3A_1576 : i1 to i32
      %cond3A_1578 = arith.constant 0 : i32
      %cond3A_1579 = arith.cmpi ne, %convert_element_type3A_1577, %cond3A_1578 : i32
      scf.if %cond3A_1579 {
        %add3A_1580 = arith.constant 1 : i32
        %add3A_1581 = arith.addi %mul3A_1547, %add3A_1580 : i32
        %dma_wait3A_1582 = arith.constant 0 : i32
        %dma_wait3A_1583 = arith.constant 0 : i32
        %dma_wait3A_1584 = tpu.memref_slice %arg2[%dma_wait3A_1582, %dma_wait3A_1583] : memref<1000x1000xf32, #tpu.memory_space<hbm>> -> memref<1000x1000xf32, #tpu.memory_space<hbm>>
        tpu.wait_indirect_dma semaphore(%arg20 : memref<!tpu.dma_semaphore, #tpu.memory_space<semaphore_mem>>) src(%dma_wait3A_1584 : memref<1000x1000xf32, #tpu.memory_space<hbm>>) dst(%arg9 : memref<32x1000xf32, #tpu.memory_space<vmem>>)
        %add3A_1585 = arith.constant 3 : i32
        %add3A_1586 = arith.addi %mul3A_1547, %add3A_1585 : i32
        %mul3A_1587 = arith.constant 32 : i32
        %mul3A_1588 = arith.muli %add3A_1586, %mul3A_1587 : i32
        %add3A_1589 = arith.constant 0 : i32
        %add3A_1590 = arith.addi %mul3A_1588, %add3A_1589 : i32
        %get3A_1591 = arith.index_cast %add3A_1590 : i32 to index
        %get3A_1592 = tpu.vector_load %arg10[%get3A_1591] {strides = array<i32>} : memref<1600xi32, #tpu.memory_space<vmem>>, vector<16xi32>,
        %get3A_1593 = vector.shape_cast %get3A_1592 : vector<16xi32> to vector<16xi32>
        %swap3A_1594 = arith.constant 0 : index
        %swap3A_1595 = tpu.vector_load %arg13[%swap3A_1594] {strides = array<i32>} : memref<32xi32, #tpu.memory_space<vmem>>, vector<16xi32>,
        %swap3A_1596 = vector.shape_cast %swap3A_1595 : vector<16xi32> to vector<16xi32>
        %swap3A_1597 = vector.shape_cast %get3A_1593 : vector<16xi32> to vector<16xi32>
        tpu.vector_store %arg13[%swap3A_1594], %swap3A_1597 {strides = array<i32>} : memref<32xi32, #tpu.memory_space<vmem>>, vector<16xi32>,
        %mul3A_1598 = arith.constant 32 : i32
        %mul3A_1599 = arith.muli %add3A_1586, %mul3A_1598 : i32
        %add3A_1600 = arith.constant 16 : i32
        %add3A_1601 = arith.addi %mul3A_1599, %add3A_1600 : i32
        %get3A_1602 = arith.index_cast %add3A_1601 : i32 to index
        %get3A_1603 = tpu.vector_load %arg10[%get3A_1602] {strides = array<i32>} : memref<1600xi32, #tpu.memory_space<vmem>>, vector<16xi32>,
        %get3A_1604 = vector.shape_cast %get3A_1603 : vector<16xi32> to vector<16xi32>
        %swap3A_1605 = arith.constant 16 : index
        %swap3A_1606 = tpu.vector_load %arg13[%swap3A_1605] {strides = array<i32>} : memref<32xi32, #tpu.memory_space<vmem>>, vector<16xi32>,
        %swap3A_1607 = vector.shape_cast %swap3A_1606 : vector<16xi32> to vector<16xi32>
        %swap3A_1608 = vector.shape_cast %get3A_1604 : vector<16xi32> to vector<16xi32>
        tpu.vector_store %arg13[%swap3A_1605], %swap3A_1608 {strides = array<i32>} : memref<32xi32, #tpu.memory_space<vmem>>, vector<16xi32>,
        %dma_start3A_1609 = arith.constant 0 : i32
        %dma_start3A_1610 = arith.constant 0 : i32
        %dma_start3A_1611 = tpu.memref_slice %arg2[%dma_start3A_1609, %dma_start3A_1610] : memref<1000x1000xf32, #tpu.memory_space<hbm>> -> memref<1000x1000xf32, #tpu.memory_space<hbm>>
        tpu.enqueue_indirect_dma source(%dma_start3A_1611 : memref<1000x1000xf32, #tpu.memory_space<hbm>>) target(%arg9 : memref<32x1000xf32, #tpu.memory_space<vmem>>) offsets(%arg13 : memref<32xi32, #tpu.memory_space<vmem>>) semaphore(%arg18 : memref<!tpu.dma_semaphore, #tpu.memory_space<semaphore_mem>>)
      } else {
      }
    }
    %scan3A_1534 = arith.constant 25 : i32
    %dma_wait3A = arith.constant 0 : i32
    %dma_wait3A_1535 = arith.constant 0 : i32
    %dma_wait3A_1536 = tpu.memref_slice %arg2[%dma_wait3A, %dma_wait3A_1535] : memref<1000x1000xf32, #tpu.memory_space<hbm>> -> memref<1000x1000xf32, #tpu.memory_space<hbm>>
    tpu.wait_indirect_dma semaphore(%arg19 : memref<!tpu.dma_semaphore, #tpu.memory_space<semaphore_mem>>) src(%dma_wait3A_1536 : memref<1000x1000xf32, #tpu.memory_space<hbm>>) dst(%arg8 : memref<32x1000xf32, #tpu.memory_space<vmem>>)
    %dma_wait3A_1537 = arith.constant 0 : i32
    %dma_wait3A_1538 = arith.constant 0 : i32
    %dma_wait3A_1539 = tpu.memref_slice %arg2[%dma_wait3A_1537, %dma_wait3A_1538] : memref<1000x1000xf32, #tpu.memory_space<hbm>> -> memref<1000x1000xf32, #tpu.memory_space<hbm>>
    tpu.wait_indirect_dma semaphore(%arg20 : memref<!tpu.dma_semaphore, #tpu.memory_space<semaphore_mem>>) src(%dma_wait3A_1539 : memref<1000x1000xf32, #tpu.memory_space<hbm>>) dst(%arg9 : memref<32x1000xf32, #tpu.memory_space<vmem>>)
    %barrier3A_1540 = arith.constant 0 : index
    tpu.barrier barrier_id(%barrier3A_1540)
    %lt3A = arith.constant 8 : i32
    %lt3A_1541 = arith.cmpi slt, %arg1, %lt3A : i32
    %convert_element_type3A_1542 = arith.extui %lt3A_1541 : i1 to i32
    %cond3A_1543 = arith.constant 0 : i32
    %cond3A_1544 = arith.cmpi ne, %convert_element_type3A_1542, %cond3A_1543 : i32
    scf.if %cond3A_1544 {
      %mul3A_1545 = arith.constant 125000 : i32
      %mul3A_1546 = arith.muli %arg1, %mul3A_1545 : i32
      %mul3A_1547 = arith.constant 125000 : i32
      %mul3A_1548 = arith.muli %arg1, %mul3A_1547 : i32
      "tpu.region"() ({
        %run_scoped3A = tpu.sem_alloc : memref<!tpu.dma_semaphore, #tpu.memory_space<semaphore_mem>>
        %dma_start3A_1549 = tpu.memref_slice %arg7[%arg0, %mul3A_1548] : memref<2x1000000xf32, #tpu.memory_space<hbm>> -> memref<1x125000xf32, #tpu.memory_space<hbm>>
        %dma_start3A_1550 = tpu.memref_squeeze %dma_start3A_1549 : memref<1x125000xf32, #tpu.memory_space<hbm>> -> memref<125000xf32, #tpu.memory_space<hbm>>
        %dma_start3A_1551 = tpu.memref_slice %arg16[%mul3A_1546] : memref<1000000xf32, #tpu.memory_space<vmem_shared>> -> memref<125000xf32, #tpu.memory_space<vmem_shared>>
        tpu.enqueue_dma source(%dma_start3A_1551 : memref<125000xf32, #tpu.memory_space<vmem_shared>>) target(%dma_start3A_1550 : memref<125000xf32, #tpu.memory_space<hbm>>) target_semaphore(%run_scoped3A : memref<!tpu.dma_semaphore, #tpu.memory_space<semaphore_mem>>)
        %dma_wait3A_1552 = tpu.memref_slice %arg7[%arg0, %mul3A_1548] : memref<2x1000000xf32, #tpu.memory_space<hbm>> -> memref<1x125000xf32, #tpu.memory_space<hbm>>
        %dma_wait3A_1553 = tpu.memref_squeeze %dma_wait3A_1552 : memref<1x125000xf32, #tpu.memory_space<hbm>> -> memref<125000xf32, #tpu.memory_space<hbm>>
        %dma_wait3A_1554 = tpu.memref_slice %arg16[%mul3A_1546] : memref<1000000xf32, #tpu.memory_space<vmem_shared>> -> memref<125000xf32, #tpu.memory_space<vmem_shared>>
        tpu.wait_dma2 semaphore(%run_scoped3A : memref<!tpu.dma_semaphore, #tpu.memory_space<semaphore_mem>>) src(%dma_wait3A_1554 : memref<125000xf32, #tpu.memory_space<vmem_shared>>) dst(%dma_wait3A_1553 : memref<125000xf32, #tpu.memory_space<hbm>>)
        tpu.yield
      }) : () -> ()
    } else {
    }
    return
  }
}

module attributes {stable_mosaic.version = 14 : i64} {
  func.func @_relayout_body(%arg0: i32, %arg1: memref<2097152xf32, #tpu.memory_space<vmem>>, %arg2: memref<1000x2048xf32, #tpu.memory_space<vmem>>) attributes {dimension_semantics = [#tpu.dimension_semantics<arbitrary>], iteration_bounds = array<i64: 25>, scalar_prefetch = 0 : i64, scratch_operands = 0 : i64, tpu.core_type = #tpu.core_type<tc>, window_params = [{transform_indices = @transform_0, window_bounds = array<i64: 2097152>}, {transform_indices = @transform_1, window_bounds = array<i64: 1000, 2048>}]} {
    %get3A = arith.constant 0 : index
    %get3A_0 = vector.load %arg1[%get3A] : memref<2097152xf32, #tpu.memory_space<vmem>>, vector<2097152xf32>
    %reshape3A = vector.shape_cast %get3A_0 : vector<2097152xf32> to vector<2048x1024xf32>
    %transpose3A = tpu.transpose %reshape3A, [1, 0] : vector<2048x1024xf32> -> vector<1024x2048xf32>
    %slice3A = vector.extract_strided_slice %transpose3A {offsets = [0, 0], sizes = [1000, 2048], strides = [1, 1]} : vector<1024x2048xf32> to vector<1000x2048xf32>
    %swap3A = arith.constant 0 : index
    %swap3A_1 = arith.constant 0 : index
    %swap3A_2 = vector.load %arg2[%swap3A, %swap3A_1] : memref<1000x2048xf32, #tpu.memory_space<vmem>>, vector<1000x2048xf32>
    tpu.vector_store %arg2[%swap3A, %swap3A_1], %slice3A {strides = array<i32>} : memref<1000x2048xf32, #tpu.memory_space<vmem>>, vector<1000x2048xf32>,
    return
  }
  func.func @transform_0(%arg0: i32) -> i32 {
    %c0_i32 = arith.constant 0 : i32
    return %arg0 : i32
  }
  func.func @transform_1(%arg0: i32) -> (i32, i32) {
    %c0_i32 = arith.constant 0 : i32
    %c0_i32_0 = arith.constant 0 : i32
    return %c0_i32, %arg0 : i32, i32
  }
}

module attributes {stable_mosaic.version = 14 : i64} {
  func.func @_loss_body(%arg0: memref<1000x1000xf32, #tpu.memory_space<vmem>>, %arg1: memref<2000x1000xf32, #tpu.memory_space<vmem>>, %arg2: memref<1x1xf32, #tpu.memory_space<vmem>>) attributes {dimension_semantics = [], scalar_prefetch = 0 : i64, scratch_operands = 0 : i64, tpu.core_type = #tpu.core_type<tc>} {
    %get3A = arith.constant 0 : index
    %get3A_0 = arith.constant 0 : index
    %get3A_1 = vector.load %arg0[%get3A, %get3A_0] : memref<1000x1000xf32, #tpu.memory_space<vmem>>, vector<1000x1000xf32>
    %reduce_max3A = arith.constant dense<0xFF800000> : vector<1000xf32>
    %reduce_max3A_2 = vector.multi_reduction <maximumf>, %get3A_1, %reduce_max3A [1] : vector<1000x1000xf32> to vector<1000xf32>
    %broadcast_in_dim3A = vector.shape_cast %reduce_max3A_2 : vector<1000xf32> to vector<1000x1xf32>
    %sub3A = vector.broadcast %broadcast_in_dim3A : vector<1000x1xf32> to vector<1000x1000xf32>
    %sub3A_3 = arith.subf %get3A_1, %sub3A : vector<1000x1000xf32>
    %exp3A = math.exp %sub3A_3 : vector<1000x1000xf32>
    %reduce_sum3A = arith.constant dense<0.000000e+00> : vector<1000xf32>
    %reduce_sum3A_4 = vector.multi_reduction <add>, %exp3A, %reduce_sum3A [1] : vector<1000x1000xf32> to vector<1000xf32>
    %broadcast_in_dim3A_5 = vector.shape_cast %reduce_sum3A_4 : vector<1000xf32> to vector<1000x1xf32>
    %log3A = math.log %broadcast_in_dim3A_5 : vector<1000x1xf32>
    %add3A = arith.addf %broadcast_in_dim3A, %log3A : vector<1000x1xf32>
    %get3A_6 = arith.constant 0 : index
    %get3A_7 = arith.constant 0 : index
    %get3A_8 = vector.load %arg1[%get3A_6, %get3A_7] : memref<2000x1000xf32, #tpu.memory_space<vmem>>, vector<1000x1000xf32>
    %get3A_9 = arith.constant 1000 : index
    %get3A_10 = arith.constant 0 : index
    %get3A_11 = vector.load %arg1[%get3A_9, %get3A_10] : memref<2000x1000xf32, #tpu.memory_space<vmem>>, vector<1000x1000xf32>
    %add3A_12 = arith.addf %get3A_8, %get3A_11 : vector<1000x1000xf32>
    %sub3A_13 = vector.broadcast %add3A : vector<1000x1xf32> to vector<1000x1000xf32>
    %sub3A_14 = arith.subf %sub3A_13, %get3A_1 : vector<1000x1000xf32>
    %mul3A = arith.mulf %add3A_12, %sub3A_14 : vector<1000x1000xf32>
    %reduce_sum3A_15 = vector.shape_cast %mul3A : vector<1000x1000xf32> to vector<1x1000x1000xf32>
    %reduce_sum3A_16 = arith.constant dense<0.000000e+00> : vector<1xf32>
    %reduce_sum3A_17 = vector.multi_reduction <add>, %reduce_sum3A_15, %reduce_sum3A_16 [1, 2] : vector<1x1000x1000xf32> to vector<1xf32>
    %reduce_sum3A_18 = vector.shape_cast %reduce_sum3A_17 : vector<1xf32> to vector<1x1x1xf32>
    %reduce_sum3A_19 = vector.extract %reduce_sum3A_18[0, 0, 0] : f32 from vector<1x1x1xf32>
    %div3A = arith.constant 5.120000e+04 : f32
    %div3A_20 = arith.divf %reduce_sum3A_19, %div3A : f32
    %reshape3A = vector.broadcast %div3A_20 : f32 to vector<1x1xf32>
    %swap3A = arith.constant 0 : index
    %swap3A_21 = arith.constant 0 : index
    %swap3A_22 = vector.load %arg2[%swap3A, %swap3A_21] : memref<1x1xf32, #tpu.memory_space<vmem>>, vector<1x1xf32>
    tpu.vector_store %arg2[%swap3A, %swap3A_21], %reshape3A {strides = array<i32>} : memref<1x1xf32, #tpu.memory_space<vmem>>, vector<1x1xf32>,
    return
  }
}

</mosaic_0001>

<sc_bundles>
// kernel: kernel.5.cloned.1.call-start
scs
__scs_entry_jumppad:
0x0: {  	(pc) =	sbr.rel $0x88, $3  }
0x1: {  	(tag) =	ssettag $0x0;
	lr =	simm.s32 $0x1  }
0x2: {  	[smem:$0x3F9E] =	sst lr;
	_ =	strace $0xD0000000  }
0x3: {  	_ = 	snop  }
0x4: {  	_ = 	snop  }
0x5: {  	_ = 	snop  }
0x6: {  	_ = 	snop  }
0x7: {  	_ = 	snop  }
__scs_overlays_trampoline_lowered:
0x8: {  	[smem:$0x3FAD] =	sst s0  }
0x9: {  	[smem:$0x3FAE] =	sst s1  }
0xa: {  	[smem:$0x3FAF] =	sst s2  }
0xb: {  	[smem:$0x3FB0] =	sst s3  }
0xc: {  	[smem:$0x3FB1] =	sst s4  }
0xd: {  	[smem:$0x3FB2] =	sst s5  }
0xe: {  	[smem:$0x3FB3] =	sst s6  }
0xf: {  	[smem:$0x3FB4] =	sst s7  }
0x10: {  	[smem:$0x3FB5] =	sst s8  }
0x11: {  	[smem:$0x3FB6] =	sst s9;
	s0 =	simm.s32 @!p0 $0x0  }
0x12: {  	s1 =	sld [smem:$0x3F9C];
	s0 =	simm.s32 @p0 $0x1  }
0x13: {  	[smem:$0x3FB7] =	sst s0;
	s0 =	simm.s32 @!p1 $0x0  }
0x14: {  	s2 =	sld [smem:$0x3F9B];
	s0 =	simm.s32 @p1 $0x1  }
0x15: {  	[smem:$0x3FB8] =	sst s0;
	s0 =	simm.s32 @!p2 $0x0  }
0x16: {  	s3 =	sld [smem:$0x3FDB];
	s0 =	simm.s32 @p2 $0x1  }
0x17: {  	s4 =	simm.s32 $0x1BF5;
	[smem:$0x3FBA] =	sst s0  }
0x18: {  	s0 =	sld [smem:$0x3F9D];
	_ =	swait.ge [sflag:s4], $0x0  }
0x19: {  	s7 =	sld [smem:$0x3F9E]  }
0x1a: {  	s8 =	sadd.s32 $0xFFFFE003, lr  }
0x1b: {  	s9 =	sadd.s32 $0xFFFFFEF7, lr;
	s5 =	simm.s32 $0xFFFFFFFF;
	p2 =	slt.u32 s8, $0xFFFFF086  }
0x1c: {  	p1 =	slt.u32 s9, $0xF7A;
	s5 =	simm.s32 @!p2 $0x0  }
0x1d: {  	s5 =	simm.s32 @p1 $0x1;
	p0 =	seq.s32 s7, s2  }
0x1e: {  	s7 =	smul.u32 @!p0 $0xF7A, s2;
	p2 =	seq.s32 @!p0 s5, $0x0  }
0x1f: {  	s9 =	smul.u32 $0xF7A, s1;
	s8 =	simm.s32 @!p0 $0x1BF5;
	p2 =	por !p2, p0  }
0x20: {  	[sflag:s8] =	ssyncset.s32 @!p0 $0xFFFFF086;
	s6 =	sadd.s32 @!p0 s3, s7;
	s7 =	simm.s32 @!p0 $0x108  }
0x21: {  	s3 =	sadd.s32 s3, s9;
	s6 =	sadd.s32 @!p0 $0x88, s6;
	s7 =	simm.s32 @p2 $0x1082  }
0x22: {  	[simem:s7], [sflag:s8] =	dma.local @!p0 [hbm:s6], $0xF7A  }
0x23: {  	s9 =	sor.u32 $0xD0000000, s2;
	s6 =	simm.s32 $0x108;
	_ =	swait.ge @!p0 [sflag:s8], $0x0  }
0x24: {  	s3 =	sadd.s32 $0x88, s3;
	s6 =	simm.s32 @!p1 $0x1082;
	[sflag:s4] =	ssyncset.s32 $0xFFFFF086  }
0x25: {  	[simem:s6], [sflag:s4] =	dma.local [hbm:s3], $0xF7A  }
0x26: {  	[smem:$0x3F9E] =	sst s1;
	(tag) =	ssettag s2;
	_ =	strace s9  }
0x27: {  	s1 =	sld [smem:$0x3FAE]  }
0x28: {  	s2 =	sld [smem:$0x3FAF]  }
0x29: {  	s4 =	sld [smem:$0x3FB1]  }
0x2a: {  	p0 =	seq.s32 s5, $0x0;
	s5 =	sld [smem:$0x3FB2]  }
0x2b: {  	s6 =	sld [smem:$0x3FB3]  }
0x2c: {  	s7 =	sld [smem:$0x3FB4]  }
0x2d: {  	s3 =	simm.s32 $0x108;
	s8 =	sld [smem:$0x3FB5]  }
0x2e: {  	s3 =	simm.s32 @!p0 $0x1082;
	s9 =	sld [smem:$0x3FB6]  }
0x2f: {  	lr =	sadd.s32 s0, s3;
	s0 =	sld [smem:$0x3FAD]  }
0x30: {  	s3 =	sld [smem:$0x3FB0]  }
0x31: {  	[smem:$0x3FB9] =	sst s10  }
0x32: {  	s10 =	sld [smem:$0x3FB7];
	_ =	sdelay $0x3  }
0x33: {  	p0 =	seq.s32 s10, $0x1;
	s10 =	sld [smem:$0x3FB9];
	_ =	sdelay $0x3  }
0x34: {  	[smem:$0x3FB9] =	sst s10  }
0x35: {  	s10 =	sld [smem:$0x3FB8];
	_ =	sdelay $0x3  }
0x36: {  	p1 =	seq.s32 s10, $0x1;
	s10 =	sld [smem:$0x3FB9];
	_ =	sdelay $0x3  }
0x37: {  	[smem:$0x3FB9] =	sst s10  }
0x38: {  	s10 =	sld [smem:$0x3FBA]  }
0x39: {  	_ = 	snop;
	(pc) =	sbr.ind lr, $3  }
0x3a: {  	_ = 	snop  }
0x3b: {  	_ = 	snop  }
0x3c: {  	p2 =	seq.s32 s10, $0x1;
	s10 =	sld [smem:$0x3FB9]  }
0x3d: {  	_ =	shalt  }
0x3e: {  	_ =	shalt  }
0x3f: {  	_ =	shalt  }
0x40: {  	_ =	shalt  }
0x41: {  	_ =	shalt  }
0x42: {  	_ =	shalt  }
0x43: {  	_ =	shalt  }
0x44: {  	_ =	shalt  }
0x45: {  	_ =	shalt  }
0x46: {  	_ =	shalt  }
0x47: {  	_ =	shalt  }
0x48: {  	_ =	shalt  }
0x49: {  	_ =	shalt  }
0x4a: {  	_ =	shalt  }
0x4b: {  	_ =	shalt  }
0x4c: {  	_ =	shalt  }
0x4d: {  	_ =	shalt  }
0x4e: {  	_ =	shalt  }
0x4f: {  	_ =	shalt  }
0x50: {  	_ =	shalt  }
0x51: {  	_ =	shalt  }
0x52: {  	_ =	shalt  }
0x53: {  	_ =	shalt  }
0x54: {  	_ =	shalt  }
0x55: {  	_ =	shalt  }
0x56: {  	_ =	shalt  }
0x57: {  	_ =	shalt  }
0x58: {  	_ =	shalt  }
0x59: {  	_ =	shalt  }
0x5a: {  	_ =	shalt  }
0x5b: {  	_ =	shalt  }
0x5c: {  	_ =	shalt  }
0x5d: {  	_ =	shalt  }
0x5e: {  	_ =	shalt  }
0x5f: {  	_ =	shalt  }
0x60: {  	_ =	shalt  }
0x61: {  	_ =	shalt  }
0x62: {  	_ =	shalt  }
0x63: {  	_ =	shalt  }
0x64: {  	_ =	shalt  }
0x65: {  	_ =	shalt  }
0x66: {  	_ =	shalt  }
0x67: {  	_ =	shalt  }
0x68: {  	_ =	shalt  }
0x69: {  	_ =	shalt  }
0x6a: {  	_ =	shalt  }
0x6b: {  	_ =	shalt  }
0x6c: {  	_ =	shalt  }
0x6d: {  	_ =	shalt  }
0x6e: {  	_ =	shalt  }
0x6f: {  	_ =	shalt  }
0x70: {  	_ =	shalt  }
0x71: {  	_ =	shalt  }
0x72: {  	_ =	shalt  }
0x73: {  	_ =	shalt  }
0x74: {  	_ =	shalt  }
0x75: {  	_ =	shalt  }
0x76: {  	_ =	shalt  }
0x77: {  	_ =	shalt  }
0x78: {  	_ =	shalt  }
0x79: {  	_ =	shalt  }
0x7a: {  	_ =	shalt  }
0x7b: {  	_ =	shalt  }
0x7c: {  	_ =	shalt  }
0x7d: {  	_ =	shalt  }
0x7e: {  	_ =	shalt  }
0x7f: {  	_ =	shalt  }
0x80: {  	_ =	shalt  }
0x81: {  	_ =	shalt  }
0x82: {  	_ =	shalt  }
0x83: {  	_ =	shalt  }
0x84: {  	_ =	shalt  }
0x85: {  	_ =	shalt  }
0x86: {  	_ =	shalt  }
0x87: {  	_ =	shalt  }
.Lfunc_end0:
.L_simem_size_0:
called_computation_lowered:
.L_overlay_start_0:
0x88: {  	s2 =	sld [smem:$0x3FD9]  }
0x89: {  	s3 =	sld [smem:$0x3FFE];
	_ =	sdelay $0x1  }
0x8a: {  	s1 =	srdreg.scid  }
0x8b: {  	s0 =	sand.u32 $0x1, s1  }
0x8c: {  	s14 =	sshll.u32 s0, $0xA;
	s2 =	sadd.s32 s3, s2  }
0x8d: {  	s2 =	sadd.s32 s2, s14  }
0x8e: {  	[smem:$0x3FC5] =	sst s2  }
0x8f: {  	_ = 	snop  }
0x90: {  	s2 =	sld [smem:$0x3FD0];
	_ =	sdelay $0x2  }
0x91: {  	s15 =	simm.s32 $0xA;
	s4 =	simm.s32 $0x10  }
0x92: {  	[smem:s4], [sflag:s15] =	dma.local [hbm:s2], $0x1  }
0x93: {  	_ =	swait.eq [sflag:s15], $0x1  }
0x94: {  	[sflag:s15] =	ssyncset.done $0x0  }
0x95: {  	[sflag:s15] =	ssyncadd.s32 $0xFFFFFFFF  }
0x96: {  	s16 =	sld [smem:$0x10];
	(tm) =	ssettm $0x1  }
0x97: {  	s17 =	sld [smem:$0x3FFB];
	_ =	sdelay $0x3  }
0x98: {  	_ =	strace s17  }
0x99: {  	s3 =	sld [smem:$0x3FFC];
	_ =	sdelay $0x3  }
0x9a: {  	_ =	strace s3  }
0x9b: {  	s3 =	sld [smem:$0x3FFD];
	_ =	sdelay $0x3  }
0x9c: {  	_ =	strace s3  }
0x9d: {  	_ =	strace $0x8FFFFFFF  }
0x9e: {  	s18 =	sld [smem:$0x3FDB];
	_ =	sdelay $0x1  }
0x9f: {  	s19 =	simm.s32 $_scs_section_size  }
0xa0: {  	s5 =	simm.s32 $_size__tile_overlayer_lowered;
	s6 =	simm.s32 $_tile_overlayer_lowered  }
0xa1: {  	s22 =	simm.s32 $0x1BFF;
	s21 =	sshll.u32 s6, $0x1;
	s3 =	sadd.s32 s19, s18  }
0xa2: {  	s7 =	simm.s32 $0x0;
	s20 =	sshll.u32 s5, $0x1;
	s5 =	sadd.s32 s21, s3  }
0xa3: {  	[timem:s7], [sflag:s22] =	dma.local [hbm:s5], s20  }
0xa4: {  	_ =	swait.ge [sflag:s22], s20  }
0xa5: {  	s4 =	ssub.s32 $0x0, s20;
	[sflag:s22] =	ssyncset.done $0x0  }
0xa6: {  	[sflag:s22] =	ssyncadd.s32 s4;
	_ =	sdelay $0x1  }
0xa7: {  	s23 =	simm.s32 $0x1B8B  }
0xa8: {  	_ =	swait.ge [sflag:s23], $0x1  }
0xa9: {  	[sflag:s23] =	ssyncset.done $0x0  }
0xaa: {  	s25 =	simm.s32 $0x1B8E;
	s24 =	sld [smem:$0x3FFE];
	[sflag:s23] =	ssyncadd.s32 $0xFFFFFFFF  }
0xab: {  	s26 =	simm.s32 $execute0_lowered;
	[smem:$0x3FD2] =	sst s25  }
0xac: {  	s5 =	sshll.u32 s26, $0x1;
	_ =	strace $0x80000046;
	[dreg:$0x1] =	wrdreg $0xFFFFFFFF  }
0xad: {  	s28 =	simm.s32 $_size_execute0_lowered;
	s3 =	sadd.s32 s3, s5;
	[dreg:$0x0] =	wrdreg $0x0  }
0xae: {  	s5 =	sshll.u32 s28, $0x1;
	[dreg:$0x2] =	wrdreg s3  }
0xaf: {  	[dreg:$0x3] =	wrdreg s5  }
0xb0: {  	[dreg:$0x4] =	wrdreg $0xC0  }
0xb1: {  	_ =	task [dreg:s7], $0x5FFFF  }
0xb2: {  	[dreg:$0x1] =	wrdreg $0xFFFFFFFF  }
0xb3: {  	[dreg:$0x0] =	wrdreg $0x60  }
0xb4: {  	[dreg:$0x2] =	wrdreg s16  }
0xb5: {  	[dreg:$0x3] =	wrdreg s24  }
0xb6: {  	[dreg:$0x4] =	wrdreg $0x107C00  }
0xb7: {  	[dreg:$0x5] =	wrdreg $0x9  }
0xb8: {  	_ =	task.clear_ibuf [dreg:s7], $0x6FFFF;
	_ =	strace $0x90000046  }
0xb9: {  	s29 =	simm.s32 $0x9;
	_ =	strace $0x80000048  }
0xba: {  	_ =	swait.ge [sflag:s29], $0x1  }
0xbb: {  	[sflag:s29] =	ssyncadd.s32 $0xFFFFFFFF  }
0xbc: {  	_ =	strace $0x90000048  }
0xbd: {  	_ =	sfence  }
0xbe: {  	s30 =	sld [smem:$0x0];
	_ =	sdelay $0x2  }
0xbf: {  	s31 =	sshll.u32 s1, $0xD;
	s1 =	sshrl.u32 s1, $0x2  }
0xc0: {  	s3 =	sand.u32 $0x4000, s31;
	s1 =	sadd.s32 s1, s30  }
0xc1: {  	s0 =	sor.u32 s3, s0;
	s1 =	sshll.u32 s1, $0x11  }
0xc2: {  	s0 =	sor.u32 s1, s0  }
0xc3: {  	s0 =	sadd.s32 $0x8F2B, s0  }
0xc4: {  	[sflag:s0] =	ssyncadd.remote.s32 $0x1  }
0xc5: {  	_ =	sfence.sel $0xFFFF  }
0xc6: {  	[dreg:$0x0] =	wrdreg $0xFFFFFFFF;
	(pc) =	sbr.abs _section_cstart, $3  }
0xc7: {  	[dreg:$0x1] =	wrdreg $0xFFFFFFFF  }
0xc8: {  	_ =	task.clear_ibuf [dreg:s7], $0x2FFFF;
	_ =	strace $0x9FFFFFFF  }
0xc9: {  	(tm) =	ssettm $0x7FFFFFFF  }
tec
execute0_lowered:
.L_overlay_start_1:
0x0: {  	(tag) =	ssettag $0x1  }
0x1: {  	s0 =	rddreg [dreg:$0x0]  }
0x2: {  	s1 =	srdreg.scid;
	s2 =	rddreg [dreg:$0x1]  }
0x3: {  	s14 =	stileid.u32;
	s3 =	rddreg [dreg:$0x2]  }
0x4: {  	s15 =	simm.s32 $0x5;
	s17 =	simm.s32 $0x80;
	s18 =	simm.s32 $0x106C0  }
0x5: {  	s19 =	simm.s32 $0x10740;
	s20 =	simm.s32 $0x20;
	s21 =	simm.s32 $0x10680  }
0x6: {  	s22 =	simm.s32 $0x106A0;
	s28 =	simm.s32 $0x3;
	s8 =	smul.u32 $0x1E848, s14  }
0x7: {  	s29 =	simm.s32 $0x4;
	s30 =	simm.s32 $0x0;
	s10 =	smul.u32 $0xC80, s14  }
0x8: {  	s1 =	sand.u32 $0x1, s1;
	s4 =	sshll.u32 s14, $0x1;
	s25 =	smul.u32 $0x64000, s14  }
0x9: {  	s6 =	sadd.s32 $0x4000, s2;
	p0 =	sne.s32 s14, $0x0;
	s7 =	smul.u32 $0xF4240, s1  }
0xa: {  	p1 =	sgt.u32 s14, $0x7;
	s5 =	sor.u32 s1, s4;
	s12 =	smul.u32 $0x640, s1  }
0xb: {  	s4 =	simm.s32 $0x0;
	s9 =	ssub.s32 $0x2, s1;
	s1 =	smul.u32 $0x32000, s1  }
0xc: {  	s13 =	sshrl.u32 @!p0 s3, $0x3;
	s5 =	smul.u32 $0x640, s5;
	[smem:$0x7FF] =	sst s4  }
0xd: {  	s11 =	sshrl.u32 s9, $0x1;
	_ =	strace $0x80000047;
	[dreg:$0x4] =	wrdreg s6  }
0xe: {  	s6 =	sadd.s32 $0x22A00, s2;
	s7 =	sadd.s32 s8, s7;
	s23 =	ssub.s32 s9, s11  }
0xf: {  	s10 =	sadd.s32 s12, s10;
	s8 =	sadd.s32 s8, s3;
	s5 =	sshrl.u32 s5, $0x3  }
0x10: {  	s7 =	sshrl.u32 s7, $0x3;
	s26 =	sshll.u32 s10, $0x7;
	s10 =	smax.u32 s23, $0x1  }
.Ltmp0:
0x11: {  	s23 =	simm.s32 $0x7D00;
	s5 =	sadd.s32 s5, s2;
	(pc) =	sbr.rel .LBB2_1-.Ltmp0, $4  }
0x12: {  	s2 =	sadd.s32 s7, s2;
	s31 =	sadd.s32 s26, s6;
	s26 =	simm.s32 $0x2  }
0x13: {  	s24 =	sadd.s32 $0xC00, s5;
	s5 =	sadd.s32 $0x2600, s5;
	s9 =	sadd.s32 $0x662A00, s2  }
0x14: {  	s2 =	sadd.s32 s1, s25;
	s12 =	sadd.s32 $0x1000, s31;
	[dreg:$0x5] =	wrdreg s24  }
0x15: {  	v0 =	vimm.f32 $1.000000000e+00;
	v1 =	vimm.s32 $0x0;
	v2 =	vimm.f32 $0.0e+00;
	s25 =	sshrl.u32 @!p1 s8, $0x3;
	[dreg:$0x6] =	wrdreg s5;
	s24 =	simm.s32 $0x1  }
.LBB2_8:
0x16: {  	_ =	swait.ge [sflag:s29], $0x7D00  }
0x17: {  	s1 =	stileid.u32;
	[sflag:s29] =	ssyncset.done $0x0  }
0x18: {  	s30 =	sadd.s32 $0x1, s30;
	s1 =	sshll.u32 @!p1 s1, $0x6;
	[sflag:s29] =	ssyncadd.s32 $0xFFFF8300  }
0x19: {  	p2 =	sne.s32 s30, s10;
	s1 =	sor.u32 @!p1 $0x1C05, s1;
	[bflag:$0x0] =	sbarrier.arrive $0xFFFF  }
0x1a: {  	[hbm:s9], [sflag:s1] =	dma.local @!p1 [spmem:s25], $0x3D09  }
.Ltmp1:
0x1b: {  	_ = 	snop;
	(pc) =	sbr.rel @!p2 .LBB2_9-.Ltmp1, $4  }
0x1c: {  	s1 =	simm.s32 @!p1 $0x5  }
0x1d: {  	_ =	swait.ge @!p1 [sflag:s1], $0x3D09  }
0x1e: {  	[sflag:s1] =	ssyncset.done @!p1 $0x0  }
0x1f: {  	[sflag:s1] =	ssyncadd.s32 @!p1 $0xFFFFC2F7  }
.LBB2_1:
0x20: {  	s1 =	simm.s32 @!p0 $0x1C05;
	s5 =	rddreg [dreg:$0x4]  }
0x21: {  	[spmem:s13], [sflag:s1] =	dma.local @!p0 [hbm:s5], $0x1E848  }
0x22: {  	s1 =	simm.s32 @!p0 $0x5  }
0x23: {  	_ =	swait.ge @!p0 [sflag:s1], $0x1E848  }
0x24: {  	[sflag:s1] =	ssyncset.done @!p0 $0x0  }
0x25: {  	s11 =	simm.s32 $0xFA00;
	s8 =	rddreg [dreg:$0x5];
	[sflag:s1] =	ssyncadd.s32 @!p0 $0xFFFE17B8  }
0x26: {  	[tilespmem:s11], [sflag:$0x5] =	stream.linear.gather [hbm4b:s8+s4], $0x640, $0x38;
	[tilespmem:$0x1FBE8] =	vst v63  }
0x27: {  	_ =	swait.ge [sflag:s15], $0x640  }
0x28: {  	[sflag:s15] =	ssyncset.done $0x0  }
0x29: {  	s16 =	simm.s32 $0x10040;
	s14 =	rddreg [dreg:$0x6];
	[sflag:s15] =	ssyncadd.s32 $0xFFFFF9C0  }
0x2a: {  	[tilespmem:s16], [sflag:$0x5] =	stream.linear.gather [hbm4b:s14+s4], $0x640, $0x38;
	[tilespmem:$0x1FBE8] =	vst v63  }
0x2b: {  	_ =	swait.ge [sflag:s15], $0x640  }
0x2c: {  	[sflag:s15] =	ssyncset.done $0x0  }
0x2d: {  	[sflag:s15] =	ssyncadd.s32 $0xFFFFF9C0  }
0x2e: {  	[tilespmem:$0x10740] =	vst v0  }
0x2f: {  	[tilespmem:$0x10750] =	vst v0  }
0x30: {  	[tilespmem:$0x10760] =	vst v0  }
0x31: {  	[tilespmem:$0x10770] =	vst v0  }
0x32: {  	[tilespmem:$0x10780] =	vst v0  }
0x33: {  	[tilespmem:$0x10790] =	vst v0  }
0x34: {  	[tilespmem:$0x107A0] =	vst v0  }
0x35: {  	[tilespmem:$0x107B0] =	vst v0  }
0x36: {  	[bflag:$0x0] =	sbarrier.arrive $0xFFFF  }
0x37: {  	v3 =	vld [tilespmem:$0xFA00]  }
0x38: {  	v4 =	vld [tilespmem:$0x10040]  }
0x39: {  	v5 =	vld [tilespmem:$0xFA10]  }
0x3a: {  	v6 =	vld [tilespmem:$0x10050]  }
0x3b: {  	v7 =	vld [tilespmem:$0xFA20]  }
0x3c: {  	v8 =	vld [tilespmem:$0x10060]  }
0x3d: {  	v9 =	vld [tilespmem:$0xFA30]  }
0x3e: {  	v10 =	vld [tilespmem:$0x10070]  }
0x3f: {  	v11 =	vld [tilespmem:$0xFA40]  }
0x40: {  	v12 =	vld [tilespmem:$0x10080]  }
0x41: {  	v13 =	vld [tilespmem:$0xFA50]  }
0x42: {  	v14 =	vld [tilespmem:$0x10090];
	v3 =	vmul.u32 $0x3E8, v3  }
0x43: {  	v15 =	vld [tilespmem:$0xFA60];
	v5 =	vmul.u32 $0x3E8, v5  }
0x44: {  	v48 =	vld [tilespmem:$0xFA70];
	v47 =	vmul.u32 $0x3E8, v7;
	v3 =	vadd.s32 v4, v3  }
0x45: {  	v50 =	vld [tilespmem:$0x100A0];
	v49 =	vmul.u32 $0x3E8, v9;
	[tilespmem:$0x106C0] =	vst v3;
	v3 =	vadd.s32 v6, v5  }
0x46: {  	v52 =	vld [tilespmem:$0x100B0];
	v51 =	vmul.u32 $0x3E8, v11;
	[tilespmem:$0x106D0] =	vst v3;
	v3 =	vadd.s32 v8, v47  }
0x47: {  	v53 =	vmul.u32 $0x3E8, v13;
	[tilespmem:$0x106E0] =	vst v3;
	v3 =	vadd.s32 v10, v49  }
0x48: {  	v54 =	vmul.u32 $0x3E8, v15;
	[tilespmem:$0x106F0] =	vst v3;
	v3 =	vadd.s32 v12, v51  }
0x49: {  	v55 =	vmul.u32 $0x3E8, v48;
	[tilespmem:$0x10700] =	vst v3;
	v3 =	vadd.s32 v14, v53  }
0x4a: {  	[tilespmem:$0x10710] =	vst v3;
	v3 =	vadd.s32 v50, v54  }
0x4b: {  	[tilespmem:$0x10720] =	vst v3;
	v3 =	vadd.s32 v52, v55  }
0x4c: {  	[tilespmem:$0x10730] =	vst v3  }
0x4d: {  	[spmem:s3] =	stream.indirect.scatter.add.f32 [tilespmem:s19], [sflag:$0x5], $0x1, s18, s17, $0xb8;
	[tilespmem:$0x1FBE8] =	vst v63  }
0x4e: {  	_ =	swait.ge [sflag:s15], $0x80  }
0x4f: {  	[sflag:s15] =	ssyncset.done $0x0  }
0x50: {  	[sflag:s15] =	ssyncadd.s32 $0xFFFFFF80  }
0x51: {  	v3 =	vld [tilespmem:$0xFA80]  }
0x52: {  	v56 =	vld [tilespmem:$0x100C0]  }
0x53: {  	v57 =	vld [tilespmem:$0xFA90]  }
0x54: {  	v58 =	vld [tilespmem:$0x100D0]  }
0x55: {  	v59 =	vld [tilespmem:$0xFAA0]  }
0x56: {  	v60 =	vld [tilespmem:$0x100E0]  }
0x57: {  	v61 =	vld [tilespmem:$0xFAB0]  }
0x58: {  	v62 =	vld [tilespmem:$0x100F0]  }
0x59: {  	v63 =	vld [tilespmem:$0xFAC0]  }
0x5a: {  	v18 =	vld [tilespmem:$0x10100]  }
0x5b: {  	v19 =	vld [tilespmem:$0xFAD0]  }
0x5c: {  	v20 =	vld [tilespmem:$0x10110];
	v3 =	vmul.u32 $0x3E8, v3  }
0x5d: {  	v21 =	vld [tilespmem:$0xFAE0];
	v5 =	vmul.u32 $0x3E8, v57  }
0x5e: {  	v23 =	vld [tilespmem:$0xFAF0];
	v22 =	vmul.u32 $0x3E8, v59;
	v3 =	vadd.s32 v56, v3  }
0x5f: {  	v25 =	vld [tilespmem:$0x10120];
	v24 =	vmul.u32 $0x3E8, v61;
	[tilespmem:$0x106C0] =	vst v3;
	v3 =	vadd.s32 v58, v5  }
0x60: {  	v27 =	vld [tilespmem:$0x10130];
	v26 =	vmul.u32 $0x3E8, v63;
	[tilespmem:$0x106D0] =	vst v3;
	v3 =	vadd.s32 v60, v22  }
0x61: {  	v28 =	vmul.u32 $0x3E8, v19;
	[tilespmem:$0x106E0] =	vst v3;
	v3 =	vadd.s32 v62, v24  }
0x62: {  	v29 =	vmul.u32 $0x3E8, v21;
	[tilespmem:$0x106F0] =	vst v3;
	v3 =	vadd.s32 v18, v26  }
0x63: {  	v30 =	vmul.u32 $0x3E8, v23;
	[tilespmem:$0x10700] =	vst v3;
	v3 =	vadd.s32 v20, v28  }
0x64: {  	[tilespmem:$0x10710] =	vst v3;
	v3 =	vadd.s32 v25, v29  }
0x65: {  	[tilespmem:$0x10720] =	vst v3;
	v3 =	vadd.s32 v27, v30  }
0x66: {  	[tilespmem:$0x10730] =	vst v3  }
0x67: {  	[spmem:s3] =	stream.indirect.scatter.add.f32 [tilespmem:s19], [sflag:$0x5], $0x1, s18, s17, $0xb8;
	[tilespmem:$0x1FBE8] =	vst v63  }
0x68: {  	_ =	swait.ge [sflag:s15], $0x80  }
0x69: {  	[sflag:s15] =	ssyncset.done $0x0  }
0x6a: {  	[sflag:s15] =	ssyncadd.s32 $0xFFFFFF80  }
0x6b: {  	v3 =	vld [tilespmem:$0xFB00]  }
0x6c: {  	v31 =	vld [tilespmem:$0x10140]  }
0x6d: {  	v32 =	vld [tilespmem:$0xFB10]  }
0x6e: {  	v33 =	vld [tilespmem:$0x10150]  }
0x6f: {  	v34 =	vld [tilespmem:$0xFB20]  }
0x70: {  	v35 =	vld [tilespmem:$0x10160]  }
0x71: {  	v36 =	vld [tilespmem:$0xFB30]  }
0x72: {  	v37 =	vld [tilespmem:$0x10170]  }
0x73: {  	v38 =	vld [tilespmem:$0xFB40]  }
0x74: {  	v39 =	vld [tilespmem:$0x10180]  }
0x75: {  	v40 =	vld [tilespmem:$0xFB50]  }
0x76: {  	v41 =	vld [tilespmem:$0x10190];
	v3 =	vmul.u32 $0x3E8, v3  }
0x77: {  	v42 =	vld [tilespmem:$0xFB60];
	v5 =	vmul.u32 $0x3E8, v32  }
0x78: {  	v44 =	vld [tilespmem:$0xFB70];
	v43 =	vmul.u32 $0x3E8, v34;
	v3 =	vadd.s32 v31, v3  }
0x79: {  	v46 =	vld [tilespmem:$0x101A0];
	v45 =	vmul.u32 $0x3E8, v36;
	[tilespmem:$0x106C0] =	vst v3;
	v3 =	vadd.s32 v33, v5  }
0x7a: {  	v48 =	vld [tilespmem:$0x101B0];
	v47 =	vmul.u32 $0x3E8, v38;
	[tilespmem:$0x106D0] =	vst v3;
	v3 =	vadd.s32 v35, v43  }
0x7b: {  	v49 =	vmul.u32 $0x3E8, v40;
	[tilespmem:$0x106E0] =	vst v3;
	v3 =	vadd.s32 v37, v45  }
0x7c: {  	v50 =	vmul.u32 $0x3E8, v42;
	[tilespmem:$0x106F0] =	vst v3;
	v3 =	vadd.s32 v39, v47  }
0x7d: {  	v51 =	vmul.u32 $0x3E8, v44;
	[tilespmem:$0x10700] =	vst v3;
	v3 =	vadd.s32 v41, v49  }
0x7e: {  	[tilespmem:$0x10710] =	vst v3;
	v3 =	vadd.s32 v46, v50  }
0x7f: {  	[tilespmem:$0x10720] =	vst v3;
	v3 =	vadd.s32 v48, v51  }
0x80: {  	[tilespmem:$0x10730] =	vst v3  }
0x81: {  	[spmem:s3] =	stream.indirect.scatter.add.f32 [tilespmem:s19], [sflag:$0x5], $0x1, s18, s17, $0xb8;
	[tilespmem:$0x1FBE8] =	vst v63  }
0x82: {  	_ =	swait.ge [sflag:s15], $0x80  }
0x83: {  	[sflag:s15] =	ssyncset.done $0x0  }
0x84: {  	[sflag:s15] =	ssyncadd.s32 $0xFFFFFF80  }
0x85: {  	v3 =	vld [tilespmem:$0xFB80]  }
0x86: {  	v52 =	vld [tilespmem:$0x101C0]  }
0x87: {  	v53 =	vld [tilespmem:$0xFB90]  }
0x88: {  	v54 =	vld [tilespmem:$0x101D0]  }
0x89: {  	v55 =	vld [tilespmem:$0xFBA0]  }
0x8a: {  	v56 =	vld [tilespmem:$0x101E0]  }
0x8b: {  	v57 =	vld [tilespmem:$0xFBB0]  }
0x8c: {  	v58 =	vld [tilespmem:$0x101F0]  }
0x8d: {  	v59 =	vld [tilespmem:$0xFBC0]  }
0x8e: {  	v60 =	vld [tilespmem:$0x10200]  }
0x8f: {  	v61 =	vld [tilespmem:$0xFBD0]  }
0x90: {  	v62 =	vld [tilespmem:$0x10210];
	v3 =	vmul.u32 $0x3E8, v3  }
0x91: {  	v63 =	vld [tilespmem:$0xFBE0];
	v5 =	vmul.u32 $0x3E8, v53  }
0x92: {  	v17 =	vld [tilespmem:$0xFBF0];
	v16 =	vmul.u32 $0x3E8, v55;
	v3 =	vadd.s32 v52, v3  }
0x93: {  	v19 =	vld [tilespmem:$0x10220];
	v18 =	vmul.u32 $0x3E8, v57;
	[tilespmem:$0x106C0] =	vst v3;
	v3 =	vadd.s32 v54, v5  }
0x94: {  	v21 =	vld [tilespmem:$0x10230];
	v20 =	vmul.u32 $0x3E8, v59;
	[tilespmem:$0x106D0] =	vst v3;
	v3 =	vadd.s32 v56, v16  }
0x95: {  	v22 =	vmul.u32 $0x3E8, v61;
	[tilespmem:$0x106E0] =	vst v3;
	v3 =	vadd.s32 v58, v18  }
0x96: {  	v23 =	vmul.u32 $0x3E8, v63;
	[tilespmem:$0x106F0] =	vst v3;
	v3 =	vadd.s32 v60, v20  }
0x97: {  	v24 =	vmul.u32 $0x3E8, v17;
	[tilespmem:$0x10700] =	vst v3;
	v3 =	vadd.s32 v62, v22  }
0x98: {  	[tilespmem:$0x10710] =	vst v3;
	v3 =	vadd.s32 v19, v23  }
0x99: {  	[tilespmem:$0x10720] =	vst v3;
	v3 =	vadd.s32 v21, v24  }
0x9a: {  	[tilespmem:$0x10730] =	vst v3  }
0x9b: {  	[spmem:s3] =	stream.indirect.scatter.add.f32 [tilespmem:s19], [sflag:$0x5], $0x1, s18, s17, $0xb8;
	[tilespmem:$0x1FBE8] =	vst v63  }
0x9c: {  	_ =	swait.ge [sflag:s15], $0x80  }
0x9d: {  	[sflag:s15] =	ssyncset.done $0x0  }
0x9e: {  	[sflag:s15] =	ssyncadd.s32 $0xFFFFFF80  }
0x9f: {  	v3 =	vld [tilespmem:$0xFC00]  }
0xa0: {  	v25 =	vld [tilespmem:$0x10240]  }
0xa1: {  	v26 =	vld [tilespmem:$0xFC10]  }
0xa2: {  	v27 =	vld [tilespmem:$0x10250]  }
0xa3: {  	v28 =	vld [tilespmem:$0xFC20]  }
0xa4: {  	v29 =	vld [tilespmem:$0x10260]  }
0xa5: {  	v30 =	vld [tilespmem:$0xFC30]  }
0xa6: {  	v31 =	vld [tilespmem:$0x10270]  }
0xa7: {  	v32 =	vld [tilespmem:$0xFC40]  }
0xa8: {  	v33 =	vld [tilespmem:$0x10280]  }
0xa9: {  	v34 =	vld [tilespmem:$0xFC50]  }
0xaa: {  	v35 =	vld [tilespmem:$0x10290];
	v3 =	vmul.u32 $0x3E8, v3  }
0xab: {  	v36 =	vld [tilespmem:$0xFC60];
	v5 =	vmul.u32 $0x3E8, v26  }
0xac: {  	v38 =	vld [tilespmem:$0xFC70];
	v37 =	vmul.u32 $0x3E8, v28;
	v3 =	vadd.s32 v25, v3  }
0xad: {  	v40 =	vld [tilespmem:$0x102A0];
	v39 =	vmul.u32 $0x3E8, v30;
	[tilespmem:$0x106C0] =	vst v3;
	v3 =	vadd.s32 v27, v5  }
0xae: {  	v42 =	vld [tilespmem:$0x102B0];
	v41 =	vmul.u32 $0x3E8, v32;
	[tilespmem:$0x106D0] =	vst v3;
	v3 =	vadd.s32 v29, v37  }
0xaf: {  	v43 =	vmul.u32 $0x3E8, v34;
	[tilespmem:$0x106E0] =	vst v3;
	v3 =	vadd.s32 v31, v39  }
0xb0: {  	v44 =	vmul.u32 $0x3E8, v36;
	[tilespmem:$0x106F0] =	vst v3;
	v3 =	vadd.s32 v33, v41  }
0xb1: {  	v45 =	vmul.u32 $0x3E8, v38;
	[tilespmem:$0x10700] =	vst v3;
	v3 =	vadd.s32 v35, v43  }
0xb2: {  	[tilespmem:$0x10710] =	vst v3;
	v3 =	vadd.s32 v40, v44  }
0xb3: {  	[tilespmem:$0x10720] =	vst v3;
	v3 =	vadd.s32 v42, v45  }
0xb4: {  	[tilespmem:$0x10730] =	vst v3  }
0xb5: {  	[spmem:s3] =	stream.indirect.scatter.add.f32 [tilespmem:s19], [sflag:$0x5], $0x1, s18, s17, $0xb8;
	[tilespmem:$0x1FBE8] =	vst v63  }
0xb6: {  	_ =	swait.ge [sflag:s15], $0x80  }
0xb7: {  	[sflag:s15] =	ssyncset.done $0x0  }
0xb8: {  	[sflag:s15] =	ssyncadd.s32 $0xFFFFFF80  }
0xb9: {  	v3 =	vld [tilespmem:$0xFC80]  }
0xba: {  	v46 =	vld [tilespmem:$0x102C0]  }
0xbb: {  	v47 =	vld [tilespmem:$0xFC90]  }
0xbc: {  	v48 =	vld [tilespmem:$0x102D0]  }
0xbd: {  	v49 =	vld [tilespmem:$0xFCA0]  }
0xbe: {  	v50 =	vld [tilespmem:$0x102E0]  }
0xbf: {  	v51 =	vld [tilespmem:$0xFCB0]  }
0xc0: {  	v52 =	vld [tilespmem:$0x102F0]  }
0xc1: {  	v53 =	vld [tilespmem:$0xFCC0]  }
0xc2: {  	v54 =	vld [tilespmem:$0x10300]  }
0xc3: {  	v55 =	vld [tilespmem:$0xFCD0]  }
0xc4: {  	v56 =	vld [tilespmem:$0x10310];
	v3 =	vmul.u32 $0x3E8, v3  }
0xc5: {  	v57 =	vld [tilespmem:$0xFCE0];
	v5 =	vmul.u32 $0x3E8, v47  }
0xc6: {  	v59 =	vld [tilespmem:$0xFCF0];
	v58 =	vmul.u32 $0x3E8, v49;
	v3 =	vadd.s32 v46, v3  }
0xc7: {  	v61 =	vld [tilespmem:$0x10320];
	v60 =	vmul.u32 $0x3E8, v51;
	[tilespmem:$0x106C0] =	vst v3;
	v3 =	vadd.s32 v48, v5  }
0xc8: {  	v63 =	vld [tilespmem:$0x10330];
	v62 =	vmul.u32 $0x3E8, v53;
	[tilespmem:$0x106D0] =	vst v3;
	v3 =	vadd.s32 v50, v58  }
0xc9: {  	v16 =	vmul.u32 $0x3E8, v55;
	[tilespmem:$0x106E0] =	vst v3;
	v3 =	vadd.s32 v52, v60  }
0xca: {  	v17 =	vmul.u32 $0x3E8, v57;
	[tilespmem:$0x106F0] =	vst v3;
	v3 =	vadd.s32 v54, v62  }
0xcb: {  	v18 =	vmul.u32 $0x3E8, v59;
	[tilespmem:$0x10700] =	vst v3;
	v3 =	vadd.s32 v56, v16  }
0xcc: {  	[tilespmem:$0x10710] =	vst v3;
	v3 =	vadd.s32 v61, v17  }
0xcd: {  	[tilespmem:$0x10720] =	vst v3;
	v3 =	vadd.s32 v63, v18  }
0xce: {  	[tilespmem:$0x10730] =	vst v3  }
0xcf: {  	[spmem:s3] =	stream.indirect.scatter.add.f32 [tilespmem:s19], [sflag:$0x5], $0x1, s18, s17, $0xb8;
	[tilespmem:$0x1FBE8] =	vst v63  }
0xd0: {  	_ =	swait.ge [sflag:s15], $0x80  }
0xd1: {  	[sflag:s15] =	ssyncset.done $0x0  }
0xd2: {  	[sflag:s15] =	ssyncadd.s32 $0xFFFFFF80  }
0xd3: {  	v3 =	vld [tilespmem:$0xFD00]  }
0xd4: {  	v19 =	vld [tilespmem:$0x10340]  }
0xd5: {  	v20 =	vld [tilespmem:$0xFD10]  }
0xd6: {  	v21 =	vld [tilespmem:$0x10350]  }
0xd7: {  	v22 =	vld [tilespmem:$0xFD20]  }
0xd8: {  	v23 =	vld [tilespmem:$0x10360]  }
0xd9: {  	v24 =	vld [tilespmem:$0xFD30]  }
0xda: {  	v25 =	vld [tilespmem:$0x10370]  }
0xdb: {  	v26 =	vld [tilespmem:$0xFD40]  }
0xdc: {  	v27 =	vld [tilespmem:$0x10380]  }
0xdd: {  	v28 =	vld [tilespmem:$0xFD50]  }
0xde: {  	v29 =	vld [tilespmem:$0x10390];
	v3 =	vmul.u32 $0x3E8, v3  }
0xdf: {  	v30 =	vld [tilespmem:$0xFD60];
	v5 =	vmul.u32 $0x3E8, v20  }
0xe0: {  	v32 =	vld [tilespmem:$0xFD70];
	v31 =	vmul.u32 $0x3E8, v22;
	v3 =	vadd.s32 v19, v3  }
0xe1: {  	v34 =	vld [tilespmem:$0x103A0];
	v33 =	vmul.u32 $0x3E8, v24;
	[tilespmem:$0x106C0] =	vst v3;
	v3 =	vadd.s32 v21, v5  }
0xe2: {  	v36 =	vld [tilespmem:$0x103B0];
	v35 =	vmul.u32 $0x3E8, v26;
	[tilespmem:$0x106D0] =	vst v3;
	v3 =	vadd.s32 v23, v31  }
0xe3: {  	v37 =	vmul.u32 $0x3E8, v28;
	[tilespmem:$0x106E0] =	vst v3;
	v3 =	vadd.s32 v25, v33  }
0xe4: {  	v38 =	vmul.u32 $0x3E8, v30;
	[tilespmem:$0x106F0] =	vst v3;
	v3 =	vadd.s32 v27, v35  }
0xe5: {  	v39 =	vmul.u32 $0x3E8, v32;
	[tilespmem:$0x10700] =	vst v3;
	v3 =	vadd.s32 v29, v37  }
0xe6: {  	[tilespmem:$0x10710] =	vst v3;
	v3 =	vadd.s32 v34, v38  }
0xe7: {  	[tilespmem:$0x10720] =	vst v3;
	v3 =	vadd.s32 v36, v39  }
0xe8: {  	[tilespmem:$0x10730] =	vst v3  }
0xe9: {  	[spmem:s3] =	stream.indirect.scatter.add.f32 [tilespmem:s19], [sflag:$0x5], $0x1, s18, s17, $0xb8;
	[tilespmem:$0x1FBE8] =	vst v63  }
0xea: {  	_ =	swait.ge [sflag:s15], $0x80  }
0xeb: {  	[sflag:s15] =	ssyncset.done $0x0  }
0xec: {  	[sflag:s15] =	ssyncadd.s32 $0xFFFFFF80  }
0xed: {  	v3 =	vld [tilespmem:$0xFD80]  }
0xee: {  	v40 =	vld [tilespmem:$0x103C0]  }
0xef: {  	v41 =	vld [tilespmem:$0xFD90]  }
0xf0: {  	v42 =	vld [tilespmem:$0x103D0]  }
0xf1: {  	v43 =	vld [tilespmem:$0xFDA0]  }
0xf2: {  	v44 =	vld [tilespmem:$0x103E0]  }
0xf3: {  	v45 =	vld [tilespmem:$0xFDB0]  }
0xf4: {  	v46 =	vld [tilespmem:$0x103F0]  }
0xf5: {  	v47 =	vld [tilespmem:$0xFDC0]  }
0xf6: {  	v48 =	vld [tilespmem:$0x10400]  }
0xf7: {  	v49 =	vld [tilespmem:$0xFDD0]  }
0xf8: {  	v50 =	vld [tilespmem:$0x10410];
	v3 =	vmul.u32 $0x3E8, v3  }
0xf9: {  	v51 =	vld [tilespmem:$0xFDE0];
	v5 =	vmul.u32 $0x3E8, v41  }
0xfa: {  	v53 =	vld [tilespmem:$0xFDF0];
	v52 =	vmul.u32 $0x3E8, v43;
	v3 =	vadd.s32 v40, v3  }
0xfb: {  	v55 =	vld [tilespmem:$0x10420];
	v54 =	vmul.u32 $0x3E8, v45;
	[tilespmem:$0x106C0] =	vst v3;
	v3 =	vadd.s32 v42, v5  }
0xfc: {  	v57 =	vld [tilespmem:$0x10430];
	v56 =	vmul.u32 $0x3E8, v47;
	[tilespmem:$0x106D0] =	vst v3;
	v3 =	vadd.s32 v44, v52  }
0xfd: {  	v58 =	vmul.u32 $0x3E8, v49;
	[tilespmem:$0x106E0] =	vst v3;
	v3 =	vadd.s32 v46, v54  }
0xfe: {  	v59 =	vmul.u32 $0x3E8, v51;
	[tilespmem:$0x106F0] =	vst v3;
	v3 =	vadd.s32 v48, v56  }
0xff: {  	v60 =	vmul.u32 $0x3E8, v53;
	[tilespmem:$0x10700] =	vst v3;
	v3 =	vadd.s32 v50, v58  }
0x100: {  	[tilespmem:$0x10710] =	vst v3;
	v3 =	vadd.s32 v55, v59  }
0x101: {  	[tilespmem:$0x10720] =	vst v3;
	v3 =	vadd.s32 v57, v60  }
0x102: {  	[tilespmem:$0x10730] =	vst v3  }
0x103: {  	[spmem:s3] =	stream.indirect.scatter.add.f32 [tilespmem:s19], [sflag:$0x5], $0x1, s18, s17, $0xb8;
	[tilespmem:$0x1FBE8] =	vst v63  }
0x104: {  	_ =	swait.ge [sflag:s15], $0x80  }
0x105: {  	[sflag:s15] =	ssyncset.done $0x0  }
0x106: {  	[sflag:s15] =	ssyncadd.s32 $0xFFFFFF80  }
0x107: {  	v3 =	vld [tilespmem:$0xFE00]  }
0x108: {  	v61 =	vld [tilespmem:$0x10440]  }
0x109: {  	v62 =	vld [tilespmem:$0xFE10]  }
0x10a: {  	v63 =	vld [tilespmem:$0x10450]  }
0x10b: {  	v18 =	vld [tilespmem:$0xFE20]  }
0x10c: {  	v19 =	vld [tilespmem:$0x10460]  }
0x10d: {  	v20 =	vld [tilespmem:$0xFE30]  }
0x10e: {  	v21 =	vld [tilespmem:$0x10470]  }
0x10f: {  	v22 =	vld [tilespmem:$0xFE40]  }
0x110: {  	v23 =	vld [tilespmem:$0x10480]  }
0x111: {  	v24 =	vld [tilespmem:$0xFE50]  }
0x112: {  	v25 =	vld [tilespmem:$0x10490];
	v3 =	vmul.u32 $0x3E8, v3  }
0x113: {  	v26 =	vld [tilespmem:$0xFE60];
	v5 =	vmul.u32 $0x3E8, v62  }
0x114: {  	v28 =	vld [tilespmem:$0xFE70];
	v27 =	vmul.u32 $0x3E8, v18;
	v3 =	vadd.s32 v61, v3  }
0x115: {  	v30 =	vld [tilespmem:$0x104A0];
	v29 =	vmul.u32 $0x3E8, v20;
	[tilespmem:$0x106C0] =	vst v3;
	v3 =	vadd.s32 v63, v5  }
0x116: {  	v32 =	vld [tilespmem:$0x104B0];
	v31 =	vmul.u32 $0x3E8, v22;
	[tilespmem:$0x106D0] =	vst v3;
	v3 =	vadd.s32 v19, v27  }
0x117: {  	v33 =	vmul.u32 $0x3E8, v24;
	[tilespmem:$0x106E0] =	vst v3;
	v3 =	vadd.s32 v21, v29  }
0x118: {  	v34 =	vmul.u32 $0x3E8, v26;
	[tilespmem:$0x106F0] =	vst v3;
	v3 =	vadd.s32 v23, v31  }
0x119: {  	v35 =	vmul.u32 $0x3E8, v28;
	[tilespmem:$0x10700] =	vst v3;
	v3 =	vadd.s32 v25, v33  }
0x11a: {  	[tilespmem:$0x10710] =	vst v3;
	v3 =	vadd.s32 v30, v34  }
0x11b: {  	[tilespmem:$0x10720] =	vst v3;
	v3 =	vadd.s32 v32, v35  }
0x11c: {  	[tilespmem:$0x10730] =	vst v3  }
0x11d: {  	[spmem:s3] =	stream.indirect.scatter.add.f32 [tilespmem:s19], [sflag:$0x5], $0x1, s18, s17, $0xb8;
	[tilespmem:$0x1FBE8] =	vst v63  }
0x11e: {  	_ =	swait.ge [sflag:s15], $0x80  }
0x11f: {  	[sflag:s15] =	ssyncset.done $0x0  }
0x120: {  	[sflag:s15] =	ssyncadd.s32 $0xFFFFFF80  }
0x121: {  	v3 =	vld [tilespmem:$0xFE80]  }
0x122: {  	v36 =	vld [tilespmem:$0x104C0]  }
0x123: {  	v37 =	vld [tilespmem:$0xFE90]  }
0x124: {  	v38 =	vld [tilespmem:$0x104D0]  }
0x125: {  	v39 =	vld [tilespmem:$0xFEA0]  }
0x126: {  	v40 =	vld [tilespmem:$0x104E0]  }
0x127: {  	v41 =	vld [tilespmem:$0xFEB0]  }
0x128: {  	v42 =	vld [tilespmem:$0x104F0]  }
0x129: {  	v43 =	vld [tilespmem:$0xFEC0]  }
0x12a: {  	v44 =	vld [tilespmem:$0x10500]  }
0x12b: {  	v45 =	vld [tilespmem:$0xFED0]  }
0x12c: {  	v46 =	vld [tilespmem:$0x10510];
	v3 =	vmul.u32 $0x3E8, v3  }
0x12d: {  	v47 =	vld [tilespmem:$0xFEE0];
	v5 =	vmul.u32 $0x3E8, v37  }
0x12e: {  	v49 =	vld [tilespmem:$0xFEF0];
	v48 =	vmul.u32 $0x3E8, v39;
	v3 =	vadd.s32 v36, v3  }
0x12f: {  	v51 =	vld [tilespmem:$0x10520];
	v50 =	vmul.u32 $0x3E8, v41;
	[tilespmem:$0x106C0] =	vst v3;
	v3 =	vadd.s32 v38, v5  }
0x130: {  	v53 =	vld [tilespmem:$0x10530];
	v52 =	vmul.u32 $0x3E8, v43;
	[tilespmem:$0x106D0] =	vst v3;
	v3 =	vadd.s32 v40, v48  }
0x131: {  	v54 =	vmul.u32 $0x3E8, v45;
	[tilespmem:$0x106E0] =	vst v3;
	v3 =	vadd.s32 v42, v50  }
0x132: {  	v55 =	vmul.u32 $0x3E8, v47;
	[tilespmem:$0x106F0] =	vst v3;
	v3 =	vadd.s32 v44, v52  }
0x133: {  	v56 =	vmul.u32 $0x3E8, v49;
	[tilespmem:$0x10700] =	vst v3;
	v3 =	vadd.s32 v46, v54  }
0x134: {  	[tilespmem:$0x10710] =	vst v3;
	v3 =	vadd.s32 v51, v55  }
0x135: {  	[tilespmem:$0x10720] =	vst v3;
	v3 =	vadd.s32 v53, v56  }
0x136: {  	[tilespmem:$0x10730] =	vst v3  }
0x137: {  	[spmem:s3] =	stream.indirect.scatter.add.f32 [tilespmem:s19], [sflag:$0x5], $0x1, s18, s17, $0xb8;
	[tilespmem:$0x1FBE8] =	vst v63  }
0x138: {  	_ =	swait.ge [sflag:s15], $0x80  }
0x139: {  	[sflag:s15] =	ssyncset.done $0x0  }
0x13a: {  	[sflag:s15] =	ssyncadd.s32 $0xFFFFFF80  }
0x13b: {  	v3 =	vld [tilespmem:$0xFF00]  }
0x13c: {  	v57 =	vld [tilespmem:$0x10540]  }
0x13d: {  	v58 =	vld [tilespmem:$0xFF10]  }
0x13e: {  	v59 =	vld [tilespmem:$0x10550]  }
0x13f: {  	v60 =	vld [tilespmem:$0xFF20]  }
0x140: {  	v61 =	vld [tilespmem:$0x10560]  }
0x141: {  	v62 =	vld [tilespmem:$0xFF30]  }
0x142: {  	v63 =	vld [tilespmem:$0x10570]  }
0x143: {  	v18 =	vld [tilespmem:$0xFF40]  }
0x144: {  	v19 =	vld [tilespmem:$0x10580]  }
0x145: {  	v20 =	vld [tilespmem:$0xFF50]  }
0x146: {  	v21 =	vld [tilespmem:$0x10590];
	v3 =	vmul.u32 $0x3E8, v3  }
0x147: {  	v22 =	vld [tilespmem:$0xFF60];
	v5 =	vmul.u32 $0x3E8, v58  }
0x148: {  	v24 =	vld [tilespmem:$0xFF70];
	v23 =	vmul.u32 $0x3E8, v60;
	v3 =	vadd.s32 v57, v3  }
0x149: {  	v26 =	vld [tilespmem:$0x105A0];
	v25 =	vmul.u32 $0x3E8, v62;
	[tilespmem:$0x106C0] =	vst v3;
	v3 =	vadd.s32 v59, v5  }
0x14a: {  	v28 =	vld [tilespmem:$0x105B0];
	v27 =	vmul.u32 $0x3E8, v18;
	[tilespmem:$0x106D0] =	vst v3;
	v3 =	vadd.s32 v61, v23  }
0x14b: {  	v29 =	vmul.u32 $0x3E8, v20;
	[tilespmem:$0x106E0] =	vst v3;
	v3 =	vadd.s32 v63, v25  }
0x14c: {  	v30 =	vmul.u32 $0x3E8, v22;
	[tilespmem:$0x106F0] =	vst v3;
	v3 =	vadd.s32 v19, v27  }
0x14d: {  	v31 =	vmul.u32 $0x3E8, v24;
	[tilespmem:$0x10700] =	vst v3;
	v3 =	vadd.s32 v21, v29  }
0x14e: {  	[tilespmem:$0x10710] =	vst v3;
	v3 =	vadd.s32 v26, v30  }
0x14f: {  	[tilespmem:$0x10720] =	vst v3;
	v3 =	vadd.s32 v28, v31  }
0x150: {  	[tilespmem:$0x10730] =	vst v3  }
0x151: {  	[spmem:s3] =	stream.indirect.scatter.add.f32 [tilespmem:s19], [sflag:$0x5], $0x1, s18, s17, $0xb8;
	[tilespmem:$0x1FBE8] =	vst v63  }
0x152: {  	_ =	swait.ge [sflag:s15], $0x80  }
0x153: {  	[sflag:s15] =	ssyncset.done $0x0  }
0x154: {  	[sflag:s15] =	ssyncadd.s32 $0xFFFFFF80  }
0x155: {  	v3 =	vld [tilespmem:$0xFF80]  }
0x156: {  	v32 =	vld [tilespmem:$0x105C0]  }
0x157: {  	v33 =	vld [tilespmem:$0xFF90]  }
0x158: {  	v34 =	vld [tilespmem:$0x105D0]  }
0x159: {  	v35 =	vld [tilespmem:$0xFFA0]  }
0x15a: {  	v36 =	vld [tilespmem:$0x105E0]  }
0x15b: {  	v37 =	vld [tilespmem:$0xFFB0]  }
0x15c: {  	v38 =	vld [tilespmem:$0x105F0]  }
0x15d: {  	v39 =	vld [tilespmem:$0xFFC0]  }
0x15e: {  	v40 =	vld [tilespmem:$0x10600]  }
0x15f: {  	v41 =	vld [tilespmem:$0xFFD0]  }
0x160: {  	v42 =	vld [tilespmem:$0x10610];
	v3 =	vmul.u32 $0x3E8, v3  }
0x161: {  	v43 =	vld [tilespmem:$0xFFE0];
	v5 =	vmul.u32 $0x3E8, v33  }
0x162: {  	v45 =	vld [tilespmem:$0xFFF0];
	v44 =	vmul.u32 $0x3E8, v35;
	v3 =	vadd.s32 v32, v3  }
0x163: {  	v47 =	vld [tilespmem:$0x10620];
	v46 =	vmul.u32 $0x3E8, v37;
	[tilespmem:$0x106C0] =	vst v3;
	v3 =	vadd.s32 v34, v5  }
0x164: {  	v49 =	vld [tilespmem:$0x10630];
	v48 =	vmul.u32 $0x3E8, v39;
	[tilespmem:$0x106D0] =	vst v3;
	v3 =	vadd.s32 v36, v44  }
0x165: {  	v50 =	vmul.u32 $0x3E8, v41;
	[tilespmem:$0x106E0] =	vst v3;
	v3 =	vadd.s32 v38, v46  }
0x166: {  	v51 =	vmul.u32 $0x3E8, v43;
	[tilespmem:$0x106F0] =	vst v3;
	v3 =	vadd.s32 v40, v48  }
0x167: {  	v52 =	vmul.u32 $0x3E8, v45;
	[tilespmem:$0x10700] =	vst v3;
	v3 =	vadd.s32 v42, v50  }
0x168: {  	[tilespmem:$0x10710] =	vst v3;
	v3 =	vadd.s32 v47, v51  }
0x169: {  	[tilespmem:$0x10720] =	vst v3;
	v3 =	vadd.s32 v49, v52  }
0x16a: {  	[tilespmem:$0x10730] =	vst v3  }
0x16b: {  	[spmem:s3] =	stream.indirect.scatter.add.f32 [tilespmem:s19], [sflag:$0x5], $0x1, s18, s17, $0xb8;
	[tilespmem:$0x1FBE8] =	vst v63  }
0x16c: {  	_ =	swait.ge [sflag:s15], $0x80  }
0x16d: {  	[sflag:s15] =	ssyncset.done $0x0  }
0x16e: {  	[sflag:s15] =	ssyncadd.s32 $0xFFFFFF80  }
0x16f: {  	v3 =	vld [tilespmem:$0x10000]  }
0x170: {  	v53 =	vld [tilespmem:$0x10640]  }
0x171: {  	v54 =	vld [tilespmem:$0x10010];
	[tilespmem:$0x10700] =	vst v1  }
0x172: {  	v55 =	vld [tilespmem:$0x10650];
	[tilespmem:$0x10780] =	vst v2  }
0x173: {  	v56 =	vld [tilespmem:$0x10020];
	[tilespmem:$0x10710] =	vst v1  }
0x174: {  	v57 =	vld [tilespmem:$0x10030];
	[tilespmem:$0x10790] =	vst v2  }
0x175: {  	v58 =	vld [tilespmem:$0x10660];
	[tilespmem:$0x10720] =	vst v1  }
0x176: {  	v59 =	vld [tilespmem:$0x10670];
	[tilespmem:$0x107A0] =	vst v2;
	v3 =	vmul.u32 $0x3E8, v3  }
0x177: {  	[tilespmem:$0x10730] =	vst v1;
	v5 =	vmul.u32 $0x3E8, v54  }
0x178: {  	[tilespmem:$0x107B0] =	vst v2;
	v60 =	vmul.u32 $0x3E8, v56;
	v3 =	vadd.s32 v53, v3  }
0x179: {  	v61 =	vmul.u32 $0x3E8, v57;
	[tilespmem:$0x106C0] =	vst v3;
	v3 =	vadd.s32 v55, v5  }
0x17a: {  	[tilespmem:$0x106D0] =	vst v3;
	v3 =	vadd.s32 v58, v60  }
0x17b: {  	[tilespmem:$0x106E0] =	vst v3;
	v3 =	vadd.s32 v59, v61  }
0x17c: {  	[tilespmem:$0x106F0] =	vst v3  }
0x17d: {  	[spmem:s3] =	stream.indirect.scatter.add.f32 [tilespmem:s19], [sflag:$0x5], $0x1, s18, s17, $0xb8;
	[tilespmem:$0x1FBE8] =	vst v63  }
0x17e: {  	_ =	swait.ge [sflag:s15], $0x80  }
0x17f: {  	[sflag:s15] =	ssyncset.done $0x0  }
0x180: {  	[sflag:s15] =	ssyncadd.s32 $0xFFFFFF80  }
0x181: {  	v3 =	vld [tilespmem:$0xFA00]  }
0x182: {  	v62 =	vld [tilespmem:$0xFA10];
	_ =	sdelay $0x3  }
0x183: {  	[tilespmem:$0x10680] =	vst v3  }
0x184: {  	[tilespmem:$0x10690] =	vst v62  }
0x185: {  	[tilespmem:s4], [sflag:$0x1] =	stream.indirect.gather [hbm4b:s0+s20], $0x3E8, s21, s20, $0xb8;
	[tilespmem:$0x1FBE8] =	vst v63  }
0x186: {  	v3 =	vld [tilespmem:$0xFA20]  }
0x187: {  	v63 =	vld [tilespmem:$0xFA30];
	_ =	sdelay $0x3  }
0x188: {  	[tilespmem:$0x106A0] =	vst v3  }
0x189: {  	s31 =	smov.u32 s12;
	s11 =	smov.u32 s2;
	s14 =	simm.s32 $0x0;
	[tilespmem:$0x106B0] =	vst v63  }
0x18a: {  	[tilespmem:s23], [sflag:$0x2] =	stream.indirect.gather [hbm4b:s0+s20], $0x3E8, s22, s20, $0xb8;
	[tilespmem:$0x1FBE8] =	vst v63  }
.LBB2_2:
0x18b: {  	_ =	swait.ge [sflag:s24], $0x7D00;
	s1 =	sadd.s32 $0x0, s11  }
0x18c: {  	[sflag:s24] =	ssyncset.done $0x0;
	s5 =	sand.u32 $0x1FFFEF80, s1  }
0x18d: {  	s1 =	simm.s32 $0x0;
	[sflag:s24] =	ssyncadd.s32 $0xFFFF8300;
	s5 =	sadd.s32 s6, s5  }
0x18e: {  	[hbm4b:s5+s4] =	stream.linear.scatter [tilespmem:s1], [sflag:$0x3], $0x3E8, $0x38;
	[tilespmem:$0x1FBE8] =	vst v63  }
0x18f: {  	s16 =	sshll.u32 s14, $0x6;
	s5 =	simm.s32 $0x80  }
.LBB2_3:
0x190: {  	p2 =	sne.s32 s5, $0xF80  }
.Ltmp2:
0x191: {  	_ = 	snop;
	(pc) =	sbr.rel @p2 .LBB2_3-.Ltmp2, $4  }
0x192: {  	s7 =	sadd.s32 s5, s11  }
0x193: {  	s7 =	sand.u32 $0x1FFFEF80, s7  }
0x194: {  	s5 =	sadd.s32 $0x80, s5;
	s1 =	sadd.s32 $0x3E8, s1;
	s7 =	sadd.s32 s6, s7  }
0x195: {  	[hbm4b:s7+s4] =	stream.linear.scatter [tilespmem:s1], [sflag:$0x3], $0x3E8, $0x38;
	[tilespmem:$0x1FBE8] =	vst v63  }
0x196: {  	_ =	swait.ge [sflag:s26], $0x7D00  }
0x197: {  	s1 =	simm.s32 $0x7D00;
	s5 =	simm.s32 $0x80;
	[sflag:s26] =	ssyncset.done $0x0  }
0x198: {  	s8 =	sadd.s32 $0x0, s31;
	s7 =	simm.s32 $0x80E8;
	[sflag:s26] =	ssyncadd.s32 $0xFFFF8300  }
.LBB2_5:
0x199: {  	[hbm4b:s8+s4] =	stream.linear.scatter [tilespmem:s1], [sflag:$0x4], $0x3E8, $0x38;
	[tilespmem:$0x1FBE8] =	vst v63  }
0x19a: {  	s8 =	smov.u32 s5;
	s1 =	smov.u32 s7;
	p2 =	sne.s32 s5, $0xF80  }
.Ltmp3:
0x19b: {  	s5 =	sadd.s32 $0x80, s5;
	(pc) =	sbr.rel @p2 .LBB2_5-.Ltmp3, $2  }
0x19c: {  	_ =	sdelay $0x2  }
0x19d: {  	s7 =	sadd.s32 $0x3E8, s7;
	s8 =	sadd.s32 s8, s31  }
0x19e: {  	p2 =	seq.s32 s14, $0x18  }
.Ltmp4:
0x19f: {  	_ = 	snop;
	(pc) =	sbr.rel @p2 .LBB2_8-.Ltmp4, $4  }
0x1a0: {  	[hbm4b:s8+s4] =	stream.linear.scatter [tilespmem:s1], [sflag:$0x4], $0x3E8, $0x38;
	[tilespmem:$0x1FBE8] =	vst v63  }
0x1a1: {  	_ =	swait.ge [sflag:s28], $0x7D00  }
0x1a2: {  	[sflag:s28] =	ssyncset.done $0x0  }
0x1a3: {  	[sflag:s28] =	ssyncadd.s32 $0xFFFF8300  }
0x1a4: {  	v3 =	vld [tilespmem:s16+$0xFA40];
	_ =	sdelay $0x4  }
0x1a5: {  	[tilespmem:$0x10680] =	vst v3  }
0x1a6: {  	v3 =	vld [tilespmem:s16+$0xFA50];
	_ =	sdelay $0x4  }
0x1a7: {  	[tilespmem:$0x10690] =	vst v3  }
0x1a8: {  	[tilespmem:s4], [sflag:$0x1] =	stream.indirect.gather [hbm4b:s0+s20], $0x3E8, s21, s20, $0xb8;
	[tilespmem:$0x1FBE8] =	vst v63  }
0x1a9: {  	_ =	swait.ge [sflag:s29], $0x7D00  }
0x1aa: {  	[sflag:s29] =	ssyncset.done $0x0  }
0x1ab: {  	[sflag:s29] =	ssyncadd.s32 $0xFFFF8300  }
0x1ac: {  	v3 =	vld [tilespmem:s16+$0xFA60];
	_ =	sdelay $0x4  }
0x1ad: {  	[tilespmem:$0x106A0] =	vst v3  }
0x1ae: {  	v3 =	vld [tilespmem:s16+$0xFA70];
	_ =	sdelay $0x1  }
.Ltmp5:
0x1af: {  	_ = 	snop;
	(pc) =	sbr.rel .LBB2_2-.Ltmp5, $3  }
0x1b0: {  	_ =	sdelay $0x1  }
0x1b1: {  	s14 =	sadd.s32 $0x1, s14;
	s11 =	sadd.s32 $0x2000, s11;
	s31 =	sadd.s32 $0x2000, s31;
	[tilespmem:$0x106B0] =	vst v3  }
0x1b2: {  	[tilespmem:s23], [sflag:$0x2] =	stream.indirect.gather [hbm4b:s0+s20], $0x3E8, s22, s20, $0xb8;
	[tilespmem:$0x1FBE8] =	vst v63  }
.LBB2_9:
0x1b3: {  	_ =	sfence.sel $0x180000  }
0x1b4: {  	[bflag:$0x0] =	sbarrier.arrive $0xFFFF  }
0x1b5: {  	_ =	strace $0x90000047  }
0x1b6: {  	[bflag:$0x2] =	sbarrier.arrive $0xFFFF  }
0x1b7: {  	s0 =	rddreg [dreg:$0x3]  }
0x1b8: {  	s0 =	sadd.s32 @!p0 $0x100000, s0  }
0x1b9: {  	[sflag:s0] =	ssyncadd.tile.s32 @!p0 $0x1;
	_ =	shalt  }
.Lfunc_end2:
_tile_overlayer_lowered:
.L_overlay_start_2:
0x1ba: {  	(tag) =	ssettag $0x2  }
0x1bb: {  	s0 =	rddreg [dreg:$0x0];
	s2 =	stileid.u32  }
0x1bc: {  	s1 =	rddreg [dreg:$0x1];
	p0 =	sne.s32 s2, $0x0  }
0x1bd: {  	s3 =	rddreg [dreg:$0x2];
	[bflag:$0x3] =	sbarrier.arrive $0xFFFF;
	s2 =	simm.s32 @!p0 $0x1C05  }
0x1be: {  	[timem:s3], [sflag:s2] =	dma.local @!p0 [hbm:s0], s1  }
0x1bf: {  	s0 =	simm.s32 @!p0 $0x5  }
0x1c0: {  	_ =	swait.ge @!p0 [sflag:s0], s1  }
0x1c1: {  	s1 =	ssub.s32 @!p0 $0x0, s1;
	[sflag:s0] =	ssyncset.done @!p0 $0x0  }
0x1c2: {  	[sflag:s0] =	ssyncadd.s32 @!p0 s1  }
0x1c3: {  	[bflag:$0x3] =	sbarrier.arrive $0xFFFF  }
0x1c4: {  	_ =	shalt  }

</sc_bundles>
